<compile_context>
chip_gen: v7x
topology: tpu7x:2x2x1
jax: 0.10.2.dev20260603
libtpu: 0.0.44.dev20260713+nightly
codegen_flags: <defaults>
</compile_context>

<pallas_src>
import functools

import jax
import jax.numpy as jnp
from jax import lax
from jax.experimental import pallas as pl
from jax.experimental.pallas import tpu as pltpu
from jax.experimental.pallas import tpu_sc as plsc

D = 16
B = 16384
SRW = 128
RPS = SRW // D

NC = 2
NS = 16
L = 16
NW = NC * NS
BPW = B // NW
CHUNK = 128
NCHUNKS = BPW // CHUNK
GPC = CHUNK // L

_BITREV = (0, 8, 4, 12, 2, 10, 6, 14, 1, 9, 5, 13, 3, 11, 7, 15)


def _perm(x, idx):
    return x.at[idx].get(mode="promise_in_bounds")


def _sc_kernel(su_u_hbm, su_i_hbm, lo_u_hbm, lo_i_hbm, users_hbm,
               u0, v0, u1, v1, u2, v2, w0t, w1t, w2t,
               out_hbm,
               su_u_v, su_i_v, lo_u_v, lo_i_v, users_v,
               w0_v, w1_v, w2_v,
               ub0, vb0, ub1, vb1, ub2, vb2, out_v, sem, wsem):
    wid = lax.axis_index("s") * NC + lax.axis_index("c")
    base = wid * BPW

    pltpu.sync_copy(su_u_hbm.at[pl.ds(base, BPW)], su_u_v)
    pltpu.sync_copy(su_i_hbm.at[pl.ds(base, BPW)], su_i_v)
    pltpu.sync_copy(lo_u_hbm.at[pl.ds(base, BPW)], lo_u_v)
    pltpu.sync_copy(lo_i_hbm.at[pl.ds(base, BPW)], lo_i_v)
    pltpu.sync_copy(users_hbm.at[pl.ds(base, BPW)], users_v)

    wc0 = pltpu.async_copy(w0t.at[users_v], w0_v, wsem)
    wc1 = pltpu.async_copy(w1t.at[users_v], w1_v, wsem)
    wc2 = pltpu.async_copy(w2t.at[users_v], w2_v, wsem)

    lanes = lax.iota(jnp.int32, L)

    def chunk_body(c, carry):
        cb = c * CHUNK
        copies = [
            pltpu.async_copy(u0.at[su_u_v.at[pl.ds(cb, CHUNK)]], ub0, sem),
            pltpu.async_copy(v0.at[su_i_v.at[pl.ds(cb, CHUNK)]], vb0, sem),
            pltpu.async_copy(u1.at[su_u_v.at[pl.ds(cb, CHUNK)]], ub1, sem),
            pltpu.async_copy(v1.at[su_i_v.at[pl.ds(cb, CHUNK)]], vb1, sem),
            pltpu.async_copy(u2.at[su_u_v.at[pl.ds(cb, CHUNK)]], ub2, sem),
            pltpu.async_copy(v2.at[su_i_v.at[pl.ds(cb, CHUNK)]], vb2, sem),
        ]
        for cp in copies:
            cp.wait()

        def group(g, gcarry):
            p0 = cb + g * L
            num = jnp.zeros((L,), jnp.float32)
            den = jnp.zeros((L,), jnp.float32)
            lo_u16 = lo_u_v[pl.ds(p0, L)]
            lo_i16 = lo_i_v[pl.ds(p0, L)]
            urows = []
            virows = []
            for j in _BITREV:
                pj = g * L + j
                urows.append((pj, lo_u16[j]))
                virows.append((pj, lo_i16[j]))
            for ub, vb, wv in ((ub0, vb0, w0_v), (ub1, vb1, w1_v),
                               (ub2, vb2, w2_v)):
                w = jnp.exp(wv[pl.ds(p0, L)])
                lvl = [ub[pj, pl.ds(lo_u, D)] * vb[pj, pl.ds(lo_i, D)]
                       for (pj, lo_u), (_, lo_i) in zip(urows, virows)]
                for dist in (8, 4, 2, 1):
                    m = (lanes & dist) == 0
                    pidx = lanes ^ dist
                    lvl = [jnp.where(m, a, _perm(b, pidx))
                           + jnp.where(m, _perm(a, pidx), b)
                           for a, b in zip(lvl[::2], lvl[1::2])]
                dots = lvl[0]
                num = num + w * dots
                den = den + w
            out_v[pl.ds(p0, L)] = num / den
            return gcarry

        lax.fori_loop(0, GPC, group, 0)
        return carry

    wc0.wait()
    wc1.wait()
    wc2.wait()
    lax.fori_loop(0, NCHUNKS, chunk_body, 0)

    pltpu.sync_copy(out_v, out_hbm.at[pl.ds(base, BPW)])


@jax.jit
def _run(su_u, su_i, lo_u, lo_i, users,
         u0, v0, u1, v1, u2, v2, w0t, w1t, w2t):
    mesh = plsc.VectorSubcoreMesh(
        core_axis_name="c", subcore_axis_name="s",
        num_cores=NC, num_subcores=NS)
    f = functools.partial(
        pl.kernel,
        out_type=jax.ShapeDtypeStruct((B,), jnp.float32),
        mesh=mesh,
        compiler_params=pltpu.CompilerParams(use_tc_tiling_on_sc=True),
        scratch_types=[
            pltpu.VMEM((BPW,), jnp.int32),
            pltpu.VMEM((BPW,), jnp.int32),
            pltpu.VMEM((BPW,), jnp.int32),
            pltpu.VMEM((BPW,), jnp.int32),
            pltpu.VMEM((BPW,), jnp.int32),
            pltpu.VMEM((BPW,), jnp.float32),
            pltpu.VMEM((BPW,), jnp.float32),
            pltpu.VMEM((BPW,), jnp.float32),
            pltpu.VMEM((CHUNK, SRW), jnp.float32),
            pltpu.VMEM((CHUNK, SRW), jnp.float32),
            pltpu.VMEM((CHUNK, SRW), jnp.float32),
            pltpu.VMEM((CHUNK, SRW), jnp.float32),
            pltpu.VMEM((CHUNK, SRW), jnp.float32),
            pltpu.VMEM((CHUNK, SRW), jnp.float32),
            pltpu.VMEM((BPW,), jnp.float32),
            pltpu.SemaphoreType.DMA,
            pltpu.SemaphoreType.DMA,
        ],
    )(_sc_kernel)
    return f(su_u, su_i, lo_u, lo_i, users,
             u0, v0, u1, v1, u2, v2, w0t, w1t, w2t)


def kernel(users, items, U_0, V_0, U_1, V_1, U_2, V_2, W_U):
    users = users.astype(jnp.int32)
    items = items.astype(jnp.int32)
    su_u = users >> 3
    su_i = items >> 3
    lo_u = (users & 7) * D
    lo_i = (items & 7) * D
    n_super = U_0.shape[0] // RPS
    return _run(su_u, su_i, lo_u, lo_i, users,
                U_0.reshape(n_super, SRW), V_0.reshape(n_super, SRW),
                U_1.reshape(n_super, SRW), V_1.reshape(n_super, SRW),
                U_2.reshape(n_super, SRW), V_2.reshape(n_super, SRW),
                W_U[:, 0], W_U[:, 1], W_U[:, 2])

# --- scband reference (transcript-rebuilt; emitter-appended) ---
"""Pipeline reference for scband-sem-rec-48026324304007 (READ-ONLY COPY).

The authoritative reference and input builder live on the scoring server;
editing this copy changes nothing except your own understanding.
"""

import jax, jax.numpy as jnp
import numpy as np

N_USERS = 1000000
N_ITEMS = 1000000
D = 16
B = 16384
N_PATHS_TOTAL = 5  # 3 UI + 2 UU

def setup_inputs(seed: int = 0) -> dict:
    key = jax.random.key(seed)
    ks = jax.random.split(key, 10)
    users = jax.random.randint(ks[0], (B,), 0, N_USERS)
    items = jax.random.randint(ks[1], (B,), 0, N_ITEMS)
    U_0 = jax.random.normal(ks[2], (N_USERS, D), dtype=jnp.float32) * 0.05
    V_0 = jax.random.normal(ks[3], (N_ITEMS, D), dtype=jnp.float32) * 0.05
    U_1 = jax.random.normal(ks[4], (N_USERS, D), dtype=jnp.float32) * 0.05
    V_1 = jax.random.normal(ks[5], (N_ITEMS, D), dtype=jnp.float32) * 0.05
    U_2 = jax.random.normal(ks[6], (N_USERS, D), dtype=jnp.float32) * 0.05
    V_2 = jax.random.normal(ks[7], (N_ITEMS, D), dtype=jnp.float32) * 0.05
    W_U = jax.random.normal(ks[8], (N_USERS, N_PATHS_TOTAL), dtype=jnp.float32) * 0.05
    return {"users": users, "items": items, "U_0": U_0, "V_0": V_0, "U_1": U_1, "V_1": V_1, "U_2": U_2, "V_2": V_2, "W_U": W_U}

def reference(users, items, U_0, V_0, U_1, V_1, U_2, V_2, W_U):
    # SemRec forward: weighted sum of per-metapath MF scores,
    # weights = exp(W_U[user, path_id]), normalized by weight sum.
    preds = jnp.zeros(users.shape, dtype=jnp.float32)
    WI_sum = jnp.zeros(users.shape, dtype=jnp.float32)
    w_rows = jnp.take(W_U, users, axis=0)  # [B, n_paths_total]
    for pid, (U_p, V_p) in enumerate([(U_0, V_0), (U_1, V_1), (U_2, V_2)]):
        ues = jnp.take(U_p, users, axis=0)  # [B, D] gather
        uis = jnp.take(V_p, items, axis=0)  # [B, D] gather
        w_ui = jnp.exp(w_rows[:, pid])
        preds = preds + w_ui * (ues * uis).sum(axis=-1)
        WI_sum = WI_sum + w_ui
    return preds / WI_sum

if __name__ == "__main__":
    import jax
    _d = setup_inputs()
    print(jax.jit(kernel)(*tuple(_d.values())))

</pallas_src>

<mosaic_0001>
#map = affine_map<(d0, d1) -> (0)>
#map1 = affine_map<(d0, d1) -> (0, 0)>
module attributes {stable_mosaic.version = 14 : i64} {
  func.func @_sc_kernel(%arg0: i32, %arg1: i32, %arg2: memref<16384xi32, #tpu.memory_space<hbm>>, %arg3: memref<16384xi32, #tpu.memory_space<hbm>>, %arg4: memref<16384xi32, #tpu.memory_space<hbm>>, %arg5: memref<16384xi32, #tpu.memory_space<hbm>>, %arg6: memref<16384xi32, #tpu.memory_space<hbm>>, %arg7: memref<125000x128xf32, #tpu.memory_space<hbm>>, %arg8: memref<125000x128xf32, #tpu.memory_space<hbm>>, %arg9: memref<125000x128xf32, #tpu.memory_space<hbm>>, %arg10: memref<125000x128xf32, #tpu.memory_space<hbm>>, %arg11: memref<125000x128xf32, #tpu.memory_space<hbm>>, %arg12: memref<125000x128xf32, #tpu.memory_space<hbm>>, %arg13: memref<1000000xf32, #tpu.memory_space<hbm>>, %arg14: memref<1000000xf32, #tpu.memory_space<hbm>>, %arg15: memref<1000000xf32, #tpu.memory_space<hbm>>, %arg16: memref<16384xf32, #tpu.memory_space<hbm>>, %arg17: memref<512xi32, #tpu.memory_space<vmem>>, %arg18: memref<512xi32, #tpu.memory_space<vmem>>, %arg19: memref<512xi32, #tpu.memory_space<vmem>>, %arg20: memref<512xi32, #tpu.memory_space<vmem>>, %arg21: memref<512xi32, #tpu.memory_space<vmem>>, %arg22: memref<512xf32, #tpu.memory_space<vmem>>, %arg23: memref<512xf32, #tpu.memory_space<vmem>>, %arg24: memref<512xf32, #tpu.memory_space<vmem>>, %arg25: memref<128x128xf32, #tpu.memory_space<vmem>>, %arg26: memref<128x128xf32, #tpu.memory_space<vmem>>, %arg27: memref<128x128xf32, #tpu.memory_space<vmem>>, %arg28: memref<128x128xf32, #tpu.memory_space<vmem>>, %arg29: memref<128x128xf32, #tpu.memory_space<vmem>>, %arg30: memref<128x128xf32, #tpu.memory_space<vmem>>, %arg31: memref<512xf32, #tpu.memory_space<vmem>>, %arg32: memref<!tpu.dma_semaphore, #tpu.memory_space<semaphore_mem>>, %arg33: memref<!tpu.dma_semaphore, #tpu.memory_space<semaphore_mem>>) attributes {dimension_semantics = [#tpu.dimension_semantics<core_parallel>, #tpu.dimension_semantics<subcore_parallel>], iteration_bounds = array<i64: 2, 16>, scalar_prefetch = 0 : i64, scratch_operands = 17 : i64, tpu.core_type = #tpu.core_type<sc_vector_subcore>, window_params = [{transform_indices = #map}, {transform_indices = #map}, {transform_indices = #map}, {transform_indices = #map}, {transform_indices = #map}, {transform_indices = #map1}, {transform_indices = #map1}, {transform_indices = #map1}, {transform_indices = #map1}, {transform_indices = #map1}, {transform_indices = #map1}, {transform_indices = #map}, {transform_indices = #map}, {transform_indices = #map}, {transform_indices = #map}]} {
    %mul3A = arith.constant 2 : i32
    %mul3A_0 = arith.muli %arg1, %mul3A : i32
    %add3A = arith.addi %mul3A_0, %arg0 : i32
    %mul3A_1 = arith.constant 512 : i32
    %mul3A_2 = arith.muli %add3A, %mul3A_1 : i32
    "tpu.region"() ({
      %run_scoped3A = tpu.sem_alloc : memref<!tpu.dma_semaphore, #tpu.memory_space<semaphore_mem>>
      %dma_start3A_18 = tpu.memref_slice %arg2[%mul3A_2] : memref<16384xi32, #tpu.memory_space<hbm>> -> memref<512xi32, #tpu.memory_space<hbm>>
      %dma_start3A_19 = tpu.memref_slice %arg2[%mul3A_2] : memref<16384xi32, #tpu.memory_space<hbm>> -> memref<512xi32, #tpu.memory_space<hbm>>
      tpu.enqueue_dma source(%dma_start3A_19 : memref<512xi32, #tpu.memory_space<hbm>>) target(%arg17 : memref<512xi32, #tpu.memory_space<vmem>>) target_semaphore(%run_scoped3A : memref<!tpu.dma_semaphore, #tpu.memory_space<semaphore_mem>>)
      %dma_wait3A_20 = tpu.memref_slice %arg2[%mul3A_2] : memref<16384xi32, #tpu.memory_space<hbm>> -> memref<512xi32, #tpu.memory_space<hbm>>
      %dma_wait3A_21 = tpu.memref_slice %arg2[%mul3A_2] : memref<16384xi32, #tpu.memory_space<hbm>> -> memref<512xi32, #tpu.memory_space<hbm>>
      tpu.wait_dma2 semaphore(%run_scoped3A : memref<!tpu.dma_semaphore, #tpu.memory_space<semaphore_mem>>) src(%dma_wait3A_21 : memref<512xi32, #tpu.memory_space<hbm>>) dst(%arg17 : memref<512xi32, #tpu.memory_space<vmem>>)
      tpu.yield
    }) : () -> ()
    "tpu.region"() ({
      %run_scoped3A = tpu.sem_alloc : memref<!tpu.dma_semaphore, #tpu.memory_space<semaphore_mem>>
      %dma_start3A_18 = tpu.memref_slice %arg3[%mul3A_2] : memref<16384xi32, #tpu.memory_space<hbm>> -> memref<512xi32, #tpu.memory_space<hbm>>
      %dma_start3A_19 = tpu.memref_slice %arg3[%mul3A_2] : memref<16384xi32, #tpu.memory_space<hbm>> -> memref<512xi32, #tpu.memory_space<hbm>>
      tpu.enqueue_dma source(%dma_start3A_19 : memref<512xi32, #tpu.memory_space<hbm>>) target(%arg18 : memref<512xi32, #tpu.memory_space<vmem>>) target_semaphore(%run_scoped3A : memref<!tpu.dma_semaphore, #tpu.memory_space<semaphore_mem>>)
      %dma_wait3A_20 = tpu.memref_slice %arg3[%mul3A_2] : memref<16384xi32, #tpu.memory_space<hbm>> -> memref<512xi32, #tpu.memory_space<hbm>>
      %dma_wait3A_21 = tpu.memref_slice %arg3[%mul3A_2] : memref<16384xi32, #tpu.memory_space<hbm>> -> memref<512xi32, #tpu.memory_space<hbm>>
      tpu.wait_dma2 semaphore(%run_scoped3A : memref<!tpu.dma_semaphore, #tpu.memory_space<semaphore_mem>>) src(%dma_wait3A_21 : memref<512xi32, #tpu.memory_space<hbm>>) dst(%arg18 : memref<512xi32, #tpu.memory_space<vmem>>)
      tpu.yield
    }) : () -> ()
    "tpu.region"() ({
      %run_scoped3A = tpu.sem_alloc : memref<!tpu.dma_semaphore, #tpu.memory_space<semaphore_mem>>
      %dma_start3A_18 = tpu.memref_slice %arg4[%mul3A_2] : memref<16384xi32, #tpu.memory_space<hbm>> -> memref<512xi32, #tpu.memory_space<hbm>>
      %dma_start3A_19 = tpu.memref_slice %arg4[%mul3A_2] : memref<16384xi32, #tpu.memory_space<hbm>> -> memref<512xi32, #tpu.memory_space<hbm>>
      tpu.enqueue_dma source(%dma_start3A_19 : memref<512xi32, #tpu.memory_space<hbm>>) target(%arg19 : memref<512xi32, #tpu.memory_space<vmem>>) target_semaphore(%run_scoped3A : memref<!tpu.dma_semaphore, #tpu.memory_space<semaphore_mem>>)
      %dma_wait3A_20 = tpu.memref_slice %arg4[%mul3A_2] : memref<16384xi32, #tpu.memory_space<hbm>> -> memref<512xi32, #tpu.memory_space<hbm>>
      %dma_wait3A_21 = tpu.memref_slice %arg4[%mul3A_2] : memref<16384xi32, #tpu.memory_space<hbm>> -> memref<512xi32, #tpu.memory_space<hbm>>
      tpu.wait_dma2 semaphore(%run_scoped3A : memref<!tpu.dma_semaphore, #tpu.memory_space<semaphore_mem>>) src(%dma_wait3A_21 : memref<512xi32, #tpu.memory_space<hbm>>) dst(%arg19 : memref<512xi32, #tpu.memory_space<vmem>>)
      tpu.yield
    }) : () -> ()
    "tpu.region"() ({
      %run_scoped3A = tpu.sem_alloc : memref<!tpu.dma_semaphore, #tpu.memory_space<semaphore_mem>>
      %dma_start3A_18 = tpu.memref_slice %arg5[%mul3A_2] : memref<16384xi32, #tpu.memory_space<hbm>> -> memref<512xi32, #tpu.memory_space<hbm>>
      %dma_start3A_19 = tpu.memref_slice %arg5[%mul3A_2] : memref<16384xi32, #tpu.memory_space<hbm>> -> memref<512xi32, #tpu.memory_space<hbm>>
      tpu.enqueue_dma source(%dma_start3A_19 : memref<512xi32, #tpu.memory_space<hbm>>) target(%arg20 : memref<512xi32, #tpu.memory_space<vmem>>) target_semaphore(%run_scoped3A : memref<!tpu.dma_semaphore, #tpu.memory_space<semaphore_mem>>)
      %dma_wait3A_20 = tpu.memref_slice %arg5[%mul3A_2] : memref<16384xi32, #tpu.memory_space<hbm>> -> memref<512xi32, #tpu.memory_space<hbm>>
      %dma_wait3A_21 = tpu.memref_slice %arg5[%mul3A_2] : memref<16384xi32, #tpu.memory_space<hbm>> -> memref<512xi32, #tpu.memory_space<hbm>>
      tpu.wait_dma2 semaphore(%run_scoped3A : memref<!tpu.dma_semaphore, #tpu.memory_space<semaphore_mem>>) src(%dma_wait3A_21 : memref<512xi32, #tpu.memory_space<hbm>>) dst(%arg20 : memref<512xi32, #tpu.memory_space<vmem>>)
      tpu.yield
    }) : () -> ()
    "tpu.region"() ({
      %run_scoped3A = tpu.sem_alloc : memref<!tpu.dma_semaphore, #tpu.memory_space<semaphore_mem>>
      %dma_start3A_18 = tpu.memref_slice %arg6[%mul3A_2] : memref<16384xi32, #tpu.memory_space<hbm>> -> memref<512xi32, #tpu.memory_space<hbm>>
      %dma_start3A_19 = tpu.memref_slice %arg6[%mul3A_2] : memref<16384xi32, #tpu.memory_space<hbm>> -> memref<512xi32, #tpu.memory_space<hbm>>
      tpu.enqueue_dma source(%dma_start3A_19 : memref<512xi32, #tpu.memory_space<hbm>>) target(%arg21 : memref<512xi32, #tpu.memory_space<vmem>>) target_semaphore(%run_scoped3A : memref<!tpu.dma_semaphore, #tpu.memory_space<semaphore_mem>>)
      %dma_wait3A_20 = tpu.memref_slice %arg6[%mul3A_2] : memref<16384xi32, #tpu.memory_space<hbm>> -> memref<512xi32, #tpu.memory_space<hbm>>
      %dma_wait3A_21 = tpu.memref_slice %arg6[%mul3A_2] : memref<16384xi32, #tpu.memory_space<hbm>> -> memref<512xi32, #tpu.memory_space<hbm>>
      tpu.wait_dma2 semaphore(%run_scoped3A : memref<!tpu.dma_semaphore, #tpu.memory_space<semaphore_mem>>) src(%dma_wait3A_21 : memref<512xi32, #tpu.memory_space<hbm>>) dst(%arg21 : memref<512xi32, #tpu.memory_space<vmem>>)
      tpu.yield
    }) : () -> ()
    %dma_start3A = arith.constant 0 : i32
    %dma_start3A_3 = tpu.memref_slice %arg13[%dma_start3A] : memref<1000000xf32, #tpu.memory_space<hbm>> -> memref<1000000xf32, #tpu.memory_space<hbm>>
    tpu.enqueue_indirect_dma source(%dma_start3A_3 : memref<1000000xf32, #tpu.memory_space<hbm>>) target(%arg22 : memref<512xf32, #tpu.memory_space<vmem>>) offsets(%arg21 : memref<512xi32, #tpu.memory_space<vmem>>) semaphore(%arg33 : memref<!tpu.dma_semaphore, #tpu.memory_space<semaphore_mem>>)
    %dma_start3A_4 = arith.constant 0 : i32
    %dma_start3A_5 = tpu.memref_slice %arg14[%dma_start3A_4] : memref<1000000xf32, #tpu.memory_space<hbm>> -> memref<1000000xf32, #tpu.memory_space<hbm>>
    tpu.enqueue_indirect_dma source(%dma_start3A_5 : memref<1000000xf32, #tpu.memory_space<hbm>>) target(%arg23 : memref<512xf32, #tpu.memory_space<vmem>>) offsets(%arg21 : memref<512xi32, #tpu.memory_space<vmem>>) semaphore(%arg33 : memref<!tpu.dma_semaphore, #tpu.memory_space<semaphore_mem>>)
    %dma_start3A_6 = arith.constant 0 : i32
    %dma_start3A_7 = tpu.memref_slice %arg15[%dma_start3A_6] : memref<1000000xf32, #tpu.memory_space<hbm>> -> memref<1000000xf32, #tpu.memory_space<hbm>>
    tpu.enqueue_indirect_dma source(%dma_start3A_7 : memref<1000000xf32, #tpu.memory_space<hbm>>) target(%arg24 : memref<512xf32, #tpu.memory_space<vmem>>) offsets(%arg21 : memref<512xi32, #tpu.memory_space<vmem>>) semaphore(%arg33 : memref<!tpu.dma_semaphore, #tpu.memory_space<semaphore_mem>>)
    %iota3A = tpu.iota {dimensions = array<i32: 0>} : vector<16xi32>
    %dma_wait3A = arith.constant 0 : i32
    %dma_wait3A_8 = tpu.memref_slice %arg13[%dma_wait3A] : memref<1000000xf32, #tpu.memory_space<hbm>> -> memref<1000000xf32, #tpu.memory_space<hbm>>
    tpu.wait_indirect_dma semaphore(%arg33 : memref<!tpu.dma_semaphore, #tpu.memory_space<semaphore_mem>>) src(%dma_wait3A_8 : memref<1000000xf32, #tpu.memory_space<hbm>>) dst(%arg22 : memref<512xf32, #tpu.memory_space<vmem>>)
    %dma_wait3A_9 = arith.constant 0 : i32
    %dma_wait3A_10 = tpu.memref_slice %arg14[%dma_wait3A_9] : memref<1000000xf32, #tpu.memory_space<hbm>> -> memref<1000000xf32, #tpu.memory_space<hbm>>
    tpu.wait_indirect_dma semaphore(%arg33 : memref<!tpu.dma_semaphore, #tpu.memory_space<semaphore_mem>>) src(%dma_wait3A_10 : memref<1000000xf32, #tpu.memory_space<hbm>>) dst(%arg23 : memref<512xf32, #tpu.memory_space<vmem>>)
    %dma_wait3A_11 = arith.constant 0 : i32
    %dma_wait3A_12 = tpu.memref_slice %arg15[%dma_wait3A_11] : memref<1000000xf32, #tpu.memory_space<hbm>> -> memref<1000000xf32, #tpu.memory_space<hbm>>
    tpu.wait_indirect_dma semaphore(%arg33 : memref<!tpu.dma_semaphore, #tpu.memory_space<semaphore_mem>>) src(%dma_wait3A_12 : memref<1000000xf32, #tpu.memory_space<hbm>>) dst(%arg24 : memref<512xf32, #tpu.memory_space<vmem>>)
    %scan3A = arith.constant 0 : i32
    %scan3A_13 = arith.constant 0 : i32
    %scan3A_14 = arith.constant 4 : i32
    %scan3A_15 = arith.addi %scan3A_13, %scan3A_14 : i32
    %scan3A_16 = arith.constant 1 : i32
    scf.for %scan3A_18 = %scan3A_13 to %scan3A_15 step %scan3A_16  : i32 {
      %mul3A_19 = arith.constant 128 : i32
      %mul3A_20 = arith.muli %scan3A_18, %mul3A_19 : i32
      %dma_start3A_21 = tpu.memref_slice %arg17[%mul3A_20] : memref<512xi32, #tpu.memory_space<vmem>> -> memref<128xi32, #tpu.memory_space<vmem>>
      %dma_start3A_22 = arith.constant 0 : i32
      %dma_start3A_23 = arith.constant 0 : i32
      %dma_start3A_24 = tpu.memref_slice %arg7[%dma_start3A_22, %dma_start3A_23] : memref<125000x128xf32, #tpu.memory_space<hbm>> -> memref<125000x128xf32, #tpu.memory_space<hbm>>
      tpu.enqueue_indirect_dma source(%dma_start3A_24 : memref<125000x128xf32, #tpu.memory_space<hbm>>) target(%arg25 : memref<128x128xf32, #tpu.memory_space<vmem>>) offsets(%dma_start3A_21 : memref<128xi32, #tpu.memory_space<vmem>>) semaphore(%arg32 : memref<!tpu.dma_semaphore, #tpu.memory_space<semaphore_mem>>)
      %dma_start3A_25 = tpu.memref_slice %arg18[%mul3A_20] : memref<512xi32, #tpu.memory_space<vmem>> -> memref<128xi32, #tpu.memory_space<vmem>>
      %dma_start3A_26 = arith.constant 0 : i32
      %dma_start3A_27 = arith.constant 0 : i32
      %dma_start3A_28 = tpu.memref_slice %arg8[%dma_start3A_26, %dma_start3A_27] : memref<125000x128xf32, #tpu.memory_space<hbm>> -> memref<125000x128xf32, #tpu.memory_space<hbm>>
      tpu.enqueue_indirect_dma source(%dma_start3A_28 : memref<125000x128xf32, #tpu.memory_space<hbm>>) target(%arg26 : memref<128x128xf32, #tpu.memory_space<vmem>>) offsets(%dma_start3A_25 : memref<128xi32, #tpu.memory_space<vmem>>) semaphore(%arg32 : memref<!tpu.dma_semaphore, #tpu.memory_space<semaphore_mem>>)
      %dma_start3A_29 = tpu.memref_slice %arg17[%mul3A_20] : memref<512xi32, #tpu.memory_space<vmem>> -> memref<128xi32, #tpu.memory_space<vmem>>
      %dma_start3A_30 = arith.constant 0 : i32
      %dma_start3A_31 = arith.constant 0 : i32
      %dma_start3A_32 = tpu.memref_slice %arg9[%dma_start3A_30, %dma_start3A_31] : memref<125000x128xf32, #tpu.memory_space<hbm>> -> memref<125000x128xf32, #tpu.memory_space<hbm>>
      tpu.enqueue_indirect_dma source(%dma_start3A_32 : memref<125000x128xf32, #tpu.memory_space<hbm>>) target(%arg27 : memref<128x128xf32, #tpu.memory_space<vmem>>) offsets(%dma_start3A_29 : memref<128xi32, #tpu.memory_space<vmem>>) semaphore(%arg32 : memref<!tpu.dma_semaphore, #tpu.memory_space<semaphore_mem>>)
      %dma_start3A_33 = tpu.memref_slice %arg18[%mul3A_20] : memref<512xi32, #tpu.memory_space<vmem>> -> memref<128xi32, #tpu.memory_space<vmem>>
      %dma_start3A_34 = arith.constant 0 : i32
      %dma_start3A_35 = arith.constant 0 : i32
      %dma_start3A_36 = tpu.memref_slice %arg10[%dma_start3A_34, %dma_start3A_35] : memref<125000x128xf32, #tpu.memory_space<hbm>> -> memref<125000x128xf32, #tpu.memory_space<hbm>>
      tpu.enqueue_indirect_dma source(%dma_start3A_36 : memref<125000x128xf32, #tpu.memory_space<hbm>>) target(%arg28 : memref<128x128xf32, #tpu.memory_space<vmem>>) offsets(%dma_start3A_33 : memref<128xi32, #tpu.memory_space<vmem>>) semaphore(%arg32 : memref<!tpu.dma_semaphore, #tpu.memory_space<semaphore_mem>>)
      %dma_start3A_37 = tpu.memref_slice %arg17[%mul3A_20] : memref<512xi32, #tpu.memory_space<vmem>> -> memref<128xi32, #tpu.memory_space<vmem>>
      %dma_start3A_38 = arith.constant 0 : i32
      %dma_start3A_39 = arith.constant 0 : i32
      %dma_start3A_40 = tpu.memref_slice %arg11[%dma_start3A_38, %dma_start3A_39] : memref<125000x128xf32, #tpu.memory_space<hbm>> -> memref<125000x128xf32, #tpu.memory_space<hbm>>
      tpu.enqueue_indirect_dma source(%dma_start3A_40 : memref<125000x128xf32, #tpu.memory_space<hbm>>) target(%arg29 : memref<128x128xf32, #tpu.memory_space<vmem>>) offsets(%dma_start3A_37 : memref<128xi32, #tpu.memory_space<vmem>>) semaphore(%arg32 : memref<!tpu.dma_semaphore, #tpu.memory_space<semaphore_mem>>)
      %dma_start3A_41 = tpu.memref_slice %arg18[%mul3A_20] : memref<512xi32, #tpu.memory_space<vmem>> -> memref<128xi32, #tpu.memory_space<vmem>>
      %dma_start3A_42 = arith.constant 0 : i32
      %dma_start3A_43 = arith.constant 0 : i32
      %dma_start3A_44 = tpu.memref_slice %arg12[%dma_start3A_42, %dma_start3A_43] : memref<125000x128xf32, #tpu.memory_space<hbm>> -> memref<125000x128xf32, #tpu.memory_space<hbm>>
      tpu.enqueue_indirect_dma source(%dma_start3A_44 : memref<125000x128xf32, #tpu.memory_space<hbm>>) target(%arg30 : memref<128x128xf32, #tpu.memory_space<vmem>>) offsets(%dma_start3A_41 : memref<128xi32, #tpu.memory_space<vmem>>) semaphore(%arg32 : memref<!tpu.dma_semaphore, #tpu.memory_space<semaphore_mem>>)
      %dma_wait3A_45 = tpu.memref_slice %arg17[%mul3A_20] : memref<512xi32, #tpu.memory_space<vmem>> -> memref<128xi32, #tpu.memory_space<vmem>>
      %dma_wait3A_46 = arith.constant 0 : i32
      %dma_wait3A_47 = arith.constant 0 : i32
      %dma_wait3A_48 = tpu.memref_slice %arg7[%dma_wait3A_46, %dma_wait3A_47] : memref<125000x128xf32, #tpu.memory_space<hbm>> -> memref<125000x128xf32, #tpu.memory_space<hbm>>
      tpu.wait_indirect_dma semaphore(%arg32 : memref<!tpu.dma_semaphore, #tpu.memory_space<semaphore_mem>>) src(%dma_wait3A_48 : memref<125000x128xf32, #tpu.memory_space<hbm>>) dst(%arg25 : memref<128x128xf32, #tpu.memory_space<vmem>>)
      %dma_wait3A_49 = tpu.memref_slice %arg18[%mul3A_20] : memref<512xi32, #tpu.memory_space<vmem>> -> memref<128xi32, #tpu.memory_space<vmem>>
      %dma_wait3A_50 = arith.constant 0 : i32
      %dma_wait3A_51 = arith.constant 0 : i32
      %dma_wait3A_52 = tpu.memref_slice %arg8[%dma_wait3A_50, %dma_wait3A_51] : memref<125000x128xf32, #tpu.memory_space<hbm>> -> memref<125000x128xf32, #tpu.memory_space<hbm>>
      tpu.wait_indirect_dma semaphore(%arg32 : memref<!tpu.dma_semaphore, #tpu.memory_space<semaphore_mem>>) src(%dma_wait3A_52 : memref<125000x128xf32, #tpu.memory_space<hbm>>) dst(%arg26 : memref<128x128xf32, #tpu.memory_space<vmem>>)
      %dma_wait3A_53 = tpu.memref_slice %arg17[%mul3A_20] : memref<512xi32, #tpu.memory_space<vmem>> -> memref<128xi32, #tpu.memory_space<vmem>>
      %dma_wait3A_54 = arith.constant 0 : i32
      %dma_wait3A_55 = arith.constant 0 : i32
      %dma_wait3A_56 = tpu.memref_slice %arg9[%dma_wait3A_54, %dma_wait3A_55] : memref<125000x128xf32, #tpu.memory_space<hbm>> -> memref<125000x128xf32, #tpu.memory_space<hbm>>
      tpu.wait_indirect_dma semaphore(%arg32 : memref<!tpu.dma_semaphore, #tpu.memory_space<semaphore_mem>>) src(%dma_wait3A_56 : memref<125000x128xf32, #tpu.memory_space<hbm>>) dst(%arg27 : memref<128x128xf32, #tpu.memory_space<vmem>>)
      %dma_wait3A_57 = tpu.memref_slice %arg18[%mul3A_20] : memref<512xi32, #tpu.memory_space<vmem>> -> memref<128xi32, #tpu.memory_space<vmem>>
      %dma_wait3A_58 = arith.constant 0 : i32
      %dma_wait3A_59 = arith.constant 0 : i32
      %dma_wait3A_60 = tpu.memref_slice %arg10[%dma_wait3A_58, %dma_wait3A_59] : memref<125000x128xf32, #tpu.memory_space<hbm>> -> memref<125000x128xf32, #tpu.memory_space<hbm>>
      tpu.wait_indirect_dma semaphore(%arg32 : memref<!tpu.dma_semaphore, #tpu.memory_space<semaphore_mem>>) src(%dma_wait3A_60 : memref<125000x128xf32, #tpu.memory_space<hbm>>) dst(%arg28 : memref<128x128xf32, #tpu.memory_space<vmem>>)
      %dma_wait3A_61 = tpu.memref_slice %arg17[%mul3A_20] : memref<512xi32, #tpu.memory_space<vmem>> -> memref<128xi32, #tpu.memory_space<vmem>>
      %dma_wait3A_62 = arith.constant 0 : i32
      %dma_wait3A_63 = arith.constant 0 : i32
      %dma_wait3A_64 = tpu.memref_slice %arg11[%dma_wait3A_62, %dma_wait3A_63] : memref<125000x128xf32, #tpu.memory_space<hbm>> -> memref<125000x128xf32, #tpu.memory_space<hbm>>
      tpu.wait_indirect_dma semaphore(%arg32 : memref<!tpu.dma_semaphore, #tpu.memory_space<semaphore_mem>>) src(%dma_wait3A_64 : memref<125000x128xf32, #tpu.memory_space<hbm>>) dst(%arg29 : memref<128x128xf32, #tpu.memory_space<vmem>>)
      %dma_wait3A_65 = tpu.memref_slice %arg18[%mul3A_20] : memref<512xi32, #tpu.memory_space<vmem>> -> memref<128xi32, #tpu.memory_space<vmem>>
      %dma_wait3A_66 = arith.constant 0 : i32
      %dma_wait3A_67 = arith.constant 0 : i32
      %dma_wait3A_68 = tpu.memref_slice %arg12[%dma_wait3A_66, %dma_wait3A_67] : memref<125000x128xf32, #tpu.memory_space<hbm>> -> memref<125000x128xf32, #tpu.memory_space<hbm>>
      tpu.wait_indirect_dma semaphore(%arg32 : memref<!tpu.dma_semaphore, #tpu.memory_space<semaphore_mem>>) src(%dma_wait3A_68 : memref<125000x128xf32, #tpu.memory_space<hbm>>) dst(%arg30 : memref<128x128xf32, #tpu.memory_space<vmem>>)
      %scan3A_69 = arith.constant 0 : i32
      %scan3A_70 = arith.constant 0 : i32
      %scan3A_71 = arith.constant 8 : i32
      %scan3A_72 = arith.addi %scan3A_70, %scan3A_71 : i32
      %scan3A_73 = arith.constant 1 : i32
      scf.for %scan3A_75 = %scan3A_70 to %scan3A_72 step %scan3A_73  : i32 {
        %mul3A_76 = arith.constant 16 : i32
        %mul3A_77 = arith.muli %scan3A_75, %mul3A_76 : i32
        %add3A_78 = arith.addi %mul3A_20, %mul3A_77 : i32
        %broadcast_in_dim3A = arith.constant 0.000000e+00 : f32
        %broadcast_in_dim3A_79 = vector.broadcast %broadcast_in_dim3A : f32 to vector<16xf32>
        %broadcast_in_dim3A_80 = arith.constant 0.000000e+00 : f32
        %broadcast_in_dim3A_81 = vector.broadcast %broadcast_in_dim3A_80 : f32 to vector<16xf32>
        %get3A = arith.index_cast %add3A_78 : i32 to index
        %get3A_82 = tpu.vector_load %arg19[%get3A] {strides = array<i32>} : memref<512xi32, #tpu.memory_space<vmem>>, vector<16xi32>,
        %get3A_83 = vector.shape_cast %get3A_82 : vector<16xi32> to vector<16xi32>
        %get3A_84 = arith.index_cast %add3A_78 : i32 to index
        %get3A_85 = tpu.vector_load %arg20[%get3A_84] {strides = array<i32>} : memref<512xi32, #tpu.memory_space<vmem>>, vector<16xi32>,
        %get3A_86 = vector.shape_cast %get3A_85 : vector<16xi32> to vector<16xi32>
        %mul3A_87 = arith.constant 16 : i32
        %mul3A_88 = arith.muli %scan3A_75, %mul3A_87 : i32
        %add3A_89 = arith.constant 0 : i32
        %add3A_90 = arith.addi %mul3A_88, %add3A_89 : i32
        %slice3A = vector.extract_strided_slice %get3A_83 {offsets = [0], sizes = [1], strides = [1]} : vector<16xi32> to vector<1xi32>
        %squeeze3A = vector.extract %slice3A[0] : i32 from vector<1xi32>
        %slice3A_91 = vector.extract_strided_slice %get3A_86 {offsets = [0], sizes = [1], strides = [1]} : vector<16xi32> to vector<1xi32>
        %squeeze3A_92 = vector.extract %slice3A_91[0] : i32 from vector<1xi32>
        %mul3A_93 = arith.constant 16 : i32
        %mul3A_94 = arith.muli %scan3A_75, %mul3A_93 : i32
        %add3A_95 = arith.constant 8 : i32
        %add3A_96 = arith.addi %mul3A_94, %add3A_95 : i32
        %slice3A_97 = vector.extract_strided_slice %get3A_83 {offsets = [8], sizes = [1], strides = [1]} : vector<16xi32> to vector<1xi32>
        %squeeze3A_98 = vector.extract %slice3A_97[0] : i32 from vector<1xi32>
        %slice3A_99 = vector.extract_strided_slice %get3A_86 {offsets = [8], sizes = [1], strides = [1]} : vector<16xi32> to vector<1xi32>
        %squeeze3A_100 = vector.extract %slice3A_99[0] : i32 from vector<1xi32>
        %mul3A_101 = arith.constant 16 : i32
        %mul3A_102 = arith.muli %scan3A_75, %mul3A_101 : i32
        %add3A_103 = arith.constant 4 : i32
        %add3A_104 = arith.addi %mul3A_102, %add3A_103 : i32
        %slice3A_105 = vector.extract_strided_slice %get3A_83 {offsets = [4], sizes = [1], strides = [1]} : vector<16xi32> to vector<1xi32>
        %squeeze3A_106 = vector.extract %slice3A_105[0] : i32 from vector<1xi32>
        %slice3A_107 = vector.extract_strided_slice %get3A_86 {offsets = [4], sizes = [1], strides = [1]} : vector<16xi32> to vector<1xi32>
        %squeeze3A_108 = vector.extract %slice3A_107[0] : i32 from vector<1xi32>
        %mul3A_109 = arith.constant 16 : i32
        %mul3A_110 = arith.muli %scan3A_75, %mul3A_109 : i32
        %add3A_111 = arith.constant 12 : i32
        %add3A_112 = arith.addi %mul3A_110, %add3A_111 : i32
        %slice3A_113 = vector.extract_strided_slice %get3A_83 {offsets = [12], sizes = [1], strides = [1]} : vector<16xi32> to vector<1xi32>
        %squeeze3A_114 = vector.extract %slice3A_113[0] : i32 from vector<1xi32>
        %slice3A_115 = vector.extract_strided_slice %get3A_86 {offsets = [12], sizes = [1], strides = [1]} : vector<16xi32> to vector<1xi32>
        %squeeze3A_116 = vector.extract %slice3A_115[0] : i32 from vector<1xi32>
        %mul3A_117 = arith.constant 16 : i32
        %mul3A_118 = arith.muli %scan3A_75, %mul3A_117 : i32
        %add3A_119 = arith.constant 2 : i32
        %add3A_120 = arith.addi %mul3A_118, %add3A_119 : i32
        %slice3A_121 = vector.extract_strided_slice %get3A_83 {offsets = [2], sizes = [1], strides = [1]} : vector<16xi32> to vector<1xi32>
        %squeeze3A_122 = vector.extract %slice3A_121[0] : i32 from vector<1xi32>
        %slice3A_123 = vector.extract_strided_slice %get3A_86 {offsets = [2], sizes = [1], strides = [1]} : vector<16xi32> to vector<1xi32>
        %squeeze3A_124 = vector.extract %slice3A_123[0] : i32 from vector<1xi32>
        %mul3A_125 = arith.constant 16 : i32
        %mul3A_126 = arith.muli %scan3A_75, %mul3A_125 : i32
        %add3A_127 = arith.constant 10 : i32
        %add3A_128 = arith.addi %mul3A_126, %add3A_127 : i32
        %slice3A_129 = vector.extract_strided_slice %get3A_83 {offsets = [10], sizes = [1], strides = [1]} : vector<16xi32> to vector<1xi32>
        %squeeze3A_130 = vector.extract %slice3A_129[0] : i32 from vector<1xi32>
        %slice3A_131 = vector.extract_strided_slice %get3A_86 {offsets = [10], sizes = [1], strides = [1]} : vector<16xi32> to vector<1xi32>
        %squeeze3A_132 = vector.extract %slice3A_131[0] : i32 from vector<1xi32>
        %mul3A_133 = arith.constant 16 : i32
        %mul3A_134 = arith.muli %scan3A_75, %mul3A_133 : i32
        %add3A_135 = arith.constant 6 : i32
        %add3A_136 = arith.addi %mul3A_134, %add3A_135 : i32
        %slice3A_137 = vector.extract_strided_slice %get3A_83 {offsets = [6], sizes = [1], strides = [1]} : vector<16xi32> to vector<1xi32>
        %squeeze3A_138 = vector.extract %slice3A_137[0] : i32 from vector<1xi32>
        %slice3A_139 = vector.extract_strided_slice %get3A_86 {offsets = [6], sizes = [1], strides = [1]} : vector<16xi32> to vector<1xi32>
        %squeeze3A_140 = vector.extract %slice3A_139[0] : i32 from vector<1xi32>
        %mul3A_141 = arith.constant 16 : i32
        %mul3A_142 = arith.muli %scan3A_75, %mul3A_141 : i32
        %add3A_143 = arith.constant 14 : i32
        %add3A_144 = arith.addi %mul3A_142, %add3A_143 : i32
        %slice3A_145 = vector.extract_strided_slice %get3A_83 {offsets = [14], sizes = [1], strides = [1]} : vector<16xi32> to vector<1xi32>
        %squeeze3A_146 = vector.extract %slice3A_145[0] : i32 from vector<1xi32>
        %slice3A_147 = vector.extract_strided_slice %get3A_86 {offsets = [14], sizes = [1], strides = [1]} : vector<16xi32> to vector<1xi32>
        %squeeze3A_148 = vector.extract %slice3A_147[0] : i32 from vector<1xi32>
        %mul3A_149 = arith.constant 16 : i32
        %mul3A_150 = arith.muli %scan3A_75, %mul3A_149 : i32
        %add3A_151 = arith.constant 1 : i32
        %add3A_152 = arith.addi %mul3A_150, %add3A_151 : i32
        %slice3A_153 = vector.extract_strided_slice %get3A_83 {offsets = [1], sizes = [1], strides = [1]} : vector<16xi32> to vector<1xi32>
        %squeeze3A_154 = vector.extract %slice3A_153[0] : i32 from vector<1xi32>
        %slice3A_155 = vector.extract_strided_slice %get3A_86 {offsets = [1], sizes = [1], strides = [1]} : vector<16xi32> to vector<1xi32>
        %squeeze3A_156 = vector.extract %slice3A_155[0] : i32 from vector<1xi32>
        %mul3A_157 = arith.constant 16 : i32
        %mul3A_158 = arith.muli %scan3A_75, %mul3A_157 : i32
        %add3A_159 = arith.constant 9 : i32
        %add3A_160 = arith.addi %mul3A_158, %add3A_159 : i32
        %slice3A_161 = vector.extract_strided_slice %get3A_83 {offsets = [9], sizes = [1], strides = [1]} : vector<16xi32> to vector<1xi32>
        %squeeze3A_162 = vector.extract %slice3A_161[0] : i32 from vector<1xi32>
        %slice3A_163 = vector.extract_strided_slice %get3A_86 {offsets = [9], sizes = [1], strides = [1]} : vector<16xi32> to vector<1xi32>
        %squeeze3A_164 = vector.extract %slice3A_163[0] : i32 from vector<1xi32>
        %mul3A_165 = arith.constant 16 : i32
        %mul3A_166 = arith.muli %scan3A_75, %mul3A_165 : i32
        %add3A_167 = arith.constant 5 : i32
        %add3A_168 = arith.addi %mul3A_166, %add3A_167 : i32
        %slice3A_169 = vector.extract_strided_slice %get3A_83 {offsets = [5], sizes = [1], strides = [1]} : vector<16xi32> to vector<1xi32>
        %squeeze3A_170 = vector.extract %slice3A_169[0] : i32 from vector<1xi32>
        %slice3A_171 = vector.extract_strided_slice %get3A_86 {offsets = [5], sizes = [1], strides = [1]} : vector<16xi32> to vector<1xi32>
        %squeeze3A_172 = vector.extract %slice3A_171[0] : i32 from vector<1xi32>
        %mul3A_173 = arith.constant 16 : i32
        %mul3A_174 = arith.muli %scan3A_75, %mul3A_173 : i32
        %add3A_175 = arith.constant 13 : i32
        %add3A_176 = arith.addi %mul3A_174, %add3A_175 : i32
        %slice3A_177 = vector.extract_strided_slice %get3A_83 {offsets = [13], sizes = [1], strides = [1]} : vector<16xi32> to vector<1xi32>
        %squeeze3A_178 = vector.extract %slice3A_177[0] : i32 from vector<1xi32>
        %slice3A_179 = vector.extract_strided_slice %get3A_86 {offsets = [13], sizes = [1], strides = [1]} : vector<16xi32> to vector<1xi32>
        %squeeze3A_180 = vector.extract %slice3A_179[0] : i32 from vector<1xi32>
        %mul3A_181 = arith.constant 16 : i32
        %mul3A_182 = arith.muli %scan3A_75, %mul3A_181 : i32
        %add3A_183 = arith.constant 3 : i32
        %add3A_184 = arith.addi %mul3A_182, %add3A_183 : i32
        %slice3A_185 = vector.extract_strided_slice %get3A_83 {offsets = [3], sizes = [1], strides = [1]} : vector<16xi32> to vector<1xi32>
        %squeeze3A_186 = vector.extract %slice3A_185[0] : i32 from vector<1xi32>
        %slice3A_187 = vector.extract_strided_slice %get3A_86 {offsets = [3], sizes = [1], strides = [1]} : vector<16xi32> to vector<1xi32>
        %squeeze3A_188 = vector.extract %slice3A_187[0] : i32 from vector<1xi32>
        %mul3A_189 = arith.constant 16 : i32
        %mul3A_190 = arith.muli %scan3A_75, %mul3A_189 : i32
        %add3A_191 = arith.constant 11 : i32
        %add3A_192 = arith.addi %mul3A_190, %add3A_191 : i32
        %slice3A_193 = vector.extract_strided_slice %get3A_83 {offsets = [11], sizes = [1], strides = [1]} : vector<16xi32> to vector<1xi32>
        %squeeze3A_194 = vector.extract %slice3A_193[0] : i32 from vector<1xi32>
        %slice3A_195 = vector.extract_strided_slice %get3A_86 {offsets = [11], sizes = [1], strides = [1]} : vector<16xi32> to vector<1xi32>
        %squeeze3A_196 = vector.extract %slice3A_195[0] : i32 from vector<1xi32>
        %mul3A_197 = arith.constant 16 : i32
        %mul3A_198 = arith.muli %scan3A_75, %mul3A_197 : i32
        %add3A_199 = arith.constant 7 : i32
        %add3A_200 = arith.addi %mul3A_198, %add3A_199 : i32
        %slice3A_201 = vector.extract_strided_slice %get3A_83 {offsets = [7], sizes = [1], strides = [1]} : vector<16xi32> to vector<1xi32>
        %squeeze3A_202 = vector.extract %slice3A_201[0] : i32 from vector<1xi32>
        %slice3A_203 = vector.extract_strided_slice %get3A_86 {offsets = [7], sizes = [1], strides = [1]} : vector<16xi32> to vector<1xi32>
        %squeeze3A_204 = vector.extract %slice3A_203[0] : i32 from vector<1xi32>
        %mul3A_205 = arith.constant 16 : i32
        %mul3A_206 = arith.muli %scan3A_75, %mul3A_205 : i32
        %add3A_207 = arith.constant 15 : i32
        %add3A_208 = arith.addi %mul3A_206, %add3A_207 : i32
        %slice3A_209 = vector.extract_strided_slice %get3A_83 {offsets = [15], sizes = [1], strides = [1]} : vector<16xi32> to vector<1xi32>
        %squeeze3A_210 = vector.extract %slice3A_209[0] : i32 from vector<1xi32>
        %slice3A_211 = vector.extract_strided_slice %get3A_86 {offsets = [15], sizes = [1], strides = [1]} : vector<16xi32> to vector<1xi32>
        %squeeze3A_212 = vector.extract %slice3A_211[0] : i32 from vector<1xi32>
        %get3A_213 = arith.index_cast %add3A_78 : i32 to index
        %get3A_214 = tpu.vector_load %arg22[%get3A_213] {strides = array<i32>} : memref<512xf32, #tpu.memory_space<vmem>>, vector<16xf32>,
        %get3A_215 = vector.shape_cast %get3A_214 : vector<16xf32> to vector<16xf32>
        %exp3A = math.exp %get3A_215 : vector<16xf32>
        %get3A_216 = arith.index_cast %add3A_90 : i32 to index
        %get3A_217 = arith.index_cast %squeeze3A : i32 to index
        %get3A_218 = tpu.vector_load %arg25[%get3A_216, %get3A_217] {strides = array<i32>} : memref<128x128xf32, #tpu.memory_space<vmem>>, vector<1x16xf32>,
        %get3A_219 = vector.shape_cast %get3A_218 : vector<1x16xf32> to vector<16xf32>
        %get3A_220 = arith.index_cast %add3A_90 : i32 to index
        %get3A_221 = arith.index_cast %squeeze3A_92 : i32 to index
        %get3A_222 = tpu.vector_load %arg26[%get3A_220, %get3A_221] {strides = array<i32>} : memref<128x128xf32, #tpu.memory_space<vmem>>, vector<1x16xf32>,
        %get3A_223 = vector.shape_cast %get3A_222 : vector<1x16xf32> to vector<16xf32>
        %mul3A_224 = arith.mulf %get3A_219, %get3A_223 : vector<16xf32>
        %get3A_225 = arith.index_cast %add3A_96 : i32 to index
        %get3A_226 = arith.index_cast %squeeze3A_98 : i32 to index
        %get3A_227 = tpu.vector_load %arg25[%get3A_225, %get3A_226] {strides = array<i32>} : memref<128x128xf32, #tpu.memory_space<vmem>>, vector<1x16xf32>,
        %get3A_228 = vector.shape_cast %get3A_227 : vector<1x16xf32> to vector<16xf32>
        %get3A_229 = arith.index_cast %add3A_96 : i32 to index
        %get3A_230 = arith.index_cast %squeeze3A_100 : i32 to index
        %get3A_231 = tpu.vector_load %arg26[%get3A_229, %get3A_230] {strides = array<i32>} : memref<128x128xf32, #tpu.memory_space<vmem>>, vector<1x16xf32>,
        %get3A_232 = vector.shape_cast %get3A_231 : vector<1x16xf32> to vector<16xf32>
        %mul3A_233 = arith.mulf %get3A_228, %get3A_232 : vector<16xf32>
        %get3A_234 = arith.index_cast %add3A_104 : i32 to index
        %get3A_235 = arith.index_cast %squeeze3A_106 : i32 to index
        %get3A_236 = tpu.vector_load %arg25[%get3A_234, %get3A_235] {strides = array<i32>} : memref<128x128xf32, #tpu.memory_space<vmem>>, vector<1x16xf32>,
        %get3A_237 = vector.shape_cast %get3A_236 : vector<1x16xf32> to vector<16xf32>
        %get3A_238 = arith.index_cast %add3A_104 : i32 to index
        %get3A_239 = arith.index_cast %squeeze3A_108 : i32 to index
        %get3A_240 = tpu.vector_load %arg26[%get3A_238, %get3A_239] {strides = array<i32>} : memref<128x128xf32, #tpu.memory_space<vmem>>, vector<1x16xf32>,
        %get3A_241 = vector.shape_cast %get3A_240 : vector<1x16xf32> to vector<16xf32>
        %mul3A_242 = arith.mulf %get3A_237, %get3A_241 : vector<16xf32>
        %get3A_243 = arith.index_cast %add3A_112 : i32 to index
        %get3A_244 = arith.index_cast %squeeze3A_114 : i32 to index
        %get3A_245 = tpu.vector_load %arg25[%get3A_243, %get3A_244] {strides = array<i32>} : memref<128x128xf32, #tpu.memory_space<vmem>>, vector<1x16xf32>,
        %get3A_246 = vector.shape_cast %get3A_245 : vector<1x16xf32> to vector<16xf32>
        %get3A_247 = arith.index_cast %add3A_112 : i32 to index
        %get3A_248 = arith.index_cast %squeeze3A_116 : i32 to index
        %get3A_249 = tpu.vector_load %arg26[%get3A_247, %get3A_248] {strides = array<i32>} : memref<128x128xf32, #tpu.memory_space<vmem>>, vector<1x16xf32>,
        %get3A_250 = vector.shape_cast %get3A_249 : vector<1x16xf32> to vector<16xf32>
        %mul3A_251 = arith.mulf %get3A_246, %get3A_250 : vector<16xf32>
        %get3A_252 = arith.index_cast %add3A_120 : i32 to index
        %get3A_253 = arith.index_cast %squeeze3A_122 : i32 to index
        %get3A_254 = tpu.vector_load %arg25[%get3A_252, %get3A_253] {strides = array<i32>} : memref<128x128xf32, #tpu.memory_space<vmem>>, vector<1x16xf32>,
        %get3A_255 = vector.shape_cast %get3A_254 : vector<1x16xf32> to vector<16xf32>
        %get3A_256 = arith.index_cast %add3A_120 : i32 to index
        %get3A_257 = arith.index_cast %squeeze3A_124 : i32 to index
        %get3A_258 = tpu.vector_load %arg26[%get3A_256, %get3A_257] {strides = array<i32>} : memref<128x128xf32, #tpu.memory_space<vmem>>, vector<1x16xf32>,
        %get3A_259 = vector.shape_cast %get3A_258 : vector<1x16xf32> to vector<16xf32>
        %mul3A_260 = arith.mulf %get3A_255, %get3A_259 : vector<16xf32>
        %get3A_261 = arith.index_cast %add3A_128 : i32 to index
        %get3A_262 = arith.index_cast %squeeze3A_130 : i32 to index
        %get3A_263 = tpu.vector_load %arg25[%get3A_261, %get3A_262] {strides = array<i32>} : memref<128x128xf32, #tpu.memory_space<vmem>>, vector<1x16xf32>,
        %get3A_264 = vector.shape_cast %get3A_263 : vector<1x16xf32> to vector<16xf32>
        %get3A_265 = arith.index_cast %add3A_128 : i32 to index
        %get3A_266 = arith.index_cast %squeeze3A_132 : i32 to index
        %get3A_267 = tpu.vector_load %arg26[%get3A_265, %get3A_266] {strides = array<i32>} : memref<128x128xf32, #tpu.memory_space<vmem>>, vector<1x16xf32>,
        %get3A_268 = vector.shape_cast %get3A_267 : vector<1x16xf32> to vector<16xf32>
        %mul3A_269 = arith.mulf %get3A_264, %get3A_268 : vector<16xf32>
        %get3A_270 = arith.index_cast %add3A_136 : i32 to index
        %get3A_271 = arith.index_cast %squeeze3A_138 : i32 to index
        %get3A_272 = tpu.vector_load %arg25[%get3A_270, %get3A_271] {strides = array<i32>} : memref<128x128xf32, #tpu.memory_space<vmem>>, vector<1x16xf32>,
        %get3A_273 = vector.shape_cast %get3A_272 : vector<1x16xf32> to vector<16xf32>
        %get3A_274 = arith.index_cast %add3A_136 : i32 to index
        %get3A_275 = arith.index_cast %squeeze3A_140 : i32 to index
        %get3A_276 = tpu.vector_load %arg26[%get3A_274, %get3A_275] {strides = array<i32>} : memref<128x128xf32, #tpu.memory_space<vmem>>, vector<1x16xf32>,
        %get3A_277 = vector.shape_cast %get3A_276 : vector<1x16xf32> to vector<16xf32>
        %mul3A_278 = arith.mulf %get3A_273, %get3A_277 : vector<16xf32>
        %get3A_279 = arith.index_cast %add3A_144 : i32 to index
        %get3A_280 = arith.index_cast %squeeze3A_146 : i32 to index
        %get3A_281 = tpu.vector_load %arg25[%get3A_279, %get3A_280] {strides = array<i32>} : memref<128x128xf32, #tpu.memory_space<vmem>>, vector<1x16xf32>,
        %get3A_282 = vector.shape_cast %get3A_281 : vector<1x16xf32> to vector<16xf32>
        %get3A_283 = arith.index_cast %add3A_144 : i32 to index
        %get3A_284 = arith.index_cast %squeeze3A_148 : i32 to index
        %get3A_285 = tpu.vector_load %arg26[%get3A_283, %get3A_284] {strides = array<i32>} : memref<128x128xf32, #tpu.memory_space<vmem>>, vector<1x16xf32>,
        %get3A_286 = vector.shape_cast %get3A_285 : vector<1x16xf32> to vector<16xf32>
        %mul3A_287 = arith.mulf %get3A_282, %get3A_286 : vector<16xf32>
        %get3A_288 = arith.index_cast %add3A_152 : i32 to index
        %get3A_289 = arith.index_cast %squeeze3A_154 : i32 to index
        %get3A_290 = tpu.vector_load %arg25[%get3A_288, %get3A_289] {strides = array<i32>} : memref<128x128xf32, #tpu.memory_space<vmem>>, vector<1x16xf32>,
        %get3A_291 = vector.shape_cast %get3A_290 : vector<1x16xf32> to vector<16xf32>
        %get3A_292 = arith.index_cast %add3A_152 : i32 to index
        %get3A_293 = arith.index_cast %squeeze3A_156 : i32 to index
        %get3A_294 = tpu.vector_load %arg26[%get3A_292, %get3A_293] {strides = array<i32>} : memref<128x128xf32, #tpu.memory_space<vmem>>, vector<1x16xf32>,
        %get3A_295 = vector.shape_cast %get3A_294 : vector<1x16xf32> to vector<16xf32>
        %mul3A_296 = arith.mulf %get3A_291, %get3A_295 : vector<16xf32>
        %get3A_297 = arith.index_cast %add3A_160 : i32 to index
        %get3A_298 = arith.index_cast %squeeze3A_162 : i32 to index
        %get3A_299 = tpu.vector_load %arg25[%get3A_297, %get3A_298] {strides = array<i32>} : memref<128x128xf32, #tpu.memory_space<vmem>>, vector<1x16xf32>,
        %get3A_300 = vector.shape_cast %get3A_299 : vector<1x16xf32> to vector<16xf32>
        %get3A_301 = arith.index_cast %add3A_160 : i32 to index
        %get3A_302 = arith.index_cast %squeeze3A_164 : i32 to index
        %get3A_303 = tpu.vector_load %arg26[%get3A_301, %get3A_302] {strides = array<i32>} : memref<128x128xf32, #tpu.memory_space<vmem>>, vector<1x16xf32>,
        %get3A_304 = vector.shape_cast %get3A_303 : vector<1x16xf32> to vector<16xf32>
        %mul3A_305 = arith.mulf %get3A_300, %get3A_304 : vector<16xf32>
        %get3A_306 = arith.index_cast %add3A_168 : i32 to index
        %get3A_307 = arith.index_cast %squeeze3A_170 : i32 to index
        %get3A_308 = tpu.vector_load %arg25[%get3A_306, %get3A_307] {strides = array<i32>} : memref<128x128xf32, #tpu.memory_space<vmem>>, vector<1x16xf32>,
        %get3A_309 = vector.shape_cast %get3A_308 : vector<1x16xf32> to vector<16xf32>
        %get3A_310 = arith.index_cast %add3A_168 : i32 to index
        %get3A_311 = arith.index_cast %squeeze3A_172 : i32 to index
        %get3A_312 = tpu.vector_load %arg26[%get3A_310, %get3A_311] {strides = array<i32>} : memref<128x128xf32, #tpu.memory_space<vmem>>, vector<1x16xf32>,
        %get3A_313 = vector.shape_cast %get3A_312 : vector<1x16xf32> to vector<16xf32>
        %mul3A_314 = arith.mulf %get3A_309, %get3A_313 : vector<16xf32>
        %get3A_315 = arith.index_cast %add3A_176 : i32 to index
        %get3A_316 = arith.index_cast %squeeze3A_178 : i32 to index
        %get3A_317 = tpu.vector_load %arg25[%get3A_315, %get3A_316] {strides = array<i32>} : memref<128x128xf32, #tpu.memory_space<vmem>>, vector<1x16xf32>,
        %get3A_318 = vector.shape_cast %get3A_317 : vector<1x16xf32> to vector<16xf32>
        %get3A_319 = arith.index_cast %add3A_176 : i32 to index
        %get3A_320 = arith.index_cast %squeeze3A_180 : i32 to index
        %get3A_321 = tpu.vector_load %arg26[%get3A_319, %get3A_320] {strides = array<i32>} : memref<128x128xf32, #tpu.memory_space<vmem>>, vector<1x16xf32>,
        %get3A_322 = vector.shape_cast %get3A_321 : vector<1x16xf32> to vector<16xf32>
        %mul3A_323 = arith.mulf %get3A_318, %get3A_322 : vector<16xf32>
        %get3A_324 = arith.index_cast %add3A_184 : i32 to index
        %get3A_325 = arith.index_cast %squeeze3A_186 : i32 to index
        %get3A_326 = tpu.vector_load %arg25[%get3A_324, %get3A_325] {strides = array<i32>} : memref<128x128xf32, #tpu.memory_space<vmem>>, vector<1x16xf32>,
        %get3A_327 = vector.shape_cast %get3A_326 : vector<1x16xf32> to vector<16xf32>
        %get3A_328 = arith.index_cast %add3A_184 : i32 to index
        %get3A_329 = arith.index_cast %squeeze3A_188 : i32 to index
        %get3A_330 = tpu.vector_load %arg26[%get3A_328, %get3A_329] {strides = array<i32>} : memref<128x128xf32, #tpu.memory_space<vmem>>, vector<1x16xf32>,
        %get3A_331 = vector.shape_cast %get3A_330 : vector<1x16xf32> to vector<16xf32>
        %mul3A_332 = arith.mulf %get3A_327, %get3A_331 : vector<16xf32>
        %get3A_333 = arith.index_cast %add3A_192 : i32 to index
        %get3A_334 = arith.index_cast %squeeze3A_194 : i32 to index
        %get3A_335 = tpu.vector_load %arg25[%get3A_333, %get3A_334] {strides = array<i32>} : memref<128x128xf32, #tpu.memory_space<vmem>>, vector<1x16xf32>,
        %get3A_336 = vector.shape_cast %get3A_335 : vector<1x16xf32> to vector<16xf32>
        %get3A_337 = arith.index_cast %add3A_192 : i32 to index
        %get3A_338 = arith.index_cast %squeeze3A_196 : i32 to index
        %get3A_339 = tpu.vector_load %arg26[%get3A_337, %get3A_338] {strides = array<i32>} : memref<128x128xf32, #tpu.memory_space<vmem>>, vector<1x16xf32>,
        %get3A_340 = vector.shape_cast %get3A_339 : vector<1x16xf32> to vector<16xf32>
        %mul3A_341 = arith.mulf %get3A_336, %get3A_340 : vector<16xf32>
        %get3A_342 = arith.index_cast %add3A_200 : i32 to index
        %get3A_343 = arith.index_cast %squeeze3A_202 : i32 to index
        %get3A_344 = tpu.vector_load %arg25[%get3A_342, %get3A_343] {strides = array<i32>} : memref<128x128xf32, #tpu.memory_space<vmem>>, vector<1x16xf32>,
        %get3A_345 = vector.shape_cast %get3A_344 : vector<1x16xf32> to vector<16xf32>
        %get3A_346 = arith.index_cast %add3A_200 : i32 to index
        %get3A_347 = arith.index_cast %squeeze3A_204 : i32 to index
        %get3A_348 = tpu.vector_load %arg26[%get3A_346, %get3A_347] {strides = array<i32>} : memref<128x128xf32, #tpu.memory_space<vmem>>, vector<1x16xf32>,
        %get3A_349 = vector.shape_cast %get3A_348 : vector<1x16xf32> to vector<16xf32>
        %mul3A_350 = arith.mulf %get3A_345, %get3A_349 : vector<16xf32>
        %get3A_351 = arith.index_cast %add3A_208 : i32 to index
        %get3A_352 = arith.index_cast %squeeze3A_210 : i32 to index
        %get3A_353 = tpu.vector_load %arg25[%get3A_351, %get3A_352] {strides = array<i32>} : memref<128x128xf32, #tpu.memory_space<vmem>>, vector<1x16xf32>,
        %get3A_354 = vector.shape_cast %get3A_353 : vector<1x16xf32> to vector<16xf32>
        %get3A_355 = arith.index_cast %add3A_208 : i32 to index
        %get3A_356 = arith.index_cast %squeeze3A_212 : i32 to index
        %get3A_357 = tpu.vector_load %arg26[%get3A_355, %get3A_356] {strides = array<i32>} : memref<128x128xf32, #tpu.memory_space<vmem>>, vector<1x16xf32>,
        %get3A_358 = vector.shape_cast %get3A_357 : vector<1x16xf32> to vector<16xf32>
        %mul3A_359 = arith.mulf %get3A_354, %get3A_358 : vector<16xf32>
        %and3A = arith.constant 8 : i32
        %and3A_360 = vector.broadcast %and3A : i32 to vector<16xi32>
        %and3A_361 = arith.andi %iota3A, %and3A_360 : vector<16xi32>
        %eq3A = arith.constant 0 : i32
        %eq3A_362 = vector.broadcast %eq3A : i32 to vector<16xi32>
        %eq3A_363 = arith.cmpi eq, %and3A_361, %eq3A_362 : vector<16xi32>
        %xor3A = arith.constant 8 : i32
        %xor3A_364 = vector.broadcast %xor3A : i32 to vector<16xi32>
        %xor3A_365 = arith.xori %iota3A, %xor3A_364 : vector<16xi32>
        %lt3A = arith.constant 0 : i32
        %lt3A_366 = vector.broadcast %lt3A : i32 to vector<16xi32>
        %lt3A_367 = arith.cmpi slt, %xor3A_365, %lt3A_366 : vector<16xi32>
        %add3A_368 = arith.constant 16 : i32
        %add3A_369 = vector.broadcast %add3A_368 : i32 to vector<16xi32>
        %add3A_370 = arith.addi %xor3A_365, %add3A_369 : vector<16xi32>
        %select_n3A = arith.select %lt3A_367, %add3A_370, %xor3A_365 : vector<16xi1>, vector<16xi32>
        %broadcast_in_dim3A_371 = vector.shape_cast %select_n3A : vector<16xi32> to vector<16x1xi32>
        %gather3A = vector.shape_cast %broadcast_in_dim3A_371 : vector<16x1xi32> to vector<16xi32>
        %gather3A_372 = tpu.dynamic_gather %mul3A_233[%gather3A] in [0] : vector<16xf32>, vector<16xi32> -> vector<16xf32>
        %select_n3A_373 = arith.select %eq3A_363, %mul3A_224, %gather3A_372 : vector<16xi1>, vector<16xf32>
        %lt3A_374 = arith.constant 0 : i32
        %lt3A_375 = vector.broadcast %lt3A_374 : i32 to vector<16xi32>
        %lt3A_376 = arith.cmpi slt, %xor3A_365, %lt3A_375 : vector<16xi32>
        %add3A_377 = arith.constant 16 : i32
        %add3A_378 = vector.broadcast %add3A_377 : i32 to vector<16xi32>
        %add3A_379 = arith.addi %xor3A_365, %add3A_378 : vector<16xi32>
        %select_n3A_380 = arith.select %lt3A_376, %add3A_379, %xor3A_365 : vector<16xi1>, vector<16xi32>
        %broadcast_in_dim3A_381 = vector.shape_cast %select_n3A_380 : vector<16xi32> to vector<16x1xi32>
        %gather3A_382 = vector.shape_cast %broadcast_in_dim3A_381 : vector<16x1xi32> to vector<16xi32>
        %gather3A_383 = tpu.dynamic_gather %mul3A_224[%gather3A_382] in [0] : vector<16xf32>, vector<16xi32> -> vector<16xf32>
        %select_n3A_384 = arith.select %eq3A_363, %gather3A_383, %mul3A_233 : vector<16xi1>, vector<16xf32>
        %add3A_385 = arith.addf %select_n3A_373, %select_n3A_384 : vector<16xf32>
        %lt3A_386 = arith.constant 0 : i32
        %lt3A_387 = vector.broadcast %lt3A_386 : i32 to vector<16xi32>
        %lt3A_388 = arith.cmpi slt, %xor3A_365, %lt3A_387 : vector<16xi32>
        %add3A_389 = arith.constant 16 : i32
        %add3A_390 = vector.broadcast %add3A_389 : i32 to vector<16xi32>
        %add3A_391 = arith.addi %xor3A_365, %add3A_390 : vector<16xi32>
        %select_n3A_392 = arith.select %lt3A_388, %add3A_391, %xor3A_365 : vector<16xi1>, vector<16xi32>
        %broadcast_in_dim3A_393 = vector.shape_cast %select_n3A_392 : vector<16xi32> to vector<16x1xi32>
        %gather3A_394 = vector.shape_cast %broadcast_in_dim3A_393 : vector<16x1xi32> to vector<16xi32>
        %gather3A_395 = tpu.dynamic_gather %mul3A_251[%gather3A_394] in [0] : vector<16xf32>, vector<16xi32> -> vector<16xf32>
        %select_n3A_396 = arith.select %eq3A_363, %mul3A_242, %gather3A_395 : vector<16xi1>, vector<16xf32>
        %lt3A_397 = arith.constant 0 : i32
        %lt3A_398 = vector.broadcast %lt3A_397 : i32 to vector<16xi32>
        %lt3A_399 = arith.cmpi slt, %xor3A_365, %lt3A_398 : vector<16xi32>
        %add3A_400 = arith.constant 16 : i32
        %add3A_401 = vector.broadcast %add3A_400 : i32 to vector<16xi32>
        %add3A_402 = arith.addi %xor3A_365, %add3A_401 : vector<16xi32>
        %select_n3A_403 = arith.select %lt3A_399, %add3A_402, %xor3A_365 : vector<16xi1>, vector<16xi32>
        %broadcast_in_dim3A_404 = vector.shape_cast %select_n3A_403 : vector<16xi32> to vector<16x1xi32>
        %gather3A_405 = vector.shape_cast %broadcast_in_dim3A_404 : vector<16x1xi32> to vector<16xi32>
        %gather3A_406 = tpu.dynamic_gather %mul3A_242[%gather3A_405] in [0] : vector<16xf32>, vector<16xi32> -> vector<16xf32>
        %select_n3A_407 = arith.select %eq3A_363, %gather3A_406, %mul3A_251 : vector<16xi1>, vector<16xf32>
        %add3A_408 = arith.addf %select_n3A_396, %select_n3A_407 : vector<16xf32>
        %lt3A_409 = arith.constant 0 : i32
        %lt3A_410 = vector.broadcast %lt3A_409 : i32 to vector<16xi32>
        %lt3A_411 = arith.cmpi slt, %xor3A_365, %lt3A_410 : vector<16xi32>
        %add3A_412 = arith.constant 16 : i32
        %add3A_413 = vector.broadcast %add3A_412 : i32 to vector<16xi32>
        %add3A_414 = arith.addi %xor3A_365, %add3A_413 : vector<16xi32>
        %select_n3A_415 = arith.select %lt3A_411, %add3A_414, %xor3A_365 : vector<16xi1>, vector<16xi32>
        %broadcast_in_dim3A_416 = vector.shape_cast %select_n3A_415 : vector<16xi32> to vector<16x1xi32>
        %gather3A_417 = vector.shape_cast %broadcast_in_dim3A_416 : vector<16x1xi32> to vector<16xi32>
        %gather3A_418 = tpu.dynamic_gather %mul3A_269[%gather3A_417] in [0] : vector<16xf32>, vector<16xi32> -> vector<16xf32>
        %select_n3A_419 = arith.select %eq3A_363, %mul3A_260, %gather3A_418 : vector<16xi1>, vector<16xf32>
        %lt3A_420 = arith.constant 0 : i32
        %lt3A_421 = vector.broadcast %lt3A_420 : i32 to vector<16xi32>
        %lt3A_422 = arith.cmpi slt, %xor3A_365, %lt3A_421 : vector<16xi32>
        %add3A_423 = arith.constant 16 : i32
        %add3A_424 = vector.broadcast %add3A_423 : i32 to vector<16xi32>
        %add3A_425 = arith.addi %xor3A_365, %add3A_424 : vector<16xi32>
        %select_n3A_426 = arith.select %lt3A_422, %add3A_425, %xor3A_365 : vector<16xi1>, vector<16xi32>
        %broadcast_in_dim3A_427 = vector.shape_cast %select_n3A_426 : vector<16xi32> to vector<16x1xi32>
        %gather3A_428 = vector.shape_cast %broadcast_in_dim3A_427 : vector<16x1xi32> to vector<16xi32>
        %gather3A_429 = tpu.dynamic_gather %mul3A_260[%gather3A_428] in [0] : vector<16xf32>, vector<16xi32> -> vector<16xf32>
        %select_n3A_430 = arith.select %eq3A_363, %gather3A_429, %mul3A_269 : vector<16xi1>, vector<16xf32>
        %add3A_431 = arith.addf %select_n3A_419, %select_n3A_430 : vector<16xf32>
        %lt3A_432 = arith.constant 0 : i32
        %lt3A_433 = vector.broadcast %lt3A_432 : i32 to vector<16xi32>
        %lt3A_434 = arith.cmpi slt, %xor3A_365, %lt3A_433 : vector<16xi32>
        %add3A_435 = arith.constant 16 : i32
        %add3A_436 = vector.broadcast %add3A_435 : i32 to vector<16xi32>
        %add3A_437 = arith.addi %xor3A_365, %add3A_436 : vector<16xi32>
        %select_n3A_438 = arith.select %lt3A_434, %add3A_437, %xor3A_365 : vector<16xi1>, vector<16xi32>
        %broadcast_in_dim3A_439 = vector.shape_cast %select_n3A_438 : vector<16xi32> to vector<16x1xi32>
        %gather3A_440 = vector.shape_cast %broadcast_in_dim3A_439 : vector<16x1xi32> to vector<16xi32>
        %gather3A_441 = tpu.dynamic_gather %mul3A_287[%gather3A_440] in [0] : vector<16xf32>, vector<16xi32> -> vector<16xf32>
        %select_n3A_442 = arith.select %eq3A_363, %mul3A_278, %gather3A_441 : vector<16xi1>, vector<16xf32>
        %lt3A_443 = arith.constant 0 : i32
        %lt3A_444 = vector.broadcast %lt3A_443 : i32 to vector<16xi32>
        %lt3A_445 = arith.cmpi slt, %xor3A_365, %lt3A_444 : vector<16xi32>
        %add3A_446 = arith.constant 16 : i32
        %add3A_447 = vector.broadcast %add3A_446 : i32 to vector<16xi32>
        %add3A_448 = arith.addi %xor3A_365, %add3A_447 : vector<16xi32>
        %select_n3A_449 = arith.select %lt3A_445, %add3A_448, %xor3A_365 : vector<16xi1>, vector<16xi32>
        %broadcast_in_dim3A_450 = vector.shape_cast %select_n3A_449 : vector<16xi32> to vector<16x1xi32>
        %gather3A_451 = vector.shape_cast %broadcast_in_dim3A_450 : vector<16x1xi32> to vector<16xi32>
        %gather3A_452 = tpu.dynamic_gather %mul3A_278[%gather3A_451] in [0] : vector<16xf32>, vector<16xi32> -> vector<16xf32>
        %select_n3A_453 = arith.select %eq3A_363, %gather3A_452, %mul3A_287 : vector<16xi1>, vector<16xf32>
        %add3A_454 = arith.addf %select_n3A_442, %select_n3A_453 : vector<16xf32>
        %lt3A_455 = arith.constant 0 : i32
        %lt3A_456 = vector.broadcast %lt3A_455 : i32 to vector<16xi32>
        %lt3A_457 = arith.cmpi slt, %xor3A_365, %lt3A_456 : vector<16xi32>
        %add3A_458 = arith.constant 16 : i32
        %add3A_459 = vector.broadcast %add3A_458 : i32 to vector<16xi32>
        %add3A_460 = arith.addi %xor3A_365, %add3A_459 : vector<16xi32>
        %select_n3A_461 = arith.select %lt3A_457, %add3A_460, %xor3A_365 : vector<16xi1>, vector<16xi32>
        %broadcast_in_dim3A_462 = vector.shape_cast %select_n3A_461 : vector<16xi32> to vector<16x1xi32>
        %gather3A_463 = vector.shape_cast %broadcast_in_dim3A_462 : vector<16x1xi32> to vector<16xi32>
        %gather3A_464 = tpu.dynamic_gather %mul3A_305[%gather3A_463] in [0] : vector<16xf32>, vector<16xi32> -> vector<16xf32>
        %select_n3A_465 = arith.select %eq3A_363, %mul3A_296, %gather3A_464 : vector<16xi1>, vector<16xf32>
        %lt3A_466 = arith.constant 0 : i32
        %lt3A_467 = vector.broadcast %lt3A_466 : i32 to vector<16xi32>
        %lt3A_468 = arith.cmpi slt, %xor3A_365, %lt3A_467 : vector<16xi32>
        %add3A_469 = arith.constant 16 : i32
        %add3A_470 = vector.broadcast %add3A_469 : i32 to vector<16xi32>
        %add3A_471 = arith.addi %xor3A_365, %add3A_470 : vector<16xi32>
        %select_n3A_472 = arith.select %lt3A_468, %add3A_471, %xor3A_365 : vector<16xi1>, vector<16xi32>
        %broadcast_in_dim3A_473 = vector.shape_cast %select_n3A_472 : vector<16xi32> to vector<16x1xi32>
        %gather3A_474 = vector.shape_cast %broadcast_in_dim3A_473 : vector<16x1xi32> to vector<16xi32>
        %gather3A_475 = tpu.dynamic_gather %mul3A_296[%gather3A_474] in [0] : vector<16xf32>, vector<16xi32> -> vector<16xf32>
        %select_n3A_476 = arith.select %eq3A_363, %gather3A_475, %mul3A_305 : vector<16xi1>, vector<16xf32>
        %add3A_477 = arith.addf %select_n3A_465, %select_n3A_476 : vector<16xf32>
        %lt3A_478 = arith.constant 0 : i32
        %lt3A_479 = vector.broadcast %lt3A_478 : i32 to vector<16xi32>
        %lt3A_480 = arith.cmpi slt, %xor3A_365, %lt3A_479 : vector<16xi32>
        %add3A_481 = arith.constant 16 : i32
        %add3A_482 = vector.broadcast %add3A_481 : i32 to vector<16xi32>
        %add3A_483 = arith.addi %xor3A_365, %add3A_482 : vector<16xi32>
        %select_n3A_484 = arith.select %lt3A_480, %add3A_483, %xor3A_365 : vector<16xi1>, vector<16xi32>
        %broadcast_in_dim3A_485 = vector.shape_cast %select_n3A_484 : vector<16xi32> to vector<16x1xi32>
        %gather3A_486 = vector.shape_cast %broadcast_in_dim3A_485 : vector<16x1xi32> to vector<16xi32>
        %gather3A_487 = tpu.dynamic_gather %mul3A_323[%gather3A_486] in [0] : vector<16xf32>, vector<16xi32> -> vector<16xf32>
        %select_n3A_488 = arith.select %eq3A_363, %mul3A_314, %gather3A_487 : vector<16xi1>, vector<16xf32>
        %lt3A_489 = arith.constant 0 : i32
        %lt3A_490 = vector.broadcast %lt3A_489 : i32 to vector<16xi32>
        %lt3A_491 = arith.cmpi slt, %xor3A_365, %lt3A_490 : vector<16xi32>
        %add3A_492 = arith.constant 16 : i32
        %add3A_493 = vector.broadcast %add3A_492 : i32 to vector<16xi32>
        %add3A_494 = arith.addi %xor3A_365, %add3A_493 : vector<16xi32>
        %select_n3A_495 = arith.select %lt3A_491, %add3A_494, %xor3A_365 : vector<16xi1>, vector<16xi32>
        %broadcast_in_dim3A_496 = vector.shape_cast %select_n3A_495 : vector<16xi32> to vector<16x1xi32>
        %gather3A_497 = vector.shape_cast %broadcast_in_dim3A_496 : vector<16x1xi32> to vector<16xi32>
        %gather3A_498 = tpu.dynamic_gather %mul3A_314[%gather3A_497] in [0] : vector<16xf32>, vector<16xi32> -> vector<16xf32>
        %select_n3A_499 = arith.select %eq3A_363, %gather3A_498, %mul3A_323 : vector<16xi1>, vector<16xf32>
        %add3A_500 = arith.addf %select_n3A_488, %select_n3A_499 : vector<16xf32>
        %lt3A_501 = arith.constant 0 : i32
        %lt3A_502 = vector.broadcast %lt3A_501 : i32 to vector<16xi32>
        %lt3A_503 = arith.cmpi slt, %xor3A_365, %lt3A_502 : vector<16xi32>
        %add3A_504 = arith.constant 16 : i32
        %add3A_505 = vector.broadcast %add3A_504 : i32 to vector<16xi32>
        %add3A_506 = arith.addi %xor3A_365, %add3A_505 : vector<16xi32>
        %select_n3A_507 = arith.select %lt3A_503, %add3A_506, %xor3A_365 : vector<16xi1>, vector<16xi32>
        %broadcast_in_dim3A_508 = vector.shape_cast %select_n3A_507 : vector<16xi32> to vector<16x1xi32>
        %gather3A_509 = vector.shape_cast %broadcast_in_dim3A_508 : vector<16x1xi32> to vector<16xi32>
        %gather3A_510 = tpu.dynamic_gather %mul3A_341[%gather3A_509] in [0] : vector<16xf32>, vector<16xi32> -> vector<16xf32>
        %select_n3A_511 = arith.select %eq3A_363, %mul3A_332, %gather3A_510 : vector<16xi1>, vector<16xf32>
        %lt3A_512 = arith.constant 0 : i32
        %lt3A_513 = vector.broadcast %lt3A_512 : i32 to vector<16xi32>
        %lt3A_514 = arith.cmpi slt, %xor3A_365, %lt3A_513 : vector<16xi32>
        %add3A_515 = arith.constant 16 : i32
        %add3A_516 = vector.broadcast %add3A_515 : i32 to vector<16xi32>
        %add3A_517 = arith.addi %xor3A_365, %add3A_516 : vector<16xi32>
        %select_n3A_518 = arith.select %lt3A_514, %add3A_517, %xor3A_365 : vector<16xi1>, vector<16xi32>
        %broadcast_in_dim3A_519 = vector.shape_cast %select_n3A_518 : vector<16xi32> to vector<16x1xi32>
        %gather3A_520 = vector.shape_cast %broadcast_in_dim3A_519 : vector<16x1xi32> to vector<16xi32>
        %gather3A_521 = tpu.dynamic_gather %mul3A_332[%gather3A_520] in [0] : vector<16xf32>, vector<16xi32> -> vector<16xf32>
        %select_n3A_522 = arith.select %eq3A_363, %gather3A_521, %mul3A_341 : vector<16xi1>, vector<16xf32>
        %add3A_523 = arith.addf %select_n3A_511, %select_n3A_522 : vector<16xf32>
        %lt3A_524 = arith.constant 0 : i32
        %lt3A_525 = vector.broadcast %lt3A_524 : i32 to vector<16xi32>
        %lt3A_526 = arith.cmpi slt, %xor3A_365, %lt3A_525 : vector<16xi32>
        %add3A_527 = arith.constant 16 : i32
        %add3A_528 = vector.broadcast %add3A_527 : i32 to vector<16xi32>
        %add3A_529 = arith.addi %xor3A_365, %add3A_528 : vector<16xi32>
        %select_n3A_530 = arith.select %lt3A_526, %add3A_529, %xor3A_365 : vector<16xi1>, vector<16xi32>
        %broadcast_in_dim3A_531 = vector.shape_cast %select_n3A_530 : vector<16xi32> to vector<16x1xi32>
        %gather3A_532 = vector.shape_cast %broadcast_in_dim3A_531 : vector<16x1xi32> to vector<16xi32>
        %gather3A_533 = tpu.dynamic_gather %mul3A_359[%gather3A_532] in [0] : vector<16xf32>, vector<16xi32> -> vector<16xf32>
        %select_n3A_534 = arith.select %eq3A_363, %mul3A_350, %gather3A_533 : vector<16xi1>, vector<16xf32>
        %lt3A_535 = arith.constant 0 : i32
        %lt3A_536 = vector.broadcast %lt3A_535 : i32 to vector<16xi32>
        %lt3A_537 = arith.cmpi slt, %xor3A_365, %lt3A_536 : vector<16xi32>
        %add3A_538 = arith.constant 16 : i32
        %add3A_539 = vector.broadcast %add3A_538 : i32 to vector<16xi32>
        %add3A_540 = arith.addi %xor3A_365, %add3A_539 : vector<16xi32>
        %select_n3A_541 = arith.select %lt3A_537, %add3A_540, %xor3A_365 : vector<16xi1>, vector<16xi32>
        %broadcast_in_dim3A_542 = vector.shape_cast %select_n3A_541 : vector<16xi32> to vector<16x1xi32>
        %gather3A_543 = vector.shape_cast %broadcast_in_dim3A_542 : vector<16x1xi32> to vector<16xi32>
        %gather3A_544 = tpu.dynamic_gather %mul3A_350[%gather3A_543] in [0] : vector<16xf32>, vector<16xi32> -> vector<16xf32>
        %select_n3A_545 = arith.select %eq3A_363, %gather3A_544, %mul3A_359 : vector<16xi1>, vector<16xf32>
        %add3A_546 = arith.addf %select_n3A_534, %select_n3A_545 : vector<16xf32>
        %and3A_547 = arith.constant 4 : i32
        %and3A_548 = vector.broadcast %and3A_547 : i32 to vector<16xi32>
        %and3A_549 = arith.andi %iota3A, %and3A_548 : vector<16xi32>
        %eq3A_550 = arith.constant 0 : i32
        %eq3A_551 = vector.broadcast %eq3A_550 : i32 to vector<16xi32>
        %eq3A_552 = arith.cmpi eq, %and3A_549, %eq3A_551 : vector<16xi32>
        %xor3A_553 = arith.constant 4 : i32
        %xor3A_554 = vector.broadcast %xor3A_553 : i32 to vector<16xi32>
        %xor3A_555 = arith.xori %iota3A, %xor3A_554 : vector<16xi32>
        %lt3A_556 = arith.constant 0 : i32
        %lt3A_557 = vector.broadcast %lt3A_556 : i32 to vector<16xi32>
        %lt3A_558 = arith.cmpi slt, %xor3A_555, %lt3A_557 : vector<16xi32>
        %add3A_559 = arith.constant 16 : i32
        %add3A_560 = vector.broadcast %add3A_559 : i32 to vector<16xi32>
        %add3A_561 = arith.addi %xor3A_555, %add3A_560 : vector<16xi32>
        %select_n3A_562 = arith.select %lt3A_558, %add3A_561, %xor3A_555 : vector<16xi1>, vector<16xi32>
        %broadcast_in_dim3A_563 = vector.shape_cast %select_n3A_562 : vector<16xi32> to vector<16x1xi32>
        %gather3A_564 = vector.shape_cast %broadcast_in_dim3A_563 : vector<16x1xi32> to vector<16xi32>
        %gather3A_565 = tpu.dynamic_gather %add3A_408[%gather3A_564] in [0] : vector<16xf32>, vector<16xi32> -> vector<16xf32>
        %select_n3A_566 = arith.select %eq3A_552, %add3A_385, %gather3A_565 : vector<16xi1>, vector<16xf32>
        %lt3A_567 = arith.constant 0 : i32
        %lt3A_568 = vector.broadcast %lt3A_567 : i32 to vector<16xi32>
        %lt3A_569 = arith.cmpi slt, %xor3A_555, %lt3A_568 : vector<16xi32>
        %add3A_570 = arith.constant 16 : i32
        %add3A_571 = vector.broadcast %add3A_570 : i32 to vector<16xi32>
        %add3A_572 = arith.addi %xor3A_555, %add3A_571 : vector<16xi32>
        %select_n3A_573 = arith.select %lt3A_569, %add3A_572, %xor3A_555 : vector<16xi1>, vector<16xi32>
        %broadcast_in_dim3A_574 = vector.shape_cast %select_n3A_573 : vector<16xi32> to vector<16x1xi32>
        %gather3A_575 = vector.shape_cast %broadcast_in_dim3A_574 : vector<16x1xi32> to vector<16xi32>
        %gather3A_576 = tpu.dynamic_gather %add3A_385[%gather3A_575] in [0] : vector<16xf32>, vector<16xi32> -> vector<16xf32>
        %select_n3A_577 = arith.select %eq3A_552, %gather3A_576, %add3A_408 : vector<16xi1>, vector<16xf32>
        %add3A_578 = arith.addf %select_n3A_566, %select_n3A_577 : vector<16xf32>
        %lt3A_579 = arith.constant 0 : i32
        %lt3A_580 = vector.broadcast %lt3A_579 : i32 to vector<16xi32>
        %lt3A_581 = arith.cmpi slt, %xor3A_555, %lt3A_580 : vector<16xi32>
        %add3A_582 = arith.constant 16 : i32
        %add3A_583 = vector.broadcast %add3A_582 : i32 to vector<16xi32>
        %add3A_584 = arith.addi %xor3A_555, %add3A_583 : vector<16xi32>
        %select_n3A_585 = arith.select %lt3A_581, %add3A_584, %xor3A_555 : vector<16xi1>, vector<16xi32>
        %broadcast_in_dim3A_586 = vector.shape_cast %select_n3A_585 : vector<16xi32> to vector<16x1xi32>
        %gather3A_587 = vector.shape_cast %broadcast_in_dim3A_586 : vector<16x1xi32> to vector<16xi32>
        %gather3A_588 = tpu.dynamic_gather %add3A_454[%gather3A_587] in [0] : vector<16xf32>, vector<16xi32> -> vector<16xf32>
        %select_n3A_589 = arith.select %eq3A_552, %add3A_431, %gather3A_588 : vector<16xi1>, vector<16xf32>
        %lt3A_590 = arith.constant 0 : i32
        %lt3A_591 = vector.broadcast %lt3A_590 : i32 to vector<16xi32>
        %lt3A_592 = arith.cmpi slt, %xor3A_555, %lt3A_591 : vector<16xi32>
        %add3A_593 = arith.constant 16 : i32
        %add3A_594 = vector.broadcast %add3A_593 : i32 to vector<16xi32>
        %add3A_595 = arith.addi %xor3A_555, %add3A_594 : vector<16xi32>
        %select_n3A_596 = arith.select %lt3A_592, %add3A_595, %xor3A_555 : vector<16xi1>, vector<16xi32>
        %broadcast_in_dim3A_597 = vector.shape_cast %select_n3A_596 : vector<16xi32> to vector<16x1xi32>
        %gather3A_598 = vector.shape_cast %broadcast_in_dim3A_597 : vector<16x1xi32> to vector<16xi32>
        %gather3A_599 = tpu.dynamic_gather %add3A_431[%gather3A_598] in [0] : vector<16xf32>, vector<16xi32> -> vector<16xf32>
        %select_n3A_600 = arith.select %eq3A_552, %gather3A_599, %add3A_454 : vector<16xi1>, vector<16xf32>
        %add3A_601 = arith.addf %select_n3A_589, %select_n3A_600 : vector<16xf32>
        %lt3A_602 = arith.constant 0 : i32
        %lt3A_603 = vector.broadcast %lt3A_602 : i32 to vector<16xi32>
        %lt3A_604 = arith.cmpi slt, %xor3A_555, %lt3A_603 : vector<16xi32>
        %add3A_605 = arith.constant 16 : i32
        %add3A_606 = vector.broadcast %add3A_605 : i32 to vector<16xi32>
        %add3A_607 = arith.addi %xor3A_555, %add3A_606 : vector<16xi32>
        %select_n3A_608 = arith.select %lt3A_604, %add3A_607, %xor3A_555 : vector<16xi1>, vector<16xi32>
        %broadcast_in_dim3A_609 = vector.shape_cast %select_n3A_608 : vector<16xi32> to vector<16x1xi32>
        %gather3A_610 = vector.shape_cast %broadcast_in_dim3A_609 : vector<16x1xi32> to vector<16xi32>
        %gather3A_611 = tpu.dynamic_gather %add3A_500[%gather3A_610] in [0] : vector<16xf32>, vector<16xi32> -> vector<16xf32>
        %select_n3A_612 = arith.select %eq3A_552, %add3A_477, %gather3A_611 : vector<16xi1>, vector<16xf32>
        %lt3A_613 = arith.constant 0 : i32
        %lt3A_614 = vector.broadcast %lt3A_613 : i32 to vector<16xi32>
        %lt3A_615 = arith.cmpi slt, %xor3A_555, %lt3A_614 : vector<16xi32>
        %add3A_616 = arith.constant 16 : i32
        %add3A_617 = vector.broadcast %add3A_616 : i32 to vector<16xi32>
        %add3A_618 = arith.addi %xor3A_555, %add3A_617 : vector<16xi32>
        %select_n3A_619 = arith.select %lt3A_615, %add3A_618, %xor3A_555 : vector<16xi1>, vector<16xi32>
        %broadcast_in_dim3A_620 = vector.shape_cast %select_n3A_619 : vector<16xi32> to vector<16x1xi32>
        %gather3A_621 = vector.shape_cast %broadcast_in_dim3A_620 : vector<16x1xi32> to vector<16xi32>
        %gather3A_622 = tpu.dynamic_gather %add3A_477[%gather3A_621] in [0] : vector<16xf32>, vector<16xi32> -> vector<16xf32>
        %select_n3A_623 = arith.select %eq3A_552, %gather3A_622, %add3A_500 : vector<16xi1>, vector<16xf32>
        %add3A_624 = arith.addf %select_n3A_612, %select_n3A_623 : vector<16xf32>
        %lt3A_625 = arith.constant 0 : i32
        %lt3A_626 = vector.broadcast %lt3A_625 : i32 to vector<16xi32>
        %lt3A_627 = arith.cmpi slt, %xor3A_555, %lt3A_626 : vector<16xi32>
        %add3A_628 = arith.constant 16 : i32
        %add3A_629 = vector.broadcast %add3A_628 : i32 to vector<16xi32>
        %add3A_630 = arith.addi %xor3A_555, %add3A_629 : vector<16xi32>
        %select_n3A_631 = arith.select %lt3A_627, %add3A_630, %xor3A_555 : vector<16xi1>, vector<16xi32>
        %broadcast_in_dim3A_632 = vector.shape_cast %select_n3A_631 : vector<16xi32> to vector<16x1xi32>
        %gather3A_633 = vector.shape_cast %broadcast_in_dim3A_632 : vector<16x1xi32> to vector<16xi32>
        %gather3A_634 = tpu.dynamic_gather %add3A_546[%gather3A_633] in [0] : vector<16xf32>, vector<16xi32> -> vector<16xf32>
        %select_n3A_635 = arith.select %eq3A_552, %add3A_523, %gather3A_634 : vector<16xi1>, vector<16xf32>
        %lt3A_636 = arith.constant 0 : i32
        %lt3A_637 = vector.broadcast %lt3A_636 : i32 to vector<16xi32>
        %lt3A_638 = arith.cmpi slt, %xor3A_555, %lt3A_637 : vector<16xi32>
        %add3A_639 = arith.constant 16 : i32
        %add3A_640 = vector.broadcast %add3A_639 : i32 to vector<16xi32>
        %add3A_641 = arith.addi %xor3A_555, %add3A_640 : vector<16xi32>
        %select_n3A_642 = arith.select %lt3A_638, %add3A_641, %xor3A_555 : vector<16xi1>, vector<16xi32>
        %broadcast_in_dim3A_643 = vector.shape_cast %select_n3A_642 : vector<16xi32> to vector<16x1xi32>
        %gather3A_644 = vector.shape_cast %broadcast_in_dim3A_643 : vector<16x1xi32> to vector<16xi32>
        %gather3A_645 = tpu.dynamic_gather %add3A_523[%gather3A_644] in [0] : vector<16xf32>, vector<16xi32> -> vector<16xf32>
        %select_n3A_646 = arith.select %eq3A_552, %gather3A_645, %add3A_546 : vector<16xi1>, vector<16xf32>
        %add3A_647 = arith.addf %select_n3A_635, %select_n3A_646 : vector<16xf32>
        %and3A_648 = arith.constant 2 : i32
        %and3A_649 = vector.broadcast %and3A_648 : i32 to vector<16xi32>
        %and3A_650 = arith.andi %iota3A, %and3A_649 : vector<16xi32>
        %eq3A_651 = arith.constant 0 : i32
        %eq3A_652 = vector.broadcast %eq3A_651 : i32 to vector<16xi32>
        %eq3A_653 = arith.cmpi eq, %and3A_650, %eq3A_652 : vector<16xi32>
        %xor3A_654 = arith.constant 2 : i32
        %xor3A_655 = vector.broadcast %xor3A_654 : i32 to vector<16xi32>
        %xor3A_656 = arith.xori %iota3A, %xor3A_655 : vector<16xi32>
        %lt3A_657 = arith.constant 0 : i32
        %lt3A_658 = vector.broadcast %lt3A_657 : i32 to vector<16xi32>
        %lt3A_659 = arith.cmpi slt, %xor3A_656, %lt3A_658 : vector<16xi32>
        %add3A_660 = arith.constant 16 : i32
        %add3A_661 = vector.broadcast %add3A_660 : i32 to vector<16xi32>
        %add3A_662 = arith.addi %xor3A_656, %add3A_661 : vector<16xi32>
        %select_n3A_663 = arith.select %lt3A_659, %add3A_662, %xor3A_656 : vector<16xi1>, vector<16xi32>
        %broadcast_in_dim3A_664 = vector.shape_cast %select_n3A_663 : vector<16xi32> to vector<16x1xi32>
        %gather3A_665 = vector.shape_cast %broadcast_in_dim3A_664 : vector<16x1xi32> to vector<16xi32>
        %gather3A_666 = tpu.dynamic_gather %add3A_601[%gather3A_665] in [0] : vector<16xf32>, vector<16xi32> -> vector<16xf32>
        %select_n3A_667 = arith.select %eq3A_653, %add3A_578, %gather3A_666 : vector<16xi1>, vector<16xf32>
        %lt3A_668 = arith.constant 0 : i32
        %lt3A_669 = vector.broadcast %lt3A_668 : i32 to vector<16xi32>
        %lt3A_670 = arith.cmpi slt, %xor3A_656, %lt3A_669 : vector<16xi32>
        %add3A_671 = arith.constant 16 : i32
        %add3A_672 = vector.broadcast %add3A_671 : i32 to vector<16xi32>
        %add3A_673 = arith.addi %xor3A_656, %add3A_672 : vector<16xi32>
        %select_n3A_674 = arith.select %lt3A_670, %add3A_673, %xor3A_656 : vector<16xi1>, vector<16xi32>
        %broadcast_in_dim3A_675 = vector.shape_cast %select_n3A_674 : vector<16xi32> to vector<16x1xi32>
        %gather3A_676 = vector.shape_cast %broadcast_in_dim3A_675 : vector<16x1xi32> to vector<16xi32>
        %gather3A_677 = tpu.dynamic_gather %add3A_578[%gather3A_676] in [0] : vector<16xf32>, vector<16xi32> -> vector<16xf32>
        %select_n3A_678 = arith.select %eq3A_653, %gather3A_677, %add3A_601 : vector<16xi1>, vector<16xf32>
        %add3A_679 = arith.addf %select_n3A_667, %select_n3A_678 : vector<16xf32>
        %lt3A_680 = arith.constant 0 : i32
        %lt3A_681 = vector.broadcast %lt3A_680 : i32 to vector<16xi32>
        %lt3A_682 = arith.cmpi slt, %xor3A_656, %lt3A_681 : vector<16xi32>
        %add3A_683 = arith.constant 16 : i32
        %add3A_684 = vector.broadcast %add3A_683 : i32 to vector<16xi32>
        %add3A_685 = arith.addi %xor3A_656, %add3A_684 : vector<16xi32>
        %select_n3A_686 = arith.select %lt3A_682, %add3A_685, %xor3A_656 : vector<16xi1>, vector<16xi32>
        %broadcast_in_dim3A_687 = vector.shape_cast %select_n3A_686 : vector<16xi32> to vector<16x1xi32>
        %gather3A_688 = vector.shape_cast %broadcast_in_dim3A_687 : vector<16x1xi32> to vector<16xi32>
        %gather3A_689 = tpu.dynamic_gather %add3A_647[%gather3A_688] in [0] : vector<16xf32>, vector<16xi32> -> vector<16xf32>
        %select_n3A_690 = arith.select %eq3A_653, %add3A_624, %gather3A_689 : vector<16xi1>, vector<16xf32>
        %lt3A_691 = arith.constant 0 : i32
        %lt3A_692 = vector.broadcast %lt3A_691 : i32 to vector<16xi32>
        %lt3A_693 = arith.cmpi slt, %xor3A_656, %lt3A_692 : vector<16xi32>
        %add3A_694 = arith.constant 16 : i32
        %add3A_695 = vector.broadcast %add3A_694 : i32 to vector<16xi32>
        %add3A_696 = arith.addi %xor3A_656, %add3A_695 : vector<16xi32>
        %select_n3A_697 = arith.select %lt3A_693, %add3A_696, %xor3A_656 : vector<16xi1>, vector<16xi32>
        %broadcast_in_dim3A_698 = vector.shape_cast %select_n3A_697 : vector<16xi32> to vector<16x1xi32>
        %gather3A_699 = vector.shape_cast %broadcast_in_dim3A_698 : vector<16x1xi32> to vector<16xi32>
        %gather3A_700 = tpu.dynamic_gather %add3A_624[%gather3A_699] in [0] : vector<16xf32>, vector<16xi32> -> vector<16xf32>
        %select_n3A_701 = arith.select %eq3A_653, %gather3A_700, %add3A_647 : vector<16xi1>, vector<16xf32>
        %add3A_702 = arith.addf %select_n3A_690, %select_n3A_701 : vector<16xf32>
        %and3A_703 = arith.constant 1 : i32
        %and3A_704 = vector.broadcast %and3A_703 : i32 to vector<16xi32>
        %and3A_705 = arith.andi %iota3A, %and3A_704 : vector<16xi32>
        %eq3A_706 = arith.constant 0 : i32
        %eq3A_707 = vector.broadcast %eq3A_706 : i32 to vector<16xi32>
        %eq3A_708 = arith.cmpi eq, %and3A_705, %eq3A_707 : vector<16xi32>
        %xor3A_709 = arith.constant 1 : i32
        %xor3A_710 = vector.broadcast %xor3A_709 : i32 to vector<16xi32>
        %xor3A_711 = arith.xori %iota3A, %xor3A_710 : vector<16xi32>
        %lt3A_712 = arith.constant 0 : i32
        %lt3A_713 = vector.broadcast %lt3A_712 : i32 to vector<16xi32>
        %lt3A_714 = arith.cmpi slt, %xor3A_711, %lt3A_713 : vector<16xi32>
        %add3A_715 = arith.constant 16 : i32
        %add3A_716 = vector.broadcast %add3A_715 : i32 to vector<16xi32>
        %add3A_717 = arith.addi %xor3A_711, %add3A_716 : vector<16xi32>
        %select_n3A_718 = arith.select %lt3A_714, %add3A_717, %xor3A_711 : vector<16xi1>, vector<16xi32>
        %broadcast_in_dim3A_719 = vector.shape_cast %select_n3A_718 : vector<16xi32> to vector<16x1xi32>
        %gather3A_720 = vector.shape_cast %broadcast_in_dim3A_719 : vector<16x1xi32> to vector<16xi32>
        %gather3A_721 = tpu.dynamic_gather %add3A_702[%gather3A_720] in [0] : vector<16xf32>, vector<16xi32> -> vector<16xf32>
        %select_n3A_722 = arith.select %eq3A_708, %add3A_679, %gather3A_721 : vector<16xi1>, vector<16xf32>
        %lt3A_723 = arith.constant 0 : i32
        %lt3A_724 = vector.broadcast %lt3A_723 : i32 to vector<16xi32>
        %lt3A_725 = arith.cmpi slt, %xor3A_711, %lt3A_724 : vector<16xi32>
        %add3A_726 = arith.constant 16 : i32
        %add3A_727 = vector.broadcast %add3A_726 : i32 to vector<16xi32>
        %add3A_728 = arith.addi %xor3A_711, %add3A_727 : vector<16xi32>
        %select_n3A_729 = arith.select %lt3A_725, %add3A_728, %xor3A_711 : vector<16xi1>, vector<16xi32>
        %broadcast_in_dim3A_730 = vector.shape_cast %select_n3A_729 : vector<16xi32> to vector<16x1xi32>
        %gather3A_731 = vector.shape_cast %broadcast_in_dim3A_730 : vector<16x1xi32> to vector<16xi32>
        %gather3A_732 = tpu.dynamic_gather %add3A_679[%gather3A_731] in [0] : vector<16xf32>, vector<16xi32> -> vector<16xf32>
        %select_n3A_733 = arith.select %eq3A_708, %gather3A_732, %add3A_702 : vector<16xi1>, vector<16xf32>
        %add3A_734 = arith.addf %select_n3A_722, %select_n3A_733 : vector<16xf32>
        %mul3A_735 = arith.mulf %exp3A, %add3A_734 : vector<16xf32>
        %add3A_736 = arith.addf %broadcast_in_dim3A_79, %mul3A_735 : vector<16xf32>
        %add3A_737 = arith.addf %broadcast_in_dim3A_81, %exp3A : vector<16xf32>
        %get3A_738 = arith.index_cast %add3A_78 : i32 to index
        %get3A_739 = tpu.vector_load %arg23[%get3A_738] {strides = array<i32>} : memref<512xf32, #tpu.memory_space<vmem>>, vector<16xf32>,
        %get3A_740 = vector.shape_cast %get3A_739 : vector<16xf32> to vector<16xf32>
        %exp3A_741 = math.exp %get3A_740 : vector<16xf32>
        %get3A_742 = arith.index_cast %add3A_90 : i32 to index
        %get3A_743 = arith.index_cast %squeeze3A : i32 to index
        %get3A_744 = tpu.vector_load %arg27[%get3A_742, %get3A_743] {strides = array<i32>} : memref<128x128xf32, #tpu.memory_space<vmem>>, vector<1x16xf32>,
        %get3A_745 = vector.shape_cast %get3A_744 : vector<1x16xf32> to vector<16xf32>
        %get3A_746 = arith.index_cast %add3A_90 : i32 to index
        %get3A_747 = arith.index_cast %squeeze3A_92 : i32 to index
        %get3A_748 = tpu.vector_load %arg28[%get3A_746, %get3A_747] {strides = array<i32>} : memref<128x128xf32, #tpu.memory_space<vmem>>, vector<1x16xf32>,
        %get3A_749 = vector.shape_cast %get3A_748 : vector<1x16xf32> to vector<16xf32>
        %mul3A_750 = arith.mulf %get3A_745, %get3A_749 : vector<16xf32>
        %get3A_751 = arith.index_cast %add3A_96 : i32 to index
        %get3A_752 = arith.index_cast %squeeze3A_98 : i32 to index
        %get3A_753 = tpu.vector_load %arg27[%get3A_751, %get3A_752] {strides = array<i32>} : memref<128x128xf32, #tpu.memory_space<vmem>>, vector<1x16xf32>,
        %get3A_754 = vector.shape_cast %get3A_753 : vector<1x16xf32> to vector<16xf32>
        %get3A_755 = arith.index_cast %add3A_96 : i32 to index
        %get3A_756 = arith.index_cast %squeeze3A_100 : i32 to index
        %get3A_757 = tpu.vector_load %arg28[%get3A_755, %get3A_756] {strides = array<i32>} : memref<128x128xf32, #tpu.memory_space<vmem>>, vector<1x16xf32>,
        %get3A_758 = vector.shape_cast %get3A_757 : vector<1x16xf32> to vector<16xf32>
        %mul3A_759 = arith.mulf %get3A_754, %get3A_758 : vector<16xf32>
        %get3A_760 = arith.index_cast %add3A_104 : i32 to index
        %get3A_761 = arith.index_cast %squeeze3A_106 : i32 to index
        %get3A_762 = tpu.vector_load %arg27[%get3A_760, %get3A_761] {strides = array<i32>} : memref<128x128xf32, #tpu.memory_space<vmem>>, vector<1x16xf32>,
        %get3A_763 = vector.shape_cast %get3A_762 : vector<1x16xf32> to vector<16xf32>
        %get3A_764 = arith.index_cast %add3A_104 : i32 to index
        %get3A_765 = arith.index_cast %squeeze3A_108 : i32 to index
        %get3A_766 = tpu.vector_load %arg28[%get3A_764, %get3A_765] {strides = array<i32>} : memref<128x128xf32, #tpu.memory_space<vmem>>, vector<1x16xf32>,
        %get3A_767 = vector.shape_cast %get3A_766 : vector<1x16xf32> to vector<16xf32>
        %mul3A_768 = arith.mulf %get3A_763, %get3A_767 : vector<16xf32>
        %get3A_769 = arith.index_cast %add3A_112 : i32 to index
        %get3A_770 = arith.index_cast %squeeze3A_114 : i32 to index
        %get3A_771 = tpu.vector_load %arg27[%get3A_769, %get3A_770] {strides = array<i32>} : memref<128x128xf32, #tpu.memory_space<vmem>>, vector<1x16xf32>,
        %get3A_772 = vector.shape_cast %get3A_771 : vector<1x16xf32> to vector<16xf32>
        %get3A_773 = arith.index_cast %add3A_112 : i32 to index
        %get3A_774 = arith.index_cast %squeeze3A_116 : i32 to index
        %get3A_775 = tpu.vector_load %arg28[%get3A_773, %get3A_774] {strides = array<i32>} : memref<128x128xf32, #tpu.memory_space<vmem>>, vector<1x16xf32>,
        %get3A_776 = vector.shape_cast %get3A_775 : vector<1x16xf32> to vector<16xf32>
        %mul3A_777 = arith.mulf %get3A_772, %get3A_776 : vector<16xf32>
        %get3A_778 = arith.index_cast %add3A_120 : i32 to index
        %get3A_779 = arith.index_cast %squeeze3A_122 : i32 to index
        %get3A_780 = tpu.vector_load %arg27[%get3A_778, %get3A_779] {strides = array<i32>} : memref<128x128xf32, #tpu.memory_space<vmem>>, vector<1x16xf32>,
        %get3A_781 = vector.shape_cast %get3A_780 : vector<1x16xf32> to vector<16xf32>
        %get3A_782 = arith.index_cast %add3A_120 : i32 to index
        %get3A_783 = arith.index_cast %squeeze3A_124 : i32 to index
        %get3A_784 = tpu.vector_load %arg28[%get3A_782, %get3A_783] {strides = array<i32>} : memref<128x128xf32, #tpu.memory_space<vmem>>, vector<1x16xf32>,
        %get3A_785 = vector.shape_cast %get3A_784 : vector<1x16xf32> to vector<16xf32>
        %mul3A_786 = arith.mulf %get3A_781, %get3A_785 : vector<16xf32>
        %get3A_787 = arith.index_cast %add3A_128 : i32 to index
        %get3A_788 = arith.index_cast %squeeze3A_130 : i32 to index
        %get3A_789 = tpu.vector_load %arg27[%get3A_787, %get3A_788] {strides = array<i32>} : memref<128x128xf32, #tpu.memory_space<vmem>>, vector<1x16xf32>,
        %get3A_790 = vector.shape_cast %get3A_789 : vector<1x16xf32> to vector<16xf32>
        %get3A_791 = arith.index_cast %add3A_128 : i32 to index
        %get3A_792 = arith.index_cast %squeeze3A_132 : i32 to index
        %get3A_793 = tpu.vector_load %arg28[%get3A_791, %get3A_792] {strides = array<i32>} : memref<128x128xf32, #tpu.memory_space<vmem>>, vector<1x16xf32>,
        %get3A_794 = vector.shape_cast %get3A_793 : vector<1x16xf32> to vector<16xf32>
        %mul3A_795 = arith.mulf %get3A_790, %get3A_794 : vector<16xf32>
        %get3A_796 = arith.index_cast %add3A_136 : i32 to index
        %get3A_797 = arith.index_cast %squeeze3A_138 : i32 to index
        %get3A_798 = tpu.vector_load %arg27[%get3A_796, %get3A_797] {strides = array<i32>} : memref<128x128xf32, #tpu.memory_space<vmem>>, vector<1x16xf32>,
        %get3A_799 = vector.shape_cast %get3A_798 : vector<1x16xf32> to vector<16xf32>
        %get3A_800 = arith.index_cast %add3A_136 : i32 to index
        %get3A_801 = arith.index_cast %squeeze3A_140 : i32 to index
        %get3A_802 = tpu.vector_load %arg28[%get3A_800, %get3A_801] {strides = array<i32>} : memref<128x128xf32, #tpu.memory_space<vmem>>, vector<1x16xf32>,
        %get3A_803 = vector.shape_cast %get3A_802 : vector<1x16xf32> to vector<16xf32>
        %mul3A_804 = arith.mulf %get3A_799, %get3A_803 : vector<16xf32>
        %get3A_805 = arith.index_cast %add3A_144 : i32 to index
        %get3A_806 = arith.index_cast %squeeze3A_146 : i32 to index
        %get3A_807 = tpu.vector_load %arg27[%get3A_805, %get3A_806] {strides = array<i32>} : memref<128x128xf32, #tpu.memory_space<vmem>>, vector<1x16xf32>,
        %get3A_808 = vector.shape_cast %get3A_807 : vector<1x16xf32> to vector<16xf32>
        %get3A_809 = arith.index_cast %add3A_144 : i32 to index
        %get3A_810 = arith.index_cast %squeeze3A_148 : i32 to index
        %get3A_811 = tpu.vector_load %arg28[%get3A_809, %get3A_810] {strides = array<i32>} : memref<128x128xf32, #tpu.memory_space<vmem>>, vector<1x16xf32>,
        %get3A_812 = vector.shape_cast %get3A_811 : vector<1x16xf32> to vector<16xf32>
        %mul3A_813 = arith.mulf %get3A_808, %get3A_812 : vector<16xf32>
        %get3A_814 = arith.index_cast %add3A_152 : i32 to index
        %get3A_815 = arith.index_cast %squeeze3A_154 : i32 to index
        %get3A_816 = tpu.vector_load %arg27[%get3A_814, %get3A_815] {strides = array<i32>} : memref<128x128xf32, #tpu.memory_space<vmem>>, vector<1x16xf32>,
        %get3A_817 = vector.shape_cast %get3A_816 : vector<1x16xf32> to vector<16xf32>
        %get3A_818 = arith.index_cast %add3A_152 : i32 to index
        %get3A_819 = arith.index_cast %squeeze3A_156 : i32 to index
        %get3A_820 = tpu.vector_load %arg28[%get3A_818, %get3A_819] {strides = array<i32>} : memref<128x128xf32, #tpu.memory_space<vmem>>, vector<1x16xf32>,
        %get3A_821 = vector.shape_cast %get3A_820 : vector<1x16xf32> to vector<16xf32>
        %mul3A_822 = arith.mulf %get3A_817, %get3A_821 : vector<16xf32>
        %get3A_823 = arith.index_cast %add3A_160 : i32 to index
        %get3A_824 = arith.index_cast %squeeze3A_162 : i32 to index
        %get3A_825 = tpu.vector_load %arg27[%get3A_823, %get3A_824] {strides = array<i32>} : memref<128x128xf32, #tpu.memory_space<vmem>>, vector<1x16xf32>,
        %get3A_826 = vector.shape_cast %get3A_825 : vector<1x16xf32> to vector<16xf32>
        %get3A_827 = arith.index_cast %add3A_160 : i32 to index
        %get3A_828 = arith.index_cast %squeeze3A_164 : i32 to index
        %get3A_829 = tpu.vector_load %arg28[%get3A_827, %get3A_828] {strides = array<i32>} : memref<128x128xf32, #tpu.memory_space<vmem>>, vector<1x16xf32>,
        %get3A_830 = vector.shape_cast %get3A_829 : vector<1x16xf32> to vector<16xf32>
        %mul3A_831 = arith.mulf %get3A_826, %get3A_830 : vector<16xf32>
        %get3A_832 = arith.index_cast %add3A_168 : i32 to index
        %get3A_833 = arith.index_cast %squeeze3A_170 : i32 to index
        %get3A_834 = tpu.vector_load %arg27[%get3A_832, %get3A_833] {strides = array<i32>} : memref<128x128xf32, #tpu.memory_space<vmem>>, vector<1x16xf32>,
        %get3A_835 = vector.shape_cast %get3A_834 : vector<1x16xf32> to vector<16xf32>
        %get3A_836 = arith.index_cast %add3A_168 : i32 to index
        %get3A_837 = arith.index_cast %squeeze3A_172 : i32 to index
        %get3A_838 = tpu.vector_load %arg28[%get3A_836, %get3A_837] {strides = array<i32>} : memref<128x128xf32, #tpu.memory_space<vmem>>, vector<1x16xf32>,
        %get3A_839 = vector.shape_cast %get3A_838 : vector<1x16xf32> to vector<16xf32>
        %mul3A_840 = arith.mulf %get3A_835, %get3A_839 : vector<16xf32>
        %get3A_841 = arith.index_cast %add3A_176 : i32 to index
        %get3A_842 = arith.index_cast %squeeze3A_178 : i32 to index
        %get3A_843 = tpu.vector_load %arg27[%get3A_841, %get3A_842] {strides = array<i32>} : memref<128x128xf32, #tpu.memory_space<vmem>>, vector<1x16xf32>,
        %get3A_844 = vector.shape_cast %get3A_843 : vector<1x16xf32> to vector<16xf32>
        %get3A_845 = arith.index_cast %add3A_176 : i32 to index
        %get3A_846 = arith.index_cast %squeeze3A_180 : i32 to index
        %get3A_847 = tpu.vector_load %arg28[%get3A_845, %get3A_846] {strides = array<i32>} : memref<128x128xf32, #tpu.memory_space<vmem>>, vector<1x16xf32>,
        %get3A_848 = vector.shape_cast %get3A_847 : vector<1x16xf32> to vector<16xf32>
        %mul3A_849 = arith.mulf %get3A_844, %get3A_848 : vector<16xf32>
        %get3A_850 = arith.index_cast %add3A_184 : i32 to index
        %get3A_851 = arith.index_cast %squeeze3A_186 : i32 to index
        %get3A_852 = tpu.vector_load %arg27[%get3A_850, %get3A_851] {strides = array<i32>} : memref<128x128xf32, #tpu.memory_space<vmem>>, vector<1x16xf32>,
        %get3A_853 = vector.shape_cast %get3A_852 : vector<1x16xf32> to vector<16xf32>
        %get3A_854 = arith.index_cast %add3A_184 : i32 to index
        %get3A_855 = arith.index_cast %squeeze3A_188 : i32 to index
        %get3A_856 = tpu.vector_load %arg28[%get3A_854, %get3A_855] {strides = array<i32>} : memref<128x128xf32, #tpu.memory_space<vmem>>, vector<1x16xf32>,
        %get3A_857 = vector.shape_cast %get3A_856 : vector<1x16xf32> to vector<16xf32>
        %mul3A_858 = arith.mulf %get3A_853, %get3A_857 : vector<16xf32>
        %get3A_859 = arith.index_cast %add3A_192 : i32 to index
        %get3A_860 = arith.index_cast %squeeze3A_194 : i32 to index
        %get3A_861 = tpu.vector_load %arg27[%get3A_859, %get3A_860] {strides = array<i32>} : memref<128x128xf32, #tpu.memory_space<vmem>>, vector<1x16xf32>,
        %get3A_862 = vector.shape_cast %get3A_861 : vector<1x16xf32> to vector<16xf32>
        %get3A_863 = arith.index_cast %add3A_192 : i32 to index
        %get3A_864 = arith.index_cast %squeeze3A_196 : i32 to index
        %get3A_865 = tpu.vector_load %arg28[%get3A_863, %get3A_864] {strides = array<i32>} : memref<128x128xf32, #tpu.memory_space<vmem>>, vector<1x16xf32>,
        %get3A_866 = vector.shape_cast %get3A_865 : vector<1x16xf32> to vector<16xf32>
        %mul3A_867 = arith.mulf %get3A_862, %get3A_866 : vector<16xf32>
        %get3A_868 = arith.index_cast %add3A_200 : i32 to index
        %get3A_869 = arith.index_cast %squeeze3A_202 : i32 to index
        %get3A_870 = tpu.vector_load %arg27[%get3A_868, %get3A_869] {strides = array<i32>} : memref<128x128xf32, #tpu.memory_space<vmem>>, vector<1x16xf32>,
        %get3A_871 = vector.shape_cast %get3A_870 : vector<1x16xf32> to vector<16xf32>
        %get3A_872 = arith.index_cast %add3A_200 : i32 to index
        %get3A_873 = arith.index_cast %squeeze3A_204 : i32 to index
        %get3A_874 = tpu.vector_load %arg28[%get3A_872, %get3A_873] {strides = array<i32>} : memref<128x128xf32, #tpu.memory_space<vmem>>, vector<1x16xf32>,
        %get3A_875 = vector.shape_cast %get3A_874 : vector<1x16xf32> to vector<16xf32>
        %mul3A_876 = arith.mulf %get3A_871, %get3A_875 : vector<16xf32>
        %get3A_877 = arith.index_cast %add3A_208 : i32 to index
        %get3A_878 = arith.index_cast %squeeze3A_210 : i32 to index
        %get3A_879 = tpu.vector_load %arg27[%get3A_877, %get3A_878] {strides = array<i32>} : memref<128x128xf32, #tpu.memory_space<vmem>>, vector<1x16xf32>,
        %get3A_880 = vector.shape_cast %get3A_879 : vector<1x16xf32> to vector<16xf32>
        %get3A_881 = arith.index_cast %add3A_208 : i32 to index
        %get3A_882 = arith.index_cast %squeeze3A_212 : i32 to index
        %get3A_883 = tpu.vector_load %arg28[%get3A_881, %get3A_882] {strides = array<i32>} : memref<128x128xf32, #tpu.memory_space<vmem>>, vector<1x16xf32>,
        %get3A_884 = vector.shape_cast %get3A_883 : vector<1x16xf32> to vector<16xf32>
        %mul3A_885 = arith.mulf %get3A_880, %get3A_884 : vector<16xf32>
        %and3A_886 = arith.constant 8 : i32
        %and3A_887 = vector.broadcast %and3A_886 : i32 to vector<16xi32>
        %and3A_888 = arith.andi %iota3A, %and3A_887 : vector<16xi32>
        %eq3A_889 = arith.constant 0 : i32
        %eq3A_890 = vector.broadcast %eq3A_889 : i32 to vector<16xi32>
        %eq3A_891 = arith.cmpi eq, %and3A_888, %eq3A_890 : vector<16xi32>
        %xor3A_892 = arith.constant 8 : i32
        %xor3A_893 = vector.broadcast %xor3A_892 : i32 to vector<16xi32>
        %xor3A_894 = arith.xori %iota3A, %xor3A_893 : vector<16xi32>
        %lt3A_895 = arith.constant 0 : i32
        %lt3A_896 = vector.broadcast %lt3A_895 : i32 to vector<16xi32>
        %lt3A_897 = arith.cmpi slt, %xor3A_894, %lt3A_896 : vector<16xi32>
        %add3A_898 = arith.constant 16 : i32
        %add3A_899 = vector.broadcast %add3A_898 : i32 to vector<16xi32>
        %add3A_900 = arith.addi %xor3A_894, %add3A_899 : vector<16xi32>
        %select_n3A_901 = arith.select %lt3A_897, %add3A_900, %xor3A_894 : vector<16xi1>, vector<16xi32>
        %broadcast_in_dim3A_902 = vector.shape_cast %select_n3A_901 : vector<16xi32> to vector<16x1xi32>
        %gather3A_903 = vector.shape_cast %broadcast_in_dim3A_902 : vector<16x1xi32> to vector<16xi32>
        %gather3A_904 = tpu.dynamic_gather %mul3A_759[%gather3A_903] in [0] : vector<16xf32>, vector<16xi32> -> vector<16xf32>
        %select_n3A_905 = arith.select %eq3A_891, %mul3A_750, %gather3A_904 : vector<16xi1>, vector<16xf32>
        %lt3A_906 = arith.constant 0 : i32
        %lt3A_907 = vector.broadcast %lt3A_906 : i32 to vector<16xi32>
        %lt3A_908 = arith.cmpi slt, %xor3A_894, %lt3A_907 : vector<16xi32>
        %add3A_909 = arith.constant 16 : i32
        %add3A_910 = vector.broadcast %add3A_909 : i32 to vector<16xi32>
        %add3A_911 = arith.addi %xor3A_894, %add3A_910 : vector<16xi32>
        %select_n3A_912 = arith.select %lt3A_908, %add3A_911, %xor3A_894 : vector<16xi1>, vector<16xi32>
        %broadcast_in_dim3A_913 = vector.shape_cast %select_n3A_912 : vector<16xi32> to vector<16x1xi32>
        %gather3A_914 = vector.shape_cast %broadcast_in_dim3A_913 : vector<16x1xi32> to vector<16xi32>
        %gather3A_915 = tpu.dynamic_gather %mul3A_750[%gather3A_914] in [0] : vector<16xf32>, vector<16xi32> -> vector<16xf32>
        %select_n3A_916 = arith.select %eq3A_891, %gather3A_915, %mul3A_759 : vector<16xi1>, vector<16xf32>
        %add3A_917 = arith.addf %select_n3A_905, %select_n3A_916 : vector<16xf32>
        %lt3A_918 = arith.constant 0 : i32
        %lt3A_919 = vector.broadcast %lt3A_918 : i32 to vector<16xi32>
        %lt3A_920 = arith.cmpi slt, %xor3A_894, %lt3A_919 : vector<16xi32>
        %add3A_921 = arith.constant 16 : i32
        %add3A_922 = vector.broadcast %add3A_921 : i32 to vector<16xi32>
        %add3A_923 = arith.addi %xor3A_894, %add3A_922 : vector<16xi32>
        %select_n3A_924 = arith.select %lt3A_920, %add3A_923, %xor3A_894 : vector<16xi1>, vector<16xi32>
        %broadcast_in_dim3A_925 = vector.shape_cast %select_n3A_924 : vector<16xi32> to vector<16x1xi32>
        %gather3A_926 = vector.shape_cast %broadcast_in_dim3A_925 : vector<16x1xi32> to vector<16xi32>
        %gather3A_927 = tpu.dynamic_gather %mul3A_777[%gather3A_926] in [0] : vector<16xf32>, vector<16xi32> -> vector<16xf32>
        %select_n3A_928 = arith.select %eq3A_891, %mul3A_768, %gather3A_927 : vector<16xi1>, vector<16xf32>
        %lt3A_929 = arith.constant 0 : i32
        %lt3A_930 = vector.broadcast %lt3A_929 : i32 to vector<16xi32>
        %lt3A_931 = arith.cmpi slt, %xor3A_894, %lt3A_930 : vector<16xi32>
        %add3A_932 = arith.constant 16 : i32
        %add3A_933 = vector.broadcast %add3A_932 : i32 to vector<16xi32>
        %add3A_934 = arith.addi %xor3A_894, %add3A_933 : vector<16xi32>
        %select_n3A_935 = arith.select %lt3A_931, %add3A_934, %xor3A_894 : vector<16xi1>, vector<16xi32>
        %broadcast_in_dim3A_936 = vector.shape_cast %select_n3A_935 : vector<16xi32> to vector<16x1xi32>
        %gather3A_937 = vector.shape_cast %broadcast_in_dim3A_936 : vector<16x1xi32> to vector<16xi32>
        %gather3A_938 = tpu.dynamic_gather %mul3A_768[%gather3A_937] in [0] : vector<16xf32>, vector<16xi32> -> vector<16xf32>
        %select_n3A_939 = arith.select %eq3A_891, %gather3A_938, %mul3A_777 : vector<16xi1>, vector<16xf32>
        %add3A_940 = arith.addf %select_n3A_928, %select_n3A_939 : vector<16xf32>
        %lt3A_941 = arith.constant 0 : i32
        %lt3A_942 = vector.broadcast %lt3A_941 : i32 to vector<16xi32>
        %lt3A_943 = arith.cmpi slt, %xor3A_894, %lt3A_942 : vector<16xi32>
        %add3A_944 = arith.constant 16 : i32
        %add3A_945 = vector.broadcast %add3A_944 : i32 to vector<16xi32>
        %add3A_946 = arith.addi %xor3A_894, %add3A_945 : vector<16xi32>
        %select_n3A_947 = arith.select %lt3A_943, %add3A_946, %xor3A_894 : vector<16xi1>, vector<16xi32>
        %broadcast_in_dim3A_948 = vector.shape_cast %select_n3A_947 : vector<16xi32> to vector<16x1xi32>
        %gather3A_949 = vector.shape_cast %broadcast_in_dim3A_948 : vector<16x1xi32> to vector<16xi32>
        %gather3A_950 = tpu.dynamic_gather %mul3A_795[%gather3A_949] in [0] : vector<16xf32>, vector<16xi32> -> vector<16xf32>
        %select_n3A_951 = arith.select %eq3A_891, %mul3A_786, %gather3A_950 : vector<16xi1>, vector<16xf32>
        %lt3A_952 = arith.constant 0 : i32
        %lt3A_953 = vector.broadcast %lt3A_952 : i32 to vector<16xi32>
        %lt3A_954 = arith.cmpi slt, %xor3A_894, %lt3A_953 : vector<16xi32>
        %add3A_955 = arith.constant 16 : i32
        %add3A_956 = vector.broadcast %add3A_955 : i32 to vector<16xi32>
        %add3A_957 = arith.addi %xor3A_894, %add3A_956 : vector<16xi32>
        %select_n3A_958 = arith.select %lt3A_954, %add3A_957, %xor3A_894 : vector<16xi1>, vector<16xi32>
        %broadcast_in_dim3A_959 = vector.shape_cast %select_n3A_958 : vector<16xi32> to vector<16x1xi32>
        %gather3A_960 = vector.shape_cast %broadcast_in_dim3A_959 : vector<16x1xi32> to vector<16xi32>
        %gather3A_961 = tpu.dynamic_gather %mul3A_786[%gather3A_960] in [0] : vector<16xf32>, vector<16xi32> -> vector<16xf32>
        %select_n3A_962 = arith.select %eq3A_891, %gather3A_961, %mul3A_795 : vector<16xi1>, vector<16xf32>
        %add3A_963 = arith.addf %select_n3A_951, %select_n3A_962 : vector<16xf32>
        %lt3A_964 = arith.constant 0 : i32
        %lt3A_965 = vector.broadcast %lt3A_964 : i32 to vector<16xi32>
        %lt3A_966 = arith.cmpi slt, %xor3A_894, %lt3A_965 : vector<16xi32>
        %add3A_967 = arith.constant 16 : i32
        %add3A_968 = vector.broadcast %add3A_967 : i32 to vector<16xi32>
        %add3A_969 = arith.addi %xor3A_894, %add3A_968 : vector<16xi32>
        %select_n3A_970 = arith.select %lt3A_966, %add3A_969, %xor3A_894 : vector<16xi1>, vector<16xi32>
        %broadcast_in_dim3A_971 = vector.shape_cast %select_n3A_970 : vector<16xi32> to vector<16x1xi32>
        %gather3A_972 = vector.shape_cast %broadcast_in_dim3A_971 : vector<16x1xi32> to vector<16xi32>
        %gather3A_973 = tpu.dynamic_gather %mul3A_813[%gather3A_972] in [0] : vector<16xf32>, vector<16xi32> -> vector<16xf32>
        %select_n3A_974 = arith.select %eq3A_891, %mul3A_804, %gather3A_973 : vector<16xi1>, vector<16xf32>
        %lt3A_975 = arith.constant 0 : i32
        %lt3A_976 = vector.broadcast %lt3A_975 : i32 to vector<16xi32>
        %lt3A_977 = arith.cmpi slt, %xor3A_894, %lt3A_976 : vector<16xi32>
        %add3A_978 = arith.constant 16 : i32
        %add3A_979 = vector.broadcast %add3A_978 : i32 to vector<16xi32>
        %add3A_980 = arith.addi %xor3A_894, %add3A_979 : vector<16xi32>
        %select_n3A_981 = arith.select %lt3A_977, %add3A_980, %xor3A_894 : vector<16xi1>, vector<16xi32>
        %broadcast_in_dim3A_982 = vector.shape_cast %select_n3A_981 : vector<16xi32> to vector<16x1xi32>
        %gather3A_983 = vector.shape_cast %broadcast_in_dim3A_982 : vector<16x1xi32> to vector<16xi32>
        %gather3A_984 = tpu.dynamic_gather %mul3A_804[%gather3A_983] in [0] : vector<16xf32>, vector<16xi32> -> vector<16xf32>
        %select_n3A_985 = arith.select %eq3A_891, %gather3A_984, %mul3A_813 : vector<16xi1>, vector<16xf32>
        %add3A_986 = arith.addf %select_n3A_974, %select_n3A_985 : vector<16xf32>
        %lt3A_987 = arith.constant 0 : i32
        %lt3A_988 = vector.broadcast %lt3A_987 : i32 to vector<16xi32>
        %lt3A_989 = arith.cmpi slt, %xor3A_894, %lt3A_988 : vector<16xi32>
        %add3A_990 = arith.constant 16 : i32
        %add3A_991 = vector.broadcast %add3A_990 : i32 to vector<16xi32>
        %add3A_992 = arith.addi %xor3A_894, %add3A_991 : vector<16xi32>
        %select_n3A_993 = arith.select %lt3A_989, %add3A_992, %xor3A_894 : vector<16xi1>, vector<16xi32>
        %broadcast_in_dim3A_994 = vector.shape_cast %select_n3A_993 : vector<16xi32> to vector<16x1xi32>
        %gather3A_995 = vector.shape_cast %broadcast_in_dim3A_994 : vector<16x1xi32> to vector<16xi32>
        %gather3A_996 = tpu.dynamic_gather %mul3A_831[%gather3A_995] in [0] : vector<16xf32>, vector<16xi32> -> vector<16xf32>
        %select_n3A_997 = arith.select %eq3A_891, %mul3A_822, %gather3A_996 : vector<16xi1>, vector<16xf32>
        %lt3A_998 = arith.constant 0 : i32
        %lt3A_999 = vector.broadcast %lt3A_998 : i32 to vector<16xi32>
        %lt3A_1000 = arith.cmpi slt, %xor3A_894, %lt3A_999 : vector<16xi32>
        %add3A_1001 = arith.constant 16 : i32
        %add3A_1002 = vector.broadcast %add3A_1001 : i32 to vector<16xi32>
        %add3A_1003 = arith.addi %xor3A_894, %add3A_1002 : vector<16xi32>
        %select_n3A_1004 = arith.select %lt3A_1000, %add3A_1003, %xor3A_894 : vector<16xi1>, vector<16xi32>
        %broadcast_in_dim3A_1005 = vector.shape_cast %select_n3A_1004 : vector<16xi32> to vector<16x1xi32>
        %gather3A_1006 = vector.shape_cast %broadcast_in_dim3A_1005 : vector<16x1xi32> to vector<16xi32>
        %gather3A_1007 = tpu.dynamic_gather %mul3A_822[%gather3A_1006] in [0] : vector<16xf32>, vector<16xi32> -> vector<16xf32>
        %select_n3A_1008 = arith.select %eq3A_891, %gather3A_1007, %mul3A_831 : vector<16xi1>, vector<16xf32>
        %add3A_1009 = arith.addf %select_n3A_997, %select_n3A_1008 : vector<16xf32>
        %lt3A_1010 = arith.constant 0 : i32
        %lt3A_1011 = vector.broadcast %lt3A_1010 : i32 to vector<16xi32>
        %lt3A_1012 = arith.cmpi slt, %xor3A_894, %lt3A_1011 : vector<16xi32>
        %add3A_1013 = arith.constant 16 : i32
        %add3A_1014 = vector.broadcast %add3A_1013 : i32 to vector<16xi32>
        %add3A_1015 = arith.addi %xor3A_894, %add3A_1014 : vector<16xi32>
        %select_n3A_1016 = arith.select %lt3A_1012, %add3A_1015, %xor3A_894 : vector<16xi1>, vector<16xi32>
        %broadcast_in_dim3A_1017 = vector.shape_cast %select_n3A_1016 : vector<16xi32> to vector<16x1xi32>
        %gather3A_1018 = vector.shape_cast %broadcast_in_dim3A_1017 : vector<16x1xi32> to vector<16xi32>
        %gather3A_1019 = tpu.dynamic_gather %mul3A_849[%gather3A_1018] in [0] : vector<16xf32>, vector<16xi32> -> vector<16xf32>
        %select_n3A_1020 = arith.select %eq3A_891, %mul3A_840, %gather3A_1019 : vector<16xi1>, vector<16xf32>
        %lt3A_1021 = arith.constant 0 : i32
        %lt3A_1022 = vector.broadcast %lt3A_1021 : i32 to vector<16xi32>
        %lt3A_1023 = arith.cmpi slt, %xor3A_894, %lt3A_1022 : vector<16xi32>
        %add3A_1024 = arith.constant 16 : i32
        %add3A_1025 = vector.broadcast %add3A_1024 : i32 to vector<16xi32>
        %add3A_1026 = arith.addi %xor3A_894, %add3A_1025 : vector<16xi32>
        %select_n3A_1027 = arith.select %lt3A_1023, %add3A_1026, %xor3A_894 : vector<16xi1>, vector<16xi32>
        %broadcast_in_dim3A_1028 = vector.shape_cast %select_n3A_1027 : vector<16xi32> to vector<16x1xi32>
        %gather3A_1029 = vector.shape_cast %broadcast_in_dim3A_1028 : vector<16x1xi32> to vector<16xi32>
        %gather3A_1030 = tpu.dynamic_gather %mul3A_840[%gather3A_1029] in [0] : vector<16xf32>, vector<16xi32> -> vector<16xf32>
        %select_n3A_1031 = arith.select %eq3A_891, %gather3A_1030, %mul3A_849 : vector<16xi1>, vector<16xf32>
        %add3A_1032 = arith.addf %select_n3A_1020, %select_n3A_1031 : vector<16xf32>
        %lt3A_1033 = arith.constant 0 : i32
        %lt3A_1034 = vector.broadcast %lt3A_1033 : i32 to vector<16xi32>
        %lt3A_1035 = arith.cmpi slt, %xor3A_894, %lt3A_1034 : vector<16xi32>
        %add3A_1036 = arith.constant 16 : i32
        %add3A_1037 = vector.broadcast %add3A_1036 : i32 to vector<16xi32>
        %add3A_1038 = arith.addi %xor3A_894, %add3A_1037 : vector<16xi32>
        %select_n3A_1039 = arith.select %lt3A_1035, %add3A_1038, %xor3A_894 : vector<16xi1>, vector<16xi32>
        %broadcast_in_dim3A_1040 = vector.shape_cast %select_n3A_1039 : vector<16xi32> to vector<16x1xi32>
        %gather3A_1041 = vector.shape_cast %broadcast_in_dim3A_1040 : vector<16x1xi32> to vector<16xi32>
        %gather3A_1042 = tpu.dynamic_gather %mul3A_867[%gather3A_1041] in [0] : vector<16xf32>, vector<16xi32> -> vector<16xf32>
        %select_n3A_1043 = arith.select %eq3A_891, %mul3A_858, %gather3A_1042 : vector<16xi1>, vector<16xf32>
        %lt3A_1044 = arith.constant 0 : i32
        %lt3A_1045 = vector.broadcast %lt3A_1044 : i32 to vector<16xi32>
        %lt3A_1046 = arith.cmpi slt, %xor3A_894, %lt3A_1045 : vector<16xi32>
        %add3A_1047 = arith.constant 16 : i32
        %add3A_1048 = vector.broadcast %add3A_1047 : i32 to vector<16xi32>
        %add3A_1049 = arith.addi %xor3A_894, %add3A_1048 : vector<16xi32>
        %select_n3A_1050 = arith.select %lt3A_1046, %add3A_1049, %xor3A_894 : vector<16xi1>, vector<16xi32>
        %broadcast_in_dim3A_1051 = vector.shape_cast %select_n3A_1050 : vector<16xi32> to vector<16x1xi32>
        %gather3A_1052 = vector.shape_cast %broadcast_in_dim3A_1051 : vector<16x1xi32> to vector<16xi32>
        %gather3A_1053 = tpu.dynamic_gather %mul3A_858[%gather3A_1052] in [0] : vector<16xf32>, vector<16xi32> -> vector<16xf32>
        %select_n3A_1054 = arith.select %eq3A_891, %gather3A_1053, %mul3A_867 : vector<16xi1>, vector<16xf32>
        %add3A_1055 = arith.addf %select_n3A_1043, %select_n3A_1054 : vector<16xf32>
        %lt3A_1056 = arith.constant 0 : i32
        %lt3A_1057 = vector.broadcast %lt3A_1056 : i32 to vector<16xi32>
        %lt3A_1058 = arith.cmpi slt, %xor3A_894, %lt3A_1057 : vector<16xi32>
        %add3A_1059 = arith.constant 16 : i32
        %add3A_1060 = vector.broadcast %add3A_1059 : i32 to vector<16xi32>
        %add3A_1061 = arith.addi %xor3A_894, %add3A_1060 : vector<16xi32>
        %select_n3A_1062 = arith.select %lt3A_1058, %add3A_1061, %xor3A_894 : vector<16xi1>, vector<16xi32>
        %broadcast_in_dim3A_1063 = vector.shape_cast %select_n3A_1062 : vector<16xi32> to vector<16x1xi32>
        %gather3A_1064 = vector.shape_cast %broadcast_in_dim3A_1063 : vector<16x1xi32> to vector<16xi32>
        %gather3A_1065 = tpu.dynamic_gather %mul3A_885[%gather3A_1064] in [0] : vector<16xf32>, vector<16xi32> -> vector<16xf32>
        %select_n3A_1066 = arith.select %eq3A_891, %mul3A_876, %gather3A_1065 : vector<16xi1>, vector<16xf32>
        %lt3A_1067 = arith.constant 0 : i32
        %lt3A_1068 = vector.broadcast %lt3A_1067 : i32 to vector<16xi32>
        %lt3A_1069 = arith.cmpi slt, %xor3A_894, %lt3A_1068 : vector<16xi32>
        %add3A_1070 = arith.constant 16 : i32
        %add3A_1071 = vector.broadcast %add3A_1070 : i32 to vector<16xi32>
        %add3A_1072 = arith.addi %xor3A_894, %add3A_1071 : vector<16xi32>
        %select_n3A_1073 = arith.select %lt3A_1069, %add3A_1072, %xor3A_894 : vector<16xi1>, vector<16xi32>
        %broadcast_in_dim3A_1074 = vector.shape_cast %select_n3A_1073 : vector<16xi32> to vector<16x1xi32>
        %gather3A_1075 = vector.shape_cast %broadcast_in_dim3A_1074 : vector<16x1xi32> to vector<16xi32>
        %gather3A_1076 = tpu.dynamic_gather %mul3A_876[%gather3A_1075] in [0] : vector<16xf32>, vector<16xi32> -> vector<16xf32>
        %select_n3A_1077 = arith.select %eq3A_891, %gather3A_1076, %mul3A_885 : vector<16xi1>, vector<16xf32>
        %add3A_1078 = arith.addf %select_n3A_1066, %select_n3A_1077 : vector<16xf32>
        %and3A_1079 = arith.constant 4 : i32
        %and3A_1080 = vector.broadcast %and3A_1079 : i32 to vector<16xi32>
        %and3A_1081 = arith.andi %iota3A, %and3A_1080 : vector<16xi32>
        %eq3A_1082 = arith.constant 0 : i32
        %eq3A_1083 = vector.broadcast %eq3A_1082 : i32 to vector<16xi32>
        %eq3A_1084 = arith.cmpi eq, %and3A_1081, %eq3A_1083 : vector<16xi32>
        %xor3A_1085 = arith.constant 4 : i32
        %xor3A_1086 = vector.broadcast %xor3A_1085 : i32 to vector<16xi32>
        %xor3A_1087 = arith.xori %iota3A, %xor3A_1086 : vector<16xi32>
        %lt3A_1088 = arith.constant 0 : i32
        %lt3A_1089 = vector.broadcast %lt3A_1088 : i32 to vector<16xi32>
        %lt3A_1090 = arith.cmpi slt, %xor3A_1087, %lt3A_1089 : vector<16xi32>
        %add3A_1091 = arith.constant 16 : i32
        %add3A_1092 = vector.broadcast %add3A_1091 : i32 to vector<16xi32>
        %add3A_1093 = arith.addi %xor3A_1087, %add3A_1092 : vector<16xi32>
        %select_n3A_1094 = arith.select %lt3A_1090, %add3A_1093, %xor3A_1087 : vector<16xi1>, vector<16xi32>
        %broadcast_in_dim3A_1095 = vector.shape_cast %select_n3A_1094 : vector<16xi32> to vector<16x1xi32>
        %gather3A_1096 = vector.shape_cast %broadcast_in_dim3A_1095 : vector<16x1xi32> to vector<16xi32>
        %gather3A_1097 = tpu.dynamic_gather %add3A_940[%gather3A_1096] in [0] : vector<16xf32>, vector<16xi32> -> vector<16xf32>
        %select_n3A_1098 = arith.select %eq3A_1084, %add3A_917, %gather3A_1097 : vector<16xi1>, vector<16xf32>
        %lt3A_1099 = arith.constant 0 : i32
        %lt3A_1100 = vector.broadcast %lt3A_1099 : i32 to vector<16xi32>
        %lt3A_1101 = arith.cmpi slt, %xor3A_1087, %lt3A_1100 : vector<16xi32>
        %add3A_1102 = arith.constant 16 : i32
        %add3A_1103 = vector.broadcast %add3A_1102 : i32 to vector<16xi32>
        %add3A_1104 = arith.addi %xor3A_1087, %add3A_1103 : vector<16xi32>
        %select_n3A_1105 = arith.select %lt3A_1101, %add3A_1104, %xor3A_1087 : vector<16xi1>, vector<16xi32>
        %broadcast_in_dim3A_1106 = vector.shape_cast %select_n3A_1105 : vector<16xi32> to vector<16x1xi32>
        %gather3A_1107 = vector.shape_cast %broadcast_in_dim3A_1106 : vector<16x1xi32> to vector<16xi32>
        %gather3A_1108 = tpu.dynamic_gather %add3A_917[%gather3A_1107] in [0] : vector<16xf32>, vector<16xi32> -> vector<16xf32>
        %select_n3A_1109 = arith.select %eq3A_1084, %gather3A_1108, %add3A_940 : vector<16xi1>, vector<16xf32>
        %add3A_1110 = arith.addf %select_n3A_1098, %select_n3A_1109 : vector<16xf32>
        %lt3A_1111 = arith.constant 0 : i32
        %lt3A_1112 = vector.broadcast %lt3A_1111 : i32 to vector<16xi32>
        %lt3A_1113 = arith.cmpi slt, %xor3A_1087, %lt3A_1112 : vector<16xi32>
        %add3A_1114 = arith.constant 16 : i32
        %add3A_1115 = vector.broadcast %add3A_1114 : i32 to vector<16xi32>
        %add3A_1116 = arith.addi %xor3A_1087, %add3A_1115 : vector<16xi32>
        %select_n3A_1117 = arith.select %lt3A_1113, %add3A_1116, %xor3A_1087 : vector<16xi1>, vector<16xi32>
        %broadcast_in_dim3A_1118 = vector.shape_cast %select_n3A_1117 : vector<16xi32> to vector<16x1xi32>
        %gather3A_1119 = vector.shape_cast %broadcast_in_dim3A_1118 : vector<16x1xi32> to vector<16xi32>
        %gather3A_1120 = tpu.dynamic_gather %add3A_986[%gather3A_1119] in [0] : vector<16xf32>, vector<16xi32> -> vector<16xf32>
        %select_n3A_1121 = arith.select %eq3A_1084, %add3A_963, %gather3A_1120 : vector<16xi1>, vector<16xf32>
        %lt3A_1122 = arith.constant 0 : i32
        %lt3A_1123 = vector.broadcast %lt3A_1122 : i32 to vector<16xi32>
        %lt3A_1124 = arith.cmpi slt, %xor3A_1087, %lt3A_1123 : vector<16xi32>
        %add3A_1125 = arith.constant 16 : i32
        %add3A_1126 = vector.broadcast %add3A_1125 : i32 to vector<16xi32>
        %add3A_1127 = arith.addi %xor3A_1087, %add3A_1126 : vector<16xi32>
        %select_n3A_1128 = arith.select %lt3A_1124, %add3A_1127, %xor3A_1087 : vector<16xi1>, vector<16xi32>
        %broadcast_in_dim3A_1129 = vector.shape_cast %select_n3A_1128 : vector<16xi32> to vector<16x1xi32>
        %gather3A_1130 = vector.shape_cast %broadcast_in_dim3A_1129 : vector<16x1xi32> to vector<16xi32>
        %gather3A_1131 = tpu.dynamic_gather %add3A_963[%gather3A_1130] in [0] : vector<16xf32>, vector<16xi32> -> vector<16xf32>
        %select_n3A_1132 = arith.select %eq3A_1084, %gather3A_1131, %add3A_986 : vector<16xi1>, vector<16xf32>
        %add3A_1133 = arith.addf %select_n3A_1121, %select_n3A_1132 : vector<16xf32>
        %lt3A_1134 = arith.constant 0 : i32
        %lt3A_1135 = vector.broadcast %lt3A_1134 : i32 to vector<16xi32>
        %lt3A_1136 = arith.cmpi slt, %xor3A_1087, %lt3A_1135 : vector<16xi32>
        %add3A_1137 = arith.constant 16 : i32
        %add3A_1138 = vector.broadcast %add3A_1137 : i32 to vector<16xi32>
        %add3A_1139 = arith.addi %xor3A_1087, %add3A_1138 : vector<16xi32>
        %select_n3A_1140 = arith.select %lt3A_1136, %add3A_1139, %xor3A_1087 : vector<16xi1>, vector<16xi32>
        %broadcast_in_dim3A_1141 = vector.shape_cast %select_n3A_1140 : vector<16xi32> to vector<16x1xi32>
        %gather3A_1142 = vector.shape_cast %broadcast_in_dim3A_1141 : vector<16x1xi32> to vector<16xi32>
        %gather3A_1143 = tpu.dynamic_gather %add3A_1032[%gather3A_1142] in [0] : vector<16xf32>, vector<16xi32> -> vector<16xf32>
        %select_n3A_1144 = arith.select %eq3A_1084, %add3A_1009, %gather3A_1143 : vector<16xi1>, vector<16xf32>
        %lt3A_1145 = arith.constant 0 : i32
        %lt3A_1146 = vector.broadcast %lt3A_1145 : i32 to vector<16xi32>
        %lt3A_1147 = arith.cmpi slt, %xor3A_1087, %lt3A_1146 : vector<16xi32>
        %add3A_1148 = arith.constant 16 : i32
        %add3A_1149 = vector.broadcast %add3A_1148 : i32 to vector<16xi32>
        %add3A_1150 = arith.addi %xor3A_1087, %add3A_1149 : vector<16xi32>
        %select_n3A_1151 = arith.select %lt3A_1147, %add3A_1150, %xor3A_1087 : vector<16xi1>, vector<16xi32>
        %broadcast_in_dim3A_1152 = vector.shape_cast %select_n3A_1151 : vector<16xi32> to vector<16x1xi32>
        %gather3A_1153 = vector.shape_cast %broadcast_in_dim3A_1152 : vector<16x1xi32> to vector<16xi32>
        %gather3A_1154 = tpu.dynamic_gather %add3A_1009[%gather3A_1153] in [0] : vector<16xf32>, vector<16xi32> -> vector<16xf32>
        %select_n3A_1155 = arith.select %eq3A_1084, %gather3A_1154, %add3A_1032 : vector<16xi1>, vector<16xf32>
        %add3A_1156 = arith.addf %select_n3A_1144, %select_n3A_1155 : vector<16xf32>
        %lt3A_1157 = arith.constant 0 : i32
        %lt3A_1158 = vector.broadcast %lt3A_1157 : i32 to vector<16xi32>
        %lt3A_1159 = arith.cmpi slt, %xor3A_1087, %lt3A_1158 : vector<16xi32>
        %add3A_1160 = arith.constant 16 : i32
        %add3A_1161 = vector.broadcast %add3A_1160 : i32 to vector<16xi32>
        %add3A_1162 = arith.addi %xor3A_1087, %add3A_1161 : vector<16xi32>
        %select_n3A_1163 = arith.select %lt3A_1159, %add3A_1162, %xor3A_1087 : vector<16xi1>, vector<16xi32>
        %broadcast_in_dim3A_1164 = vector.shape_cast %select_n3A_1163 : vector<16xi32> to vector<16x1xi32>
        %gather3A_1165 = vector.shape_cast %broadcast_in_dim3A_1164 : vector<16x1xi32> to vector<16xi32>
        %gather3A_1166 = tpu.dynamic_gather %add3A_1078[%gather3A_1165] in [0] : vector<16xf32>, vector<16xi32> -> vector<16xf32>
        %select_n3A_1167 = arith.select %eq3A_1084, %add3A_1055, %gather3A_1166 : vector<16xi1>, vector<16xf32>
        %lt3A_1168 = arith.constant 0 : i32
        %lt3A_1169 = vector.broadcast %lt3A_1168 : i32 to vector<16xi32>
        %lt3A_1170 = arith.cmpi slt, %xor3A_1087, %lt3A_1169 : vector<16xi32>
        %add3A_1171 = arith.constant 16 : i32
        %add3A_1172 = vector.broadcast %add3A_1171 : i32 to vector<16xi32>
        %add3A_1173 = arith.addi %xor3A_1087, %add3A_1172 : vector<16xi32>
        %select_n3A_1174 = arith.select %lt3A_1170, %add3A_1173, %xor3A_1087 : vector<16xi1>, vector<16xi32>
        %broadcast_in_dim3A_1175 = vector.shape_cast %select_n3A_1174 : vector<16xi32> to vector<16x1xi32>
        %gather3A_1176 = vector.shape_cast %broadcast_in_dim3A_1175 : vector<16x1xi32> to vector<16xi32>
        %gather3A_1177 = tpu.dynamic_gather %add3A_1055[%gather3A_1176] in [0] : vector<16xf32>, vector<16xi32> -> vector<16xf32>
        %select_n3A_1178 = arith.select %eq3A_1084, %gather3A_1177, %add3A_1078 : vector<16xi1>, vector<16xf32>
        %add3A_1179 = arith.addf %select_n3A_1167, %select_n3A_1178 : vector<16xf32>
        %and3A_1180 = arith.constant 2 : i32
        %and3A_1181 = vector.broadcast %and3A_1180 : i32 to vector<16xi32>
        %and3A_1182 = arith.andi %iota3A, %and3A_1181 : vector<16xi32>
        %eq3A_1183 = arith.constant 0 : i32
        %eq3A_1184 = vector.broadcast %eq3A_1183 : i32 to vector<16xi32>
        %eq3A_1185 = arith.cmpi eq, %and3A_1182, %eq3A_1184 : vector<16xi32>
        %xor3A_1186 = arith.constant 2 : i32
        %xor3A_1187 = vector.broadcast %xor3A_1186 : i32 to vector<16xi32>
        %xor3A_1188 = arith.xori %iota3A, %xor3A_1187 : vector<16xi32>
        %lt3A_1189 = arith.constant 0 : i32
        %lt3A_1190 = vector.broadcast %lt3A_1189 : i32 to vector<16xi32>
        %lt3A_1191 = arith.cmpi slt, %xor3A_1188, %lt3A_1190 : vector<16xi32>
        %add3A_1192 = arith.constant 16 : i32
        %add3A_1193 = vector.broadcast %add3A_1192 : i32 to vector<16xi32>
        %add3A_1194 = arith.addi %xor3A_1188, %add3A_1193 : vector<16xi32>
        %select_n3A_1195 = arith.select %lt3A_1191, %add3A_1194, %xor3A_1188 : vector<16xi1>, vector<16xi32>
        %broadcast_in_dim3A_1196 = vector.shape_cast %select_n3A_1195 : vector<16xi32> to vector<16x1xi32>
        %gather3A_1197 = vector.shape_cast %broadcast_in_dim3A_1196 : vector<16x1xi32> to vector<16xi32>
        %gather3A_1198 = tpu.dynamic_gather %add3A_1133[%gather3A_1197] in [0] : vector<16xf32>, vector<16xi32> -> vector<16xf32>
        %select_n3A_1199 = arith.select %eq3A_1185, %add3A_1110, %gather3A_1198 : vector<16xi1>, vector<16xf32>
        %lt3A_1200 = arith.constant 0 : i32
        %lt3A_1201 = vector.broadcast %lt3A_1200 : i32 to vector<16xi32>
        %lt3A_1202 = arith.cmpi slt, %xor3A_1188, %lt3A_1201 : vector<16xi32>
        %add3A_1203 = arith.constant 16 : i32
        %add3A_1204 = vector.broadcast %add3A_1203 : i32 to vector<16xi32>
        %add3A_1205 = arith.addi %xor3A_1188, %add3A_1204 : vector<16xi32>
        %select_n3A_1206 = arith.select %lt3A_1202, %add3A_1205, %xor3A_1188 : vector<16xi1>, vector<16xi32>
        %broadcast_in_dim3A_1207 = vector.shape_cast %select_n3A_1206 : vector<16xi32> to vector<16x1xi32>
        %gather3A_1208 = vector.shape_cast %broadcast_in_dim3A_1207 : vector<16x1xi32> to vector<16xi32>
        %gather3A_1209 = tpu.dynamic_gather %add3A_1110[%gather3A_1208] in [0] : vector<16xf32>, vector<16xi32> -> vector<16xf32>
        %select_n3A_1210 = arith.select %eq3A_1185, %gather3A_1209, %add3A_1133 : vector<16xi1>, vector<16xf32>
        %add3A_1211 = arith.addf %select_n3A_1199, %select_n3A_1210 : vector<16xf32>
        %lt3A_1212 = arith.constant 0 : i32
        %lt3A_1213 = vector.broadcast %lt3A_1212 : i32 to vector<16xi32>
        %lt3A_1214 = arith.cmpi slt, %xor3A_1188, %lt3A_1213 : vector<16xi32>
        %add3A_1215 = arith.constant 16 : i32
        %add3A_1216 = vector.broadcast %add3A_1215 : i32 to vector<16xi32>
        %add3A_1217 = arith.addi %xor3A_1188, %add3A_1216 : vector<16xi32>
        %select_n3A_1218 = arith.select %lt3A_1214, %add3A_1217, %xor3A_1188 : vector<16xi1>, vector<16xi32>
        %broadcast_in_dim3A_1219 = vector.shape_cast %select_n3A_1218 : vector<16xi32> to vector<16x1xi32>
        %gather3A_1220 = vector.shape_cast %broadcast_in_dim3A_1219 : vector<16x1xi32> to vector<16xi32>
        %gather3A_1221 = tpu.dynamic_gather %add3A_1179[%gather3A_1220] in [0] : vector<16xf32>, vector<16xi32> -> vector<16xf32>
        %select_n3A_1222 = arith.select %eq3A_1185, %add3A_1156, %gather3A_1221 : vector<16xi1>, vector<16xf32>
        %lt3A_1223 = arith.constant 0 : i32
        %lt3A_1224 = vector.broadcast %lt3A_1223 : i32 to vector<16xi32>
        %lt3A_1225 = arith.cmpi slt, %xor3A_1188, %lt3A_1224 : vector<16xi32>
        %add3A_1226 = arith.constant 16 : i32
        %add3A_1227 = vector.broadcast %add3A_1226 : i32 to vector<16xi32>
        %add3A_1228 = arith.addi %xor3A_1188, %add3A_1227 : vector<16xi32>
        %select_n3A_1229 = arith.select %lt3A_1225, %add3A_1228, %xor3A_1188 : vector<16xi1>, vector<16xi32>
        %broadcast_in_dim3A_1230 = vector.shape_cast %select_n3A_1229 : vector<16xi32> to vector<16x1xi32>
        %gather3A_1231 = vector.shape_cast %broadcast_in_dim3A_1230 : vector<16x1xi32> to vector<16xi32>
        %gather3A_1232 = tpu.dynamic_gather %add3A_1156[%gather3A_1231] in [0] : vector<16xf32>, vector<16xi32> -> vector<16xf32>
        %select_n3A_1233 = arith.select %eq3A_1185, %gather3A_1232, %add3A_1179 : vector<16xi1>, vector<16xf32>
        %add3A_1234 = arith.addf %select_n3A_1222, %select_n3A_1233 : vector<16xf32>
        %and3A_1235 = arith.constant 1 : i32
        %and3A_1236 = vector.broadcast %and3A_1235 : i32 to vector<16xi32>
        %and3A_1237 = arith.andi %iota3A, %and3A_1236 : vector<16xi32>
        %eq3A_1238 = arith.constant 0 : i32
        %eq3A_1239 = vector.broadcast %eq3A_1238 : i32 to vector<16xi32>
        %eq3A_1240 = arith.cmpi eq, %and3A_1237, %eq3A_1239 : vector<16xi32>
        %xor3A_1241 = arith.constant 1 : i32
        %xor3A_1242 = vector.broadcast %xor3A_1241 : i32 to vector<16xi32>
        %xor3A_1243 = arith.xori %iota3A, %xor3A_1242 : vector<16xi32>
        %lt3A_1244 = arith.constant 0 : i32
        %lt3A_1245 = vector.broadcast %lt3A_1244 : i32 to vector<16xi32>
        %lt3A_1246 = arith.cmpi slt, %xor3A_1243, %lt3A_1245 : vector<16xi32>
        %add3A_1247 = arith.constant 16 : i32
        %add3A_1248 = vector.broadcast %add3A_1247 : i32 to vector<16xi32>
        %add3A_1249 = arith.addi %xor3A_1243, %add3A_1248 : vector<16xi32>
        %select_n3A_1250 = arith.select %lt3A_1246, %add3A_1249, %xor3A_1243 : vector<16xi1>, vector<16xi32>
        %broadcast_in_dim3A_1251 = vector.shape_cast %select_n3A_1250 : vector<16xi32> to vector<16x1xi32>
        %gather3A_1252 = vector.shape_cast %broadcast_in_dim3A_1251 : vector<16x1xi32> to vector<16xi32>
        %gather3A_1253 = tpu.dynamic_gather %add3A_1234[%gather3A_1252] in [0] : vector<16xf32>, vector<16xi32> -> vector<16xf32>
        %select_n3A_1254 = arith.select %eq3A_1240, %add3A_1211, %gather3A_1253 : vector<16xi1>, vector<16xf32>
        %lt3A_1255 = arith.constant 0 : i32
        %lt3A_1256 = vector.broadcast %lt3A_1255 : i32 to vector<16xi32>
        %lt3A_1257 = arith.cmpi slt, %xor3A_1243, %lt3A_1256 : vector<16xi32>
        %add3A_1258 = arith.constant 16 : i32
        %add3A_1259 = vector.broadcast %add3A_1258 : i32 to vector<16xi32>
        %add3A_1260 = arith.addi %xor3A_1243, %add3A_1259 : vector<16xi32>
        %select_n3A_1261 = arith.select %lt3A_1257, %add3A_1260, %xor3A_1243 : vector<16xi1>, vector<16xi32>
        %broadcast_in_dim3A_1262 = vector.shape_cast %select_n3A_1261 : vector<16xi32> to vector<16x1xi32>
        %gather3A_1263 = vector.shape_cast %broadcast_in_dim3A_1262 : vector<16x1xi32> to vector<16xi32>
        %gather3A_1264 = tpu.dynamic_gather %add3A_1211[%gather3A_1263] in [0] : vector<16xf32>, vector<16xi32> -> vector<16xf32>
        %select_n3A_1265 = arith.select %eq3A_1240, %gather3A_1264, %add3A_1234 : vector<16xi1>, vector<16xf32>
        %add3A_1266 = arith.addf %select_n3A_1254, %select_n3A_1265 : vector<16xf32>
        %mul3A_1267 = arith.mulf %exp3A_741, %add3A_1266 : vector<16xf32>
        %add3A_1268 = arith.addf %add3A_736, %mul3A_1267 : vector<16xf32>
        %add3A_1269 = arith.addf %add3A_737, %exp3A_741 : vector<16xf32>
        %get3A_1270 = arith.index_cast %add3A_78 : i32 to index
        %get3A_1271 = tpu.vector_load %arg24[%get3A_1270] {strides = array<i32>} : memref<512xf32, #tpu.memory_space<vmem>>, vector<16xf32>,
        %get3A_1272 = vector.shape_cast %get3A_1271 : vector<16xf32> to vector<16xf32>
        %exp3A_1273 = math.exp %get3A_1272 : vector<16xf32>
        %get3A_1274 = arith.index_cast %add3A_90 : i32 to index
        %get3A_1275 = arith.index_cast %squeeze3A : i32 to index
        %get3A_1276 = tpu.vector_load %arg29[%get3A_1274, %get3A_1275] {strides = array<i32>} : memref<128x128xf32, #tpu.memory_space<vmem>>, vector<1x16xf32>,
        %get3A_1277 = vector.shape_cast %get3A_1276 : vector<1x16xf32> to vector<16xf32>
        %get3A_1278 = arith.index_cast %add3A_90 : i32 to index
        %get3A_1279 = arith.index_cast %squeeze3A_92 : i32 to index
        %get3A_1280 = tpu.vector_load %arg30[%get3A_1278, %get3A_1279] {strides = array<i32>} : memref<128x128xf32, #tpu.memory_space<vmem>>, vector<1x16xf32>,
        %get3A_1281 = vector.shape_cast %get3A_1280 : vector<1x16xf32> to vector<16xf32>
        %mul3A_1282 = arith.mulf %get3A_1277, %get3A_1281 : vector<16xf32>
        %get3A_1283 = arith.index_cast %add3A_96 : i32 to index
        %get3A_1284 = arith.index_cast %squeeze3A_98 : i32 to index
        %get3A_1285 = tpu.vector_load %arg29[%get3A_1283, %get3A_1284] {strides = array<i32>} : memref<128x128xf32, #tpu.memory_space<vmem>>, vector<1x16xf32>,
        %get3A_1286 = vector.shape_cast %get3A_1285 : vector<1x16xf32> to vector<16xf32>
        %get3A_1287 = arith.index_cast %add3A_96 : i32 to index
        %get3A_1288 = arith.index_cast %squeeze3A_100 : i32 to index
        %get3A_1289 = tpu.vector_load %arg30[%get3A_1287, %get3A_1288] {strides = array<i32>} : memref<128x128xf32, #tpu.memory_space<vmem>>, vector<1x16xf32>,
        %get3A_1290 = vector.shape_cast %get3A_1289 : vector<1x16xf32> to vector<16xf32>
        %mul3A_1291 = arith.mulf %get3A_1286, %get3A_1290 : vector<16xf32>
        %get3A_1292 = arith.index_cast %add3A_104 : i32 to index
        %get3A_1293 = arith.index_cast %squeeze3A_106 : i32 to index
        %get3A_1294 = tpu.vector_load %arg29[%get3A_1292, %get3A_1293] {strides = array<i32>} : memref<128x128xf32, #tpu.memory_space<vmem>>, vector<1x16xf32>,
        %get3A_1295 = vector.shape_cast %get3A_1294 : vector<1x16xf32> to vector<16xf32>
        %get3A_1296 = arith.index_cast %add3A_104 : i32 to index
        %get3A_1297 = arith.index_cast %squeeze3A_108 : i32 to index
        %get3A_1298 = tpu.vector_load %arg30[%get3A_1296, %get3A_1297] {strides = array<i32>} : memref<128x128xf32, #tpu.memory_space<vmem>>, vector<1x16xf32>,
        %get3A_1299 = vector.shape_cast %get3A_1298 : vector<1x16xf32> to vector<16xf32>
        %mul3A_1300 = arith.mulf %get3A_1295, %get3A_1299 : vector<16xf32>
        %get3A_1301 = arith.index_cast %add3A_112 : i32 to index
        %get3A_1302 = arith.index_cast %squeeze3A_114 : i32 to index
        %get3A_1303 = tpu.vector_load %arg29[%get3A_1301, %get3A_1302] {strides = array<i32>} : memref<128x128xf32, #tpu.memory_space<vmem>>, vector<1x16xf32>,
        %get3A_1304 = vector.shape_cast %get3A_1303 : vector<1x16xf32> to vector<16xf32>
        %get3A_1305 = arith.index_cast %add3A_112 : i32 to index
        %get3A_1306 = arith.index_cast %squeeze3A_116 : i32 to index
        %get3A_1307 = tpu.vector_load %arg30[%get3A_1305, %get3A_1306] {strides = array<i32>} : memref<128x128xf32, #tpu.memory_space<vmem>>, vector<1x16xf32>,
        %get3A_1308 = vector.shape_cast %get3A_1307 : vector<1x16xf32> to vector<16xf32>
        %mul3A_1309 = arith.mulf %get3A_1304, %get3A_1308 : vector<16xf32>
        %get3A_1310 = arith.index_cast %add3A_120 : i32 to index
        %get3A_1311 = arith.index_cast %squeeze3A_122 : i32 to index
        %get3A_1312 = tpu.vector_load %arg29[%get3A_1310, %get3A_1311] {strides = array<i32>} : memref<128x128xf32, #tpu.memory_space<vmem>>, vector<1x16xf32>,
        %get3A_1313 = vector.shape_cast %get3A_1312 : vector<1x16xf32> to vector<16xf32>
        %get3A_1314 = arith.index_cast %add3A_120 : i32 to index
        %get3A_1315 = arith.index_cast %squeeze3A_124 : i32 to index
        %get3A_1316 = tpu.vector_load %arg30[%get3A_1314, %get3A_1315] {strides = array<i32>} : memref<128x128xf32, #tpu.memory_space<vmem>>, vector<1x16xf32>,
        %get3A_1317 = vector.shape_cast %get3A_1316 : vector<1x16xf32> to vector<16xf32>
        %mul3A_1318 = arith.mulf %get3A_1313, %get3A_1317 : vector<16xf32>
        %get3A_1319 = arith.index_cast %add3A_128 : i32 to index
        %get3A_1320 = arith.index_cast %squeeze3A_130 : i32 to index
        %get3A_1321 = tpu.vector_load %arg29[%get3A_1319, %get3A_1320] {strides = array<i32>} : memref<128x128xf32, #tpu.memory_space<vmem>>, vector<1x16xf32>,
        %get3A_1322 = vector.shape_cast %get3A_1321 : vector<1x16xf32> to vector<16xf32>
        %get3A_1323 = arith.index_cast %add3A_128 : i32 to index
        %get3A_1324 = arith.index_cast %squeeze3A_132 : i32 to index
        %get3A_1325 = tpu.vector_load %arg30[%get3A_1323, %get3A_1324] {strides = array<i32>} : memref<128x128xf32, #tpu.memory_space<vmem>>, vector<1x16xf32>,
        %get3A_1326 = vector.shape_cast %get3A_1325 : vector<1x16xf32> to vector<16xf32>
        %mul3A_1327 = arith.mulf %get3A_1322, %get3A_1326 : vector<16xf32>
        %get3A_1328 = arith.index_cast %add3A_136 : i32 to index
        %get3A_1329 = arith.index_cast %squeeze3A_138 : i32 to index
        %get3A_1330 = tpu.vector_load %arg29[%get3A_1328, %get3A_1329] {strides = array<i32>} : memref<128x128xf32, #tpu.memory_space<vmem>>, vector<1x16xf32>,
        %get3A_1331 = vector.shape_cast %get3A_1330 : vector<1x16xf32> to vector<16xf32>
        %get3A_1332 = arith.index_cast %add3A_136 : i32 to index
        %get3A_1333 = arith.index_cast %squeeze3A_140 : i32 to index
        %get3A_1334 = tpu.vector_load %arg30[%get3A_1332, %get3A_1333] {strides = array<i32>} : memref<128x128xf32, #tpu.memory_space<vmem>>, vector<1x16xf32>,
        %get3A_1335 = vector.shape_cast %get3A_1334 : vector<1x16xf32> to vector<16xf32>
        %mul3A_1336 = arith.mulf %get3A_1331, %get3A_1335 : vector<16xf32>
        %get3A_1337 = arith.index_cast %add3A_144 : i32 to index
        %get3A_1338 = arith.index_cast %squeeze3A_146 : i32 to index
        %get3A_1339 = tpu.vector_load %arg29[%get3A_1337, %get3A_1338] {strides = array<i32>} : memref<128x128xf32, #tpu.memory_space<vmem>>, vector<1x16xf32>,
        %get3A_1340 = vector.shape_cast %get3A_1339 : vector<1x16xf32> to vector<16xf32>
        %get3A_1341 = arith.index_cast %add3A_144 : i32 to index
        %get3A_1342 = arith.index_cast %squeeze3A_148 : i32 to index
        %get3A_1343 = tpu.vector_load %arg30[%get3A_1341, %get3A_1342] {strides = array<i32>} : memref<128x128xf32, #tpu.memory_space<vmem>>, vector<1x16xf32>,
        %get3A_1344 = vector.shape_cast %get3A_1343 : vector<1x16xf32> to vector<16xf32>
        %mul3A_1345 = arith.mulf %get3A_1340, %get3A_1344 : vector<16xf32>
        %get3A_1346 = arith.index_cast %add3A_152 : i32 to index
        %get3A_1347 = arith.index_cast %squeeze3A_154 : i32 to index
        %get3A_1348 = tpu.vector_load %arg29[%get3A_1346, %get3A_1347] {strides = array<i32>} : memref<128x128xf32, #tpu.memory_space<vmem>>, vector<1x16xf32>,
        %get3A_1349 = vector.shape_cast %get3A_1348 : vector<1x16xf32> to vector<16xf32>
        %get3A_1350 = arith.index_cast %add3A_152 : i32 to index
        %get3A_1351 = arith.index_cast %squeeze3A_156 : i32 to index
        %get3A_1352 = tpu.vector_load %arg30[%get3A_1350, %get3A_1351] {strides = array<i32>} : memref<128x128xf32, #tpu.memory_space<vmem>>, vector<1x16xf32>,
        %get3A_1353 = vector.shape_cast %get3A_1352 : vector<1x16xf32> to vector<16xf32>
        %mul3A_1354 = arith.mulf %get3A_1349, %get3A_1353 : vector<16xf32>
        %get3A_1355 = arith.index_cast %add3A_160 : i32 to index
        %get3A_1356 = arith.index_cast %squeeze3A_162 : i32 to index
        %get3A_1357 = tpu.vector_load %arg29[%get3A_1355, %get3A_1356] {strides = array<i32>} : memref<128x128xf32, #tpu.memory_space<vmem>>, vector<1x16xf32>,
        %get3A_1358 = vector.shape_cast %get3A_1357 : vector<1x16xf32> to vector<16xf32>
        %get3A_1359 = arith.index_cast %add3A_160 : i32 to index
        %get3A_1360 = arith.index_cast %squeeze3A_164 : i32 to index
        %get3A_1361 = tpu.vector_load %arg30[%get3A_1359, %get3A_1360] {strides = array<i32>} : memref<128x128xf32, #tpu.memory_space<vmem>>, vector<1x16xf32>,
        %get3A_1362 = vector.shape_cast %get3A_1361 : vector<1x16xf32> to vector<16xf32>
        %mul3A_1363 = arith.mulf %get3A_1358, %get3A_1362 : vector<16xf32>
        %get3A_1364 = arith.index_cast %add3A_168 : i32 to index
        %get3A_1365 = arith.index_cast %squeeze3A_170 : i32 to index
        %get3A_1366 = tpu.vector_load %arg29[%get3A_1364, %get3A_1365] {strides = array<i32>} : memref<128x128xf32, #tpu.memory_space<vmem>>, vector<1x16xf32>,
        %get3A_1367 = vector.shape_cast %get3A_1366 : vector<1x16xf32> to vector<16xf32>
        %get3A_1368 = arith.index_cast %add3A_168 : i32 to index
        %get3A_1369 = arith.index_cast %squeeze3A_172 : i32 to index
        %get3A_1370 = tpu.vector_load %arg30[%get3A_1368, %get3A_1369] {strides = array<i32>} : memref<128x128xf32, #tpu.memory_space<vmem>>, vector<1x16xf32>,
        %get3A_1371 = vector.shape_cast %get3A_1370 : vector<1x16xf32> to vector<16xf32>
        %mul3A_1372 = arith.mulf %get3A_1367, %get3A_1371 : vector<16xf32>
        %get3A_1373 = arith.index_cast %add3A_176 : i32 to index
        %get3A_1374 = arith.index_cast %squeeze3A_178 : i32 to index
        %get3A_1375 = tpu.vector_load %arg29[%get3A_1373, %get3A_1374] {strides = array<i32>} : memref<128x128xf32, #tpu.memory_space<vmem>>, vector<1x16xf32>,
        %get3A_1376 = vector.shape_cast %get3A_1375 : vector<1x16xf32> to vector<16xf32>
        %get3A_1377 = arith.index_cast %add3A_176 : i32 to index
        %get3A_1378 = arith.index_cast %squeeze3A_180 : i32 to index
        %get3A_1379 = tpu.vector_load %arg30[%get3A_1377, %get3A_1378] {strides = array<i32>} : memref<128x128xf32, #tpu.memory_space<vmem>>, vector<1x16xf32>,
        %get3A_1380 = vector.shape_cast %get3A_1379 : vector<1x16xf32> to vector<16xf32>
        %mul3A_1381 = arith.mulf %get3A_1376, %get3A_1380 : vector<16xf32>
        %get3A_1382 = arith.index_cast %add3A_184 : i32 to index
        %get3A_1383 = arith.index_cast %squeeze3A_186 : i32 to index
        %get3A_1384 = tpu.vector_load %arg29[%get3A_1382, %get3A_1383] {strides = array<i32>} : memref<128x128xf32, #tpu.memory_space<vmem>>, vector<1x16xf32>,
        %get3A_1385 = vector.shape_cast %get3A_1384 : vector<1x16xf32> to vector<16xf32>
        %get3A_1386 = arith.index_cast %add3A_184 : i32 to index
        %get3A_1387 = arith.index_cast %squeeze3A_188 : i32 to index
        %get3A_1388 = tpu.vector_load %arg30[%get3A_1386, %get3A_1387] {strides = array<i32>} : memref<128x128xf32, #tpu.memory_space<vmem>>, vector<1x16xf32>,
        %get3A_1389 = vector.shape_cast %get3A_1388 : vector<1x16xf32> to vector<16xf32>
        %mul3A_1390 = arith.mulf %get3A_1385, %get3A_1389 : vector<16xf32>
        %get3A_1391 = arith.index_cast %add3A_192 : i32 to index
        %get3A_1392 = arith.index_cast %squeeze3A_194 : i32 to index
        %get3A_1393 = tpu.vector_load %arg29[%get3A_1391, %get3A_1392] {strides = array<i32>} : memref<128x128xf32, #tpu.memory_space<vmem>>, vector<1x16xf32>,
        %get3A_1394 = vector.shape_cast %get3A_1393 : vector<1x16xf32> to vector<16xf32>
        %get3A_1395 = arith.index_cast %add3A_192 : i32 to index
        %get3A_1396 = arith.index_cast %squeeze3A_196 : i32 to index
        %get3A_1397 = tpu.vector_load %arg30[%get3A_1395, %get3A_1396] {strides = array<i32>} : memref<128x128xf32, #tpu.memory_space<vmem>>, vector<1x16xf32>,
        %get3A_1398 = vector.shape_cast %get3A_1397 : vector<1x16xf32> to vector<16xf32>
        %mul3A_1399 = arith.mulf %get3A_1394, %get3A_1398 : vector<16xf32>
        %get3A_1400 = arith.index_cast %add3A_200 : i32 to index
        %get3A_1401 = arith.index_cast %squeeze3A_202 : i32 to index
        %get3A_1402 = tpu.vector_load %arg29[%get3A_1400, %get3A_1401] {strides = array<i32>} : memref<128x128xf32, #tpu.memory_space<vmem>>, vector<1x16xf32>,
        %get3A_1403 = vector.shape_cast %get3A_1402 : vector<1x16xf32> to vector<16xf32>
        %get3A_1404 = arith.index_cast %add3A_200 : i32 to index
        %get3A_1405 = arith.index_cast %squeeze3A_204 : i32 to index
        %get3A_1406 = tpu.vector_load %arg30[%get3A_1404, %get3A_1405] {strides = array<i32>} : memref<128x128xf32, #tpu.memory_space<vmem>>, vector<1x16xf32>,
        %get3A_1407 = vector.shape_cast %get3A_1406 : vector<1x16xf32> to vector<16xf32>
        %mul3A_1408 = arith.mulf %get3A_1403, %get3A_1407 : vector<16xf32>
        %get3A_1409 = arith.index_cast %add3A_208 : i32 to index
        %get3A_1410 = arith.index_cast %squeeze3A_210 : i32 to index
        %get3A_1411 = tpu.vector_load %arg29[%get3A_1409, %get3A_1410] {strides = array<i32>} : memref<128x128xf32, #tpu.memory_space<vmem>>, vector<1x16xf32>,
        %get3A_1412 = vector.shape_cast %get3A_1411 : vector<1x16xf32> to vector<16xf32>
        %get3A_1413 = arith.index_cast %add3A_208 : i32 to index
        %get3A_1414 = arith.index_cast %squeeze3A_212 : i32 to index
        %get3A_1415 = tpu.vector_load %arg30[%get3A_1413, %get3A_1414] {strides = array<i32>} : memref<128x128xf32, #tpu.memory_space<vmem>>, vector<1x16xf32>,
        %get3A_1416 = vector.shape_cast %get3A_1415 : vector<1x16xf32> to vector<16xf32>
        %mul3A_1417 = arith.mulf %get3A_1412, %get3A_1416 : vector<16xf32>
        %and3A_1418 = arith.constant 8 : i32
        %and3A_1419 = vector.broadcast %and3A_1418 : i32 to vector<16xi32>
        %and3A_1420 = arith.andi %iota3A, %and3A_1419 : vector<16xi32>
        %eq3A_1421 = arith.constant 0 : i32
        %eq3A_1422 = vector.broadcast %eq3A_1421 : i32 to vector<16xi32>
        %eq3A_1423 = arith.cmpi eq, %and3A_1420, %eq3A_1422 : vector<16xi32>
        %xor3A_1424 = arith.constant 8 : i32
        %xor3A_1425 = vector.broadcast %xor3A_1424 : i32 to vector<16xi32>
        %xor3A_1426 = arith.xori %iota3A, %xor3A_1425 : vector<16xi32>
        %lt3A_1427 = arith.constant 0 : i32
        %lt3A_1428 = vector.broadcast %lt3A_1427 : i32 to vector<16xi32>
        %lt3A_1429 = arith.cmpi slt, %xor3A_1426, %lt3A_1428 : vector<16xi32>
        %add3A_1430 = arith.constant 16 : i32
        %add3A_1431 = vector.broadcast %add3A_1430 : i32 to vector<16xi32>
        %add3A_1432 = arith.addi %xor3A_1426, %add3A_1431 : vector<16xi32>
        %select_n3A_1433 = arith.select %lt3A_1429, %add3A_1432, %xor3A_1426 : vector<16xi1>, vector<16xi32>
        %broadcast_in_dim3A_1434 = vector.shape_cast %select_n3A_1433 : vector<16xi32> to vector<16x1xi32>
        %gather3A_1435 = vector.shape_cast %broadcast_in_dim3A_1434 : vector<16x1xi32> to vector<16xi32>
        %gather3A_1436 = tpu.dynamic_gather %mul3A_1291[%gather3A_1435] in [0] : vector<16xf32>, vector<16xi32> -> vector<16xf32>
        %select_n3A_1437 = arith.select %eq3A_1423, %mul3A_1282, %gather3A_1436 : vector<16xi1>, vector<16xf32>
        %lt3A_1438 = arith.constant 0 : i32
        %lt3A_1439 = vector.broadcast %lt3A_1438 : i32 to vector<16xi32>
        %lt3A_1440 = arith.cmpi slt, %xor3A_1426, %lt3A_1439 : vector<16xi32>
        %add3A_1441 = arith.constant 16 : i32
        %add3A_1442 = vector.broadcast %add3A_1441 : i32 to vector<16xi32>
        %add3A_1443 = arith.addi %xor3A_1426, %add3A_1442 : vector<16xi32>
        %select_n3A_1444 = arith.select %lt3A_1440, %add3A_1443, %xor3A_1426 : vector<16xi1>, vector<16xi32>
        %broadcast_in_dim3A_1445 = vector.shape_cast %select_n3A_1444 : vector<16xi32> to vector<16x1xi32>
        %gather3A_1446 = vector.shape_cast %broadcast_in_dim3A_1445 : vector<16x1xi32> to vector<16xi32>
        %gather3A_1447 = tpu.dynamic_gather %mul3A_1282[%gather3A_1446] in [0] : vector<16xf32>, vector<16xi32> -> vector<16xf32>
        %select_n3A_1448 = arith.select %eq3A_1423, %gather3A_1447, %mul3A_1291 : vector<16xi1>, vector<16xf32>
        %add3A_1449 = arith.addf %select_n3A_1437, %select_n3A_1448 : vector<16xf32>
        %lt3A_1450 = arith.constant 0 : i32
        %lt3A_1451 = vector.broadcast %lt3A_1450 : i32 to vector<16xi32>
        %lt3A_1452 = arith.cmpi slt, %xor3A_1426, %lt3A_1451 : vector<16xi32>
        %add3A_1453 = arith.constant 16 : i32
        %add3A_1454 = vector.broadcast %add3A_1453 : i32 to vector<16xi32>
        %add3A_1455 = arith.addi %xor3A_1426, %add3A_1454 : vector<16xi32>
        %select_n3A_1456 = arith.select %lt3A_1452, %add3A_1455, %xor3A_1426 : vector<16xi1>, vector<16xi32>
        %broadcast_in_dim3A_1457 = vector.shape_cast %select_n3A_1456 : vector<16xi32> to vector<16x1xi32>
        %gather3A_1458 = vector.shape_cast %broadcast_in_dim3A_1457 : vector<16x1xi32> to vector<16xi32>
        %gather3A_1459 = tpu.dynamic_gather %mul3A_1309[%gather3A_1458] in [0] : vector<16xf32>, vector<16xi32> -> vector<16xf32>
        %select_n3A_1460 = arith.select %eq3A_1423, %mul3A_1300, %gather3A_1459 : vector<16xi1>, vector<16xf32>
        %lt3A_1461 = arith.constant 0 : i32
        %lt3A_1462 = vector.broadcast %lt3A_1461 : i32 to vector<16xi32>
        %lt3A_1463 = arith.cmpi slt, %xor3A_1426, %lt3A_1462 : vector<16xi32>
        %add3A_1464 = arith.constant 16 : i32
        %add3A_1465 = vector.broadcast %add3A_1464 : i32 to vector<16xi32>
        %add3A_1466 = arith.addi %xor3A_1426, %add3A_1465 : vector<16xi32>
        %select_n3A_1467 = arith.select %lt3A_1463, %add3A_1466, %xor3A_1426 : vector<16xi1>, vector<16xi32>
        %broadcast_in_dim3A_1468 = vector.shape_cast %select_n3A_1467 : vector<16xi32> to vector<16x1xi32>
        %gather3A_1469 = vector.shape_cast %broadcast_in_dim3A_1468 : vector<16x1xi32> to vector<16xi32>
        %gather3A_1470 = tpu.dynamic_gather %mul3A_1300[%gather3A_1469] in [0] : vector<16xf32>, vector<16xi32> -> vector<16xf32>
        %select_n3A_1471 = arith.select %eq3A_1423, %gather3A_1470, %mul3A_1309 : vector<16xi1>, vector<16xf32>
        %add3A_1472 = arith.addf %select_n3A_1460, %select_n3A_1471 : vector<16xf32>
        %lt3A_1473 = arith.constant 0 : i32
        %lt3A_1474 = vector.broadcast %lt3A_1473 : i32 to vector<16xi32>
        %lt3A_1475 = arith.cmpi slt, %xor3A_1426, %lt3A_1474 : vector<16xi32>
        %add3A_1476 = arith.constant 16 : i32
        %add3A_1477 = vector.broadcast %add3A_1476 : i32 to vector<16xi32>
        %add3A_1478 = arith.addi %xor3A_1426, %add3A_1477 : vector<16xi32>
        %select_n3A_1479 = arith.select %lt3A_1475, %add3A_1478, %xor3A_1426 : vector<16xi1>, vector<16xi32>
        %broadcast_in_dim3A_1480 = vector.shape_cast %select_n3A_1479 : vector<16xi32> to vector<16x1xi32>
        %gather3A_1481 = vector.shape_cast %broadcast_in_dim3A_1480 : vector<16x1xi32> to vector<16xi32>
        %gather3A_1482 = tpu.dynamic_gather %mul3A_1327[%gather3A_1481] in [0] : vector<16xf32>, vector<16xi32> -> vector<16xf32>
        %select_n3A_1483 = arith.select %eq3A_1423, %mul3A_1318, %gather3A_1482 : vector<16xi1>, vector<16xf32>
        %lt3A_1484 = arith.constant 0 : i32
        %lt3A_1485 = vector.broadcast %lt3A_1484 : i32 to vector<16xi32>
        %lt3A_1486 = arith.cmpi slt, %xor3A_1426, %lt3A_1485 : vector<16xi32>
        %add3A_1487 = arith.constant 16 : i32
        %add3A_1488 = vector.broadcast %add3A_1487 : i32 to vector<16xi32>
        %add3A_1489 = arith.addi %xor3A_1426, %add3A_1488 : vector<16xi32>
        %select_n3A_1490 = arith.select %lt3A_1486, %add3A_1489, %xor3A_1426 : vector<16xi1>, vector<16xi32>
        %broadcast_in_dim3A_1491 = vector.shape_cast %select_n3A_1490 : vector<16xi32> to vector<16x1xi32>
        %gather3A_1492 = vector.shape_cast %broadcast_in_dim3A_1491 : vector<16x1xi32> to vector<16xi32>
        %gather3A_1493 = tpu.dynamic_gather %mul3A_1318[%gather3A_1492] in [0] : vector<16xf32>, vector<16xi32> -> vector<16xf32>
        %select_n3A_1494 = arith.select %eq3A_1423, %gather3A_1493, %mul3A_1327 : vector<16xi1>, vector<16xf32>
        %add3A_1495 = arith.addf %select_n3A_1483, %select_n3A_1494 : vector<16xf32>
        %lt3A_1496 = arith.constant 0 : i32
        %lt3A_1497 = vector.broadcast %lt3A_1496 : i32 to vector<16xi32>
        %lt3A_1498 = arith.cmpi slt, %xor3A_1426, %lt3A_1497 : vector<16xi32>
        %add3A_1499 = arith.constant 16 : i32
        %add3A_1500 = vector.broadcast %add3A_1499 : i32 to vector<16xi32>
        %add3A_1501 = arith.addi %xor3A_1426, %add3A_1500 : vector<16xi32>
        %select_n3A_1502 = arith.select %lt3A_1498, %add3A_1501, %xor3A_1426 : vector<16xi1>, vector<16xi32>
        %broadcast_in_dim3A_1503 = vector.shape_cast %select_n3A_1502 : vector<16xi32> to vector<16x1xi32>
        %gather3A_1504 = vector.shape_cast %broadcast_in_dim3A_1503 : vector<16x1xi32> to vector<16xi32>
        %gather3A_1505 = tpu.dynamic_gather %mul3A_1345[%gather3A_1504] in [0] : vector<16xf32>, vector<16xi32> -> vector<16xf32>
        %select_n3A_1506 = arith.select %eq3A_1423, %mul3A_1336, %gather3A_1505 : vector<16xi1>, vector<16xf32>
        %lt3A_1507 = arith.constant 0 : i32
        %lt3A_1508 = vector.broadcast %lt3A_1507 : i32 to vector<16xi32>
        %lt3A_1509 = arith.cmpi slt, %xor3A_1426, %lt3A_1508 : vector<16xi32>
        %add3A_1510 = arith.constant 16 : i32
        %add3A_1511 = vector.broadcast %add3A_1510 : i32 to vector<16xi32>
        %add3A_1512 = arith.addi %xor3A_1426, %add3A_1511 : vector<16xi32>
        %select_n3A_1513 = arith.select %lt3A_1509, %add3A_1512, %xor3A_1426 : vector<16xi1>, vector<16xi32>
        %broadcast_in_dim3A_1514 = vector.shape_cast %select_n3A_1513 : vector<16xi32> to vector<16x1xi32>
        %gather3A_1515 = vector.shape_cast %broadcast_in_dim3A_1514 : vector<16x1xi32> to vector<16xi32>
        %gather3A_1516 = tpu.dynamic_gather %mul3A_1336[%gather3A_1515] in [0] : vector<16xf32>, vector<16xi32> -> vector<16xf32>
        %select_n3A_1517 = arith.select %eq3A_1423, %gather3A_1516, %mul3A_1345 : vector<16xi1>, vector<16xf32>
        %add3A_1518 = arith.addf %select_n3A_1506, %select_n3A_1517 : vector<16xf32>
        %lt3A_1519 = arith.constant 0 : i32
        %lt3A_1520 = vector.broadcast %lt3A_1519 : i32 to vector<16xi32>
        %lt3A_1521 = arith.cmpi slt, %xor3A_1426, %lt3A_1520 : vector<16xi32>
        %add3A_1522 = arith.constant 16 : i32
        %add3A_1523 = vector.broadcast %add3A_1522 : i32 to vector<16xi32>
        %add3A_1524 = arith.addi %xor3A_1426, %add3A_1523 : vector<16xi32>
        %select_n3A_1525 = arith.select %lt3A_1521, %add3A_1524, %xor3A_1426 : vector<16xi1>, vector<16xi32>
        %broadcast_in_dim3A_1526 = vector.shape_cast %select_n3A_1525 : vector<16xi32> to vector<16x1xi32>
        %gather3A_1527 = vector.shape_cast %broadcast_in_dim3A_1526 : vector<16x1xi32> to vector<16xi32>
        %gather3A_1528 = tpu.dynamic_gather %mul3A_1363[%gather3A_1527] in [0] : vector<16xf32>, vector<16xi32> -> vector<16xf32>
        %select_n3A_1529 = arith.select %eq3A_1423, %mul3A_1354, %gather3A_1528 : vector<16xi1>, vector<16xf32>
        %lt3A_1530 = arith.constant 0 : i32
        %lt3A_1531 = vector.broadcast %lt3A_1530 : i32 to vector<16xi32>
        %lt3A_1532 = arith.cmpi slt, %xor3A_1426, %lt3A_1531 : vector<16xi32>
        %add3A_1533 = arith.constant 16 : i32
        %add3A_1534 = vector.broadcast %add3A_1533 : i32 to vector<16xi32>
        %add3A_1535 = arith.addi %xor3A_1426, %add3A_1534 : vector<16xi32>
        %select_n3A_1536 = arith.select %lt3A_1532, %add3A_1535, %xor3A_1426 : vector<16xi1>, vector<16xi32>
        %broadcast_in_dim3A_1537 = vector.shape_cast %select_n3A_1536 : vector<16xi32> to vector<16x1xi32>
        %gather3A_1538 = vector.shape_cast %broadcast_in_dim3A_1537 : vector<16x1xi32> to vector<16xi32>
        %gather3A_1539 = tpu.dynamic_gather %mul3A_1354[%gather3A_1538] in [0] : vector<16xf32>, vector<16xi32> -> vector<16xf32>
        %select_n3A_1540 = arith.select %eq3A_1423, %gather3A_1539, %mul3A_1363 : vector<16xi1>, vector<16xf32>
        %add3A_1541 = arith.addf %select_n3A_1529, %select_n3A_1540 : vector<16xf32>
        %lt3A_1542 = arith.constant 0 : i32
        %lt3A_1543 = vector.broadcast %lt3A_1542 : i32 to vector<16xi32>
        %lt3A_1544 = arith.cmpi slt, %xor3A_1426, %lt3A_1543 : vector<16xi32>
        %add3A_1545 = arith.constant 16 : i32
        %add3A_1546 = vector.broadcast %add3A_1545 : i32 to vector<16xi32>
        %add3A_1547 = arith.addi %xor3A_1426, %add3A_1546 : vector<16xi32>
        %select_n3A_1548 = arith.select %lt3A_1544, %add3A_1547, %xor3A_1426 : vector<16xi1>, vector<16xi32>
        %broadcast_in_dim3A_1549 = vector.shape_cast %select_n3A_1548 : vector<16xi32> to vector<16x1xi32>
        %gather3A_1550 = vector.shape_cast %broadcast_in_dim3A_1549 : vector<16x1xi32> to vector<16xi32>
        %gather3A_1551 = tpu.dynamic_gather %mul3A_1381[%gather3A_1550] in [0] : vector<16xf32>, vector<16xi32> -> vector<16xf32>
        %select_n3A_1552 = arith.select %eq3A_1423, %mul3A_1372, %gather3A_1551 : vector<16xi1>, vector<16xf32>
        %lt3A_1553 = arith.constant 0 : i32
        %lt3A_1554 = vector.broadcast %lt3A_1553 : i32 to vector<16xi32>
        %lt3A_1555 = arith.cmpi slt, %xor3A_1426, %lt3A_1554 : vector<16xi32>
        %add3A_1556 = arith.constant 16 : i32
        %add3A_1557 = vector.broadcast %add3A_1556 : i32 to vector<16xi32>
        %add3A_1558 = arith.addi %xor3A_1426, %add3A_1557 : vector<16xi32>
        %select_n3A_1559 = arith.select %lt3A_1555, %add3A_1558, %xor3A_1426 : vector<16xi1>, vector<16xi32>
        %broadcast_in_dim3A_1560 = vector.shape_cast %select_n3A_1559 : vector<16xi32> to vector<16x1xi32>
        %gather3A_1561 = vector.shape_cast %broadcast_in_dim3A_1560 : vector<16x1xi32> to vector<16xi32>
        %gather3A_1562 = tpu.dynamic_gather %mul3A_1372[%gather3A_1561] in [0] : vector<16xf32>, vector<16xi32> -> vector<16xf32>
        %select_n3A_1563 = arith.select %eq3A_1423, %gather3A_1562, %mul3A_1381 : vector<16xi1>, vector<16xf32>
        %add3A_1564 = arith.addf %select_n3A_1552, %select_n3A_1563 : vector<16xf32>
        %lt3A_1565 = arith.constant 0 : i32
        %lt3A_1566 = vector.broadcast %lt3A_1565 : i32 to vector<16xi32>
        %lt3A_1567 = arith.cmpi slt, %xor3A_1426, %lt3A_1566 : vector<16xi32>
        %add3A_1568 = arith.constant 16 : i32
        %add3A_1569 = vector.broadcast %add3A_1568 : i32 to vector<16xi32>
        %add3A_1570 = arith.addi %xor3A_1426, %add3A_1569 : vector<16xi32>
        %select_n3A_1571 = arith.select %lt3A_1567, %add3A_1570, %xor3A_1426 : vector<16xi1>, vector<16xi32>
        %broadcast_in_dim3A_1572 = vector.shape_cast %select_n3A_1571 : vector<16xi32> to vector<16x1xi32>
        %gather3A_1573 = vector.shape_cast %broadcast_in_dim3A_1572 : vector<16x1xi32> to vector<16xi32>
        %gather3A_1574 = tpu.dynamic_gather %mul3A_1399[%gather3A_1573] in [0] : vector<16xf32>, vector<16xi32> -> vector<16xf32>
        %select_n3A_1575 = arith.select %eq3A_1423, %mul3A_1390, %gather3A_1574 : vector<16xi1>, vector<16xf32>
        %lt3A_1576 = arith.constant 0 : i32
        %lt3A_1577 = vector.broadcast %lt3A_1576 : i32 to vector<16xi32>
        %lt3A_1578 = arith.cmpi slt, %xor3A_1426, %lt3A_1577 : vector<16xi32>
        %add3A_1579 = arith.constant 16 : i32
        %add3A_1580 = vector.broadcast %add3A_1579 : i32 to vector<16xi32>
        %add3A_1581 = arith.addi %xor3A_1426, %add3A_1580 : vector<16xi32>
        %select_n3A_1582 = arith.select %lt3A_1578, %add3A_1581, %xor3A_1426 : vector<16xi1>, vector<16xi32>
        %broadcast_in_dim3A_1583 = vector.shape_cast %select_n3A_1582 : vector<16xi32> to vector<16x1xi32>
        %gather3A_1584 = vector.shape_cast %broadcast_in_dim3A_1583 : vector<16x1xi32> to vector<16xi32>
        %gather3A_1585 = tpu.dynamic_gather %mul3A_1390[%gather3A_1584] in [0] : vector<16xf32>, vector<16xi32> -> vector<16xf32>
        %select_n3A_1586 = arith.select %eq3A_1423, %gather3A_1585, %mul3A_1399 : vector<16xi1>, vector<16xf32>
        %add3A_1587 = arith.addf %select_n3A_1575, %select_n3A_1586 : vector<16xf32>
        %lt3A_1588 = arith.constant 0 : i32
        %lt3A_1589 = vector.broadcast %lt3A_1588 : i32 to vector<16xi32>
        %lt3A_1590 = arith.cmpi slt, %xor3A_1426, %lt3A_1589 : vector<16xi32>
        %add3A_1591 = arith.constant 16 : i32
        %add3A_1592 = vector.broadcast %add3A_1591 : i32 to vector<16xi32>
        %add3A_1593 = arith.addi %xor3A_1426, %add3A_1592 : vector<16xi32>
        %select_n3A_1594 = arith.select %lt3A_1590, %add3A_1593, %xor3A_1426 : vector<16xi1>, vector<16xi32>
        %broadcast_in_dim3A_1595 = vector.shape_cast %select_n3A_1594 : vector<16xi32> to vector<16x1xi32>
        %gather3A_1596 = vector.shape_cast %broadcast_in_dim3A_1595 : vector<16x1xi32> to vector<16xi32>
        %gather3A_1597 = tpu.dynamic_gather %mul3A_1417[%gather3A_1596] in [0] : vector<16xf32>, vector<16xi32> -> vector<16xf32>
        %select_n3A_1598 = arith.select %eq3A_1423, %mul3A_1408, %gather3A_1597 : vector<16xi1>, vector<16xf32>
        %lt3A_1599 = arith.constant 0 : i32
        %lt3A_1600 = vector.broadcast %lt3A_1599 : i32 to vector<16xi32>
        %lt3A_1601 = arith.cmpi slt, %xor3A_1426, %lt3A_1600 : vector<16xi32>
        %add3A_1602 = arith.constant 16 : i32
        %add3A_1603 = vector.broadcast %add3A_1602 : i32 to vector<16xi32>
        %add3A_1604 = arith.addi %xor3A_1426, %add3A_1603 : vector<16xi32>
        %select_n3A_1605 = arith.select %lt3A_1601, %add3A_1604, %xor3A_1426 : vector<16xi1>, vector<16xi32>
        %broadcast_in_dim3A_1606 = vector.shape_cast %select_n3A_1605 : vector<16xi32> to vector<16x1xi32>
        %gather3A_1607 = vector.shape_cast %broadcast_in_dim3A_1606 : vector<16x1xi32> to vector<16xi32>
        %gather3A_1608 = tpu.dynamic_gather %mul3A_1408[%gather3A_1607] in [0] : vector<16xf32>, vector<16xi32> -> vector<16xf32>
        %select_n3A_1609 = arith.select %eq3A_1423, %gather3A_1608, %mul3A_1417 : vector<16xi1>, vector<16xf32>
        %add3A_1610 = arith.addf %select_n3A_1598, %select_n3A_1609 : vector<16xf32>
        %and3A_1611 = arith.constant 4 : i32
        %and3A_1612 = vector.broadcast %and3A_1611 : i32 to vector<16xi32>
        %and3A_1613 = arith.andi %iota3A, %and3A_1612 : vector<16xi32>
        %eq3A_1614 = arith.constant 0 : i32
        %eq3A_1615 = vector.broadcast %eq3A_1614 : i32 to vector<16xi32>
        %eq3A_1616 = arith.cmpi eq, %and3A_1613, %eq3A_1615 : vector<16xi32>
        %xor3A_1617 = arith.constant 4 : i32
        %xor3A_1618 = vector.broadcast %xor3A_1617 : i32 to vector<16xi32>
        %xor3A_1619 = arith.xori %iota3A, %xor3A_1618 : vector<16xi32>
        %lt3A_1620 = arith.constant 0 : i32
        %lt3A_1621 = vector.broadcast %lt3A_1620 : i32 to vector<16xi32>
        %lt3A_1622 = arith.cmpi slt, %xor3A_1619, %lt3A_1621 : vector<16xi32>
        %add3A_1623 = arith.constant 16 : i32
        %add3A_1624 = vector.broadcast %add3A_1623 : i32 to vector<16xi32>
        %add3A_1625 = arith.addi %xor3A_1619, %add3A_1624 : vector<16xi32>
        %select_n3A_1626 = arith.select %lt3A_1622, %add3A_1625, %xor3A_1619 : vector<16xi1>, vector<16xi32>
        %broadcast_in_dim3A_1627 = vector.shape_cast %select_n3A_1626 : vector<16xi32> to vector<16x1xi32>
        %gather3A_1628 = vector.shape_cast %broadcast_in_dim3A_1627 : vector<16x1xi32> to vector<16xi32>
        %gather3A_1629 = tpu.dynamic_gather %add3A_1472[%gather3A_1628] in [0] : vector<16xf32>, vector<16xi32> -> vector<16xf32>
        %select_n3A_1630 = arith.select %eq3A_1616, %add3A_1449, %gather3A_1629 : vector<16xi1>, vector<16xf32>
        %lt3A_1631 = arith.constant 0 : i32
        %lt3A_1632 = vector.broadcast %lt3A_1631 : i32 to vector<16xi32>
        %lt3A_1633 = arith.cmpi slt, %xor3A_1619, %lt3A_1632 : vector<16xi32>
        %add3A_1634 = arith.constant 16 : i32
        %add3A_1635 = vector.broadcast %add3A_1634 : i32 to vector<16xi32>
        %add3A_1636 = arith.addi %xor3A_1619, %add3A_1635 : vector<16xi32>
        %select_n3A_1637 = arith.select %lt3A_1633, %add3A_1636, %xor3A_1619 : vector<16xi1>, vector<16xi32>
        %broadcast_in_dim3A_1638 = vector.shape_cast %select_n3A_1637 : vector<16xi32> to vector<16x1xi32>
        %gather3A_1639 = vector.shape_cast %broadcast_in_dim3A_1638 : vector<16x1xi32> to vector<16xi32>
        %gather3A_1640 = tpu.dynamic_gather %add3A_1449[%gather3A_1639] in [0] : vector<16xf32>, vector<16xi32> -> vector<16xf32>
        %select_n3A_1641 = arith.select %eq3A_1616, %gather3A_1640, %add3A_1472 : vector<16xi1>, vector<16xf32>
        %add3A_1642 = arith.addf %select_n3A_1630, %select_n3A_1641 : vector<16xf32>
        %lt3A_1643 = arith.constant 0 : i32
        %lt3A_1644 = vector.broadcast %lt3A_1643 : i32 to vector<16xi32>
        %lt3A_1645 = arith.cmpi slt, %xor3A_1619, %lt3A_1644 : vector<16xi32>
        %add3A_1646 = arith.constant 16 : i32
        %add3A_1647 = vector.broadcast %add3A_1646 : i32 to vector<16xi32>
        %add3A_1648 = arith.addi %xor3A_1619, %add3A_1647 : vector<16xi32>
        %select_n3A_1649 = arith.select %lt3A_1645, %add3A_1648, %xor3A_1619 : vector<16xi1>, vector<16xi32>
        %broadcast_in_dim3A_1650 = vector.shape_cast %select_n3A_1649 : vector<16xi32> to vector<16x1xi32>
        %gather3A_1651 = vector.shape_cast %broadcast_in_dim3A_1650 : vector<16x1xi32> to vector<16xi32>
        %gather3A_1652 = tpu.dynamic_gather %add3A_1518[%gather3A_1651] in [0] : vector<16xf32>, vector<16xi32> -> vector<16xf32>
        %select_n3A_1653 = arith.select %eq3A_1616, %add3A_1495, %gather3A_1652 : vector<16xi1>, vector<16xf32>
        %lt3A_1654 = arith.constant 0 : i32
        %lt3A_1655 = vector.broadcast %lt3A_1654 : i32 to vector<16xi32>
        %lt3A_1656 = arith.cmpi slt, %xor3A_1619, %lt3A_1655 : vector<16xi32>
        %add3A_1657 = arith.constant 16 : i32
        %add3A_1658 = vector.broadcast %add3A_1657 : i32 to vector<16xi32>
        %add3A_1659 = arith.addi %xor3A_1619, %add3A_1658 : vector<16xi32>
        %select_n3A_1660 = arith.select %lt3A_1656, %add3A_1659, %xor3A_1619 : vector<16xi1>, vector<16xi32>
        %broadcast_in_dim3A_1661 = vector.shape_cast %select_n3A_1660 : vector<16xi32> to vector<16x1xi32>
        %gather3A_1662 = vector.shape_cast %broadcast_in_dim3A_1661 : vector<16x1xi32> to vector<16xi32>
        %gather3A_1663 = tpu.dynamic_gather %add3A_1495[%gather3A_1662] in [0] : vector<16xf32>, vector<16xi32> -> vector<16xf32>
        %select_n3A_1664 = arith.select %eq3A_1616, %gather3A_1663, %add3A_1518 : vector<16xi1>, vector<16xf32>
        %add3A_1665 = arith.addf %select_n3A_1653, %select_n3A_1664 : vector<16xf32>
        %lt3A_1666 = arith.constant 0 : i32
        %lt3A_1667 = vector.broadcast %lt3A_1666 : i32 to vector<16xi32>
        %lt3A_1668 = arith.cmpi slt, %xor3A_1619, %lt3A_1667 : vector<16xi32>
        %add3A_1669 = arith.constant 16 : i32
        %add3A_1670 = vector.broadcast %add3A_1669 : i32 to vector<16xi32>
        %add3A_1671 = arith.addi %xor3A_1619, %add3A_1670 : vector<16xi32>
        %select_n3A_1672 = arith.select %lt3A_1668, %add3A_1671, %xor3A_1619 : vector<16xi1>, vector<16xi32>
        %broadcast_in_dim3A_1673 = vector.shape_cast %select_n3A_1672 : vector<16xi32> to vector<16x1xi32>
        %gather3A_1674 = vector.shape_cast %broadcast_in_dim3A_1673 : vector<16x1xi32> to vector<16xi32>
        %gather3A_1675 = tpu.dynamic_gather %add3A_1564[%gather3A_1674] in [0] : vector<16xf32>, vector<16xi32> -> vector<16xf32>
        %select_n3A_1676 = arith.select %eq3A_1616, %add3A_1541, %gather3A_1675 : vector<16xi1>, vector<16xf32>
        %lt3A_1677 = arith.constant 0 : i32
        %lt3A_1678 = vector.broadcast %lt3A_1677 : i32 to vector<16xi32>
        %lt3A_1679 = arith.cmpi slt, %xor3A_1619, %lt3A_1678 : vector<16xi32>
        %add3A_1680 = arith.constant 16 : i32
        %add3A_1681 = vector.broadcast %add3A_1680 : i32 to vector<16xi32>
        %add3A_1682 = arith.addi %xor3A_1619, %add3A_1681 : vector<16xi32>
        %select_n3A_1683 = arith.select %lt3A_1679, %add3A_1682, %xor3A_1619 : vector<16xi1>, vector<16xi32>
        %broadcast_in_dim3A_1684 = vector.shape_cast %select_n3A_1683 : vector<16xi32> to vector<16x1xi32>
        %gather3A_1685 = vector.shape_cast %broadcast_in_dim3A_1684 : vector<16x1xi32> to vector<16xi32>
        %gather3A_1686 = tpu.dynamic_gather %add3A_1541[%gather3A_1685] in [0] : vector<16xf32>, vector<16xi32> -> vector<16xf32>
        %select_n3A_1687 = arith.select %eq3A_1616, %gather3A_1686, %add3A_1564 : vector<16xi1>, vector<16xf32>
        %add3A_1688 = arith.addf %select_n3A_1676, %select_n3A_1687 : vector<16xf32>
        %lt3A_1689 = arith.constant 0 : i32
        %lt3A_1690 = vector.broadcast %lt3A_1689 : i32 to vector<16xi32>
        %lt3A_1691 = arith.cmpi slt, %xor3A_1619, %lt3A_1690 : vector<16xi32>
        %add3A_1692 = arith.constant 16 : i32
        %add3A_1693 = vector.broadcast %add3A_1692 : i32 to vector<16xi32>
        %add3A_1694 = arith.addi %xor3A_1619, %add3A_1693 : vector<16xi32>
        %select_n3A_1695 = arith.select %lt3A_1691, %add3A_1694, %xor3A_1619 : vector<16xi1>, vector<16xi32>
        %broadcast_in_dim3A_1696 = vector.shape_cast %select_n3A_1695 : vector<16xi32> to vector<16x1xi32>
        %gather3A_1697 = vector.shape_cast %broadcast_in_dim3A_1696 : vector<16x1xi32> to vector<16xi32>
        %gather3A_1698 = tpu.dynamic_gather %add3A_1610[%gather3A_1697] in [0] : vector<16xf32>, vector<16xi32> -> vector<16xf32>
        %select_n3A_1699 = arith.select %eq3A_1616, %add3A_1587, %gather3A_1698 : vector<16xi1>, vector<16xf32>
        %lt3A_1700 = arith.constant 0 : i32
        %lt3A_1701 = vector.broadcast %lt3A_1700 : i32 to vector<16xi32>
        %lt3A_1702 = arith.cmpi slt, %xor3A_1619, %lt3A_1701 : vector<16xi32>
        %add3A_1703 = arith.constant 16 : i32
        %add3A_1704 = vector.broadcast %add3A_1703 : i32 to vector<16xi32>
        %add3A_1705 = arith.addi %xor3A_1619, %add3A_1704 : vector<16xi32>
        %select_n3A_1706 = arith.select %lt3A_1702, %add3A_1705, %xor3A_1619 : vector<16xi1>, vector<16xi32>
        %broadcast_in_dim3A_1707 = vector.shape_cast %select_n3A_1706 : vector<16xi32> to vector<16x1xi32>
        %gather3A_1708 = vector.shape_cast %broadcast_in_dim3A_1707 : vector<16x1xi32> to vector<16xi32>
        %gather3A_1709 = tpu.dynamic_gather %add3A_1587[%gather3A_1708] in [0] : vector<16xf32>, vector<16xi32> -> vector<16xf32>
        %select_n3A_1710 = arith.select %eq3A_1616, %gather3A_1709, %add3A_1610 : vector<16xi1>, vector<16xf32>
        %add3A_1711 = arith.addf %select_n3A_1699, %select_n3A_1710 : vector<16xf32>
        %and3A_1712 = arith.constant 2 : i32
        %and3A_1713 = vector.broadcast %and3A_1712 : i32 to vector<16xi32>
        %and3A_1714 = arith.andi %iota3A, %and3A_1713 : vector<16xi32>
        %eq3A_1715 = arith.constant 0 : i32
        %eq3A_1716 = vector.broadcast %eq3A_1715 : i32 to vector<16xi32>
        %eq3A_1717 = arith.cmpi eq, %and3A_1714, %eq3A_1716 : vector<16xi32>
        %xor3A_1718 = arith.constant 2 : i32
        %xor3A_1719 = vector.broadcast %xor3A_1718 : i32 to vector<16xi32>
        %xor3A_1720 = arith.xori %iota3A, %xor3A_1719 : vector<16xi32>
        %lt3A_1721 = arith.constant 0 : i32
        %lt3A_1722 = vector.broadcast %lt3A_1721 : i32 to vector<16xi32>
        %lt3A_1723 = arith.cmpi slt, %xor3A_1720, %lt3A_1722 : vector<16xi32>
        %add3A_1724 = arith.constant 16 : i32
        %add3A_1725 = vector.broadcast %add3A_1724 : i32 to vector<16xi32>
        %add3A_1726 = arith.addi %xor3A_1720, %add3A_1725 : vector<16xi32>
        %select_n3A_1727 = arith.select %lt3A_1723, %add3A_1726, %xor3A_1720 : vector<16xi1>, vector<16xi32>
        %broadcast_in_dim3A_1728 = vector.shape_cast %select_n3A_1727 : vector<16xi32> to vector<16x1xi32>
        %gather3A_1729 = vector.shape_cast %broadcast_in_dim3A_1728 : vector<16x1xi32> to vector<16xi32>
        %gather3A_1730 = tpu.dynamic_gather %add3A_1665[%gather3A_1729] in [0] : vector<16xf32>, vector<16xi32> -> vector<16xf32>
        %select_n3A_1731 = arith.select %eq3A_1717, %add3A_1642, %gather3A_1730 : vector<16xi1>, vector<16xf32>
        %lt3A_1732 = arith.constant 0 : i32
        %lt3A_1733 = vector.broadcast %lt3A_1732 : i32 to vector<16xi32>
        %lt3A_1734 = arith.cmpi slt, %xor3A_1720, %lt3A_1733 : vector<16xi32>
        %add3A_1735 = arith.constant 16 : i32
        %add3A_1736 = vector.broadcast %add3A_1735 : i32 to vector<16xi32>
        %add3A_1737 = arith.addi %xor3A_1720, %add3A_1736 : vector<16xi32>
        %select_n3A_1738 = arith.select %lt3A_1734, %add3A_1737, %xor3A_1720 : vector<16xi1>, vector<16xi32>
        %broadcast_in_dim3A_1739 = vector.shape_cast %select_n3A_1738 : vector<16xi32> to vector<16x1xi32>
        %gather3A_1740 = vector.shape_cast %broadcast_in_dim3A_1739 : vector<16x1xi32> to vector<16xi32>
        %gather3A_1741 = tpu.dynamic_gather %add3A_1642[%gather3A_1740] in [0] : vector<16xf32>, vector<16xi32> -> vector<16xf32>
        %select_n3A_1742 = arith.select %eq3A_1717, %gather3A_1741, %add3A_1665 : vector<16xi1>, vector<16xf32>
        %add3A_1743 = arith.addf %select_n3A_1731, %select_n3A_1742 : vector<16xf32>
        %lt3A_1744 = arith.constant 0 : i32
        %lt3A_1745 = vector.broadcast %lt3A_1744 : i32 to vector<16xi32>
        %lt3A_1746 = arith.cmpi slt, %xor3A_1720, %lt3A_1745 : vector<16xi32>
        %add3A_1747 = arith.constant 16 : i32
        %add3A_1748 = vector.broadcast %add3A_1747 : i32 to vector<16xi32>
        %add3A_1749 = arith.addi %xor3A_1720, %add3A_1748 : vector<16xi32>
        %select_n3A_1750 = arith.select %lt3A_1746, %add3A_1749, %xor3A_1720 : vector<16xi1>, vector<16xi32>
        %broadcast_in_dim3A_1751 = vector.shape_cast %select_n3A_1750 : vector<16xi32> to vector<16x1xi32>
        %gather3A_1752 = vector.shape_cast %broadcast_in_dim3A_1751 : vector<16x1xi32> to vector<16xi32>
        %gather3A_1753 = tpu.dynamic_gather %add3A_1711[%gather3A_1752] in [0] : vector<16xf32>, vector<16xi32> -> vector<16xf32>
        %select_n3A_1754 = arith.select %eq3A_1717, %add3A_1688, %gather3A_1753 : vector<16xi1>, vector<16xf32>
        %lt3A_1755 = arith.constant 0 : i32
        %lt3A_1756 = vector.broadcast %lt3A_1755 : i32 to vector<16xi32>
        %lt3A_1757 = arith.cmpi slt, %xor3A_1720, %lt3A_1756 : vector<16xi32>
        %add3A_1758 = arith.constant 16 : i32
        %add3A_1759 = vector.broadcast %add3A_1758 : i32 to vector<16xi32>
        %add3A_1760 = arith.addi %xor3A_1720, %add3A_1759 : vector<16xi32>
        %select_n3A_1761 = arith.select %lt3A_1757, %add3A_1760, %xor3A_1720 : vector<16xi1>, vector<16xi32>
        %broadcast_in_dim3A_1762 = vector.shape_cast %select_n3A_1761 : vector<16xi32> to vector<16x1xi32>
        %gather3A_1763 = vector.shape_cast %broadcast_in_dim3A_1762 : vector<16x1xi32> to vector<16xi32>
        %gather3A_1764 = tpu.dynamic_gather %add3A_1688[%gather3A_1763] in [0] : vector<16xf32>, vector<16xi32> -> vector<16xf32>
        %select_n3A_1765 = arith.select %eq3A_1717, %gather3A_1764, %add3A_1711 : vector<16xi1>, vector<16xf32>
        %add3A_1766 = arith.addf %select_n3A_1754, %select_n3A_1765 : vector<16xf32>
        %and3A_1767 = arith.constant 1 : i32
        %and3A_1768 = vector.broadcast %and3A_1767 : i32 to vector<16xi32>
        %and3A_1769 = arith.andi %iota3A, %and3A_1768 : vector<16xi32>
        %eq3A_1770 = arith.constant 0 : i32
        %eq3A_1771 = vector.broadcast %eq3A_1770 : i32 to vector<16xi32>
        %eq3A_1772 = arith.cmpi eq, %and3A_1769, %eq3A_1771 : vector<16xi32>
        %xor3A_1773 = arith.constant 1 : i32
        %xor3A_1774 = vector.broadcast %xor3A_1773 : i32 to vector<16xi32>
        %xor3A_1775 = arith.xori %iota3A, %xor3A_1774 : vector<16xi32>
        %lt3A_1776 = arith.constant 0 : i32
        %lt3A_1777 = vector.broadcast %lt3A_1776 : i32 to vector<16xi32>
        %lt3A_1778 = arith.cmpi slt, %xor3A_1775, %lt3A_1777 : vector<16xi32>
        %add3A_1779 = arith.constant 16 : i32
        %add3A_1780 = vector.broadcast %add3A_1779 : i32 to vector<16xi32>
        %add3A_1781 = arith.addi %xor3A_1775, %add3A_1780 : vector<16xi32>
        %select_n3A_1782 = arith.select %lt3A_1778, %add3A_1781, %xor3A_1775 : vector<16xi1>, vector<16xi32>
        %broadcast_in_dim3A_1783 = vector.shape_cast %select_n3A_1782 : vector<16xi32> to vector<16x1xi32>
        %gather3A_1784 = vector.shape_cast %broadcast_in_dim3A_1783 : vector<16x1xi32> to vector<16xi32>
        %gather3A_1785 = tpu.dynamic_gather %add3A_1766[%gather3A_1784] in [0] : vector<16xf32>, vector<16xi32> -> vector<16xf32>
        %select_n3A_1786 = arith.select %eq3A_1772, %add3A_1743, %gather3A_1785 : vector<16xi1>, vector<16xf32>
        %lt3A_1787 = arith.constant 0 : i32
        %lt3A_1788 = vector.broadcast %lt3A_1787 : i32 to vector<16xi32>
        %lt3A_1789 = arith.cmpi slt, %xor3A_1775, %lt3A_1788 : vector<16xi32>
        %add3A_1790 = arith.constant 16 : i32
        %add3A_1791 = vector.broadcast %add3A_1790 : i32 to vector<16xi32>
        %add3A_1792 = arith.addi %xor3A_1775, %add3A_1791 : vector<16xi32>
        %select_n3A_1793 = arith.select %lt3A_1789, %add3A_1792, %xor3A_1775 : vector<16xi1>, vector<16xi32>
        %broadcast_in_dim3A_1794 = vector.shape_cast %select_n3A_1793 : vector<16xi32> to vector<16x1xi32>
        %gather3A_1795 = vector.shape_cast %broadcast_in_dim3A_1794 : vector<16x1xi32> to vector<16xi32>
        %gather3A_1796 = tpu.dynamic_gather %add3A_1743[%gather3A_1795] in [0] : vector<16xf32>, vector<16xi32> -> vector<16xf32>
        %select_n3A_1797 = arith.select %eq3A_1772, %gather3A_1796, %add3A_1766 : vector<16xi1>, vector<16xf32>
        %add3A_1798 = arith.addf %select_n3A_1786, %select_n3A_1797 : vector<16xf32>
        %mul3A_1799 = arith.mulf %exp3A_1273, %add3A_1798 : vector<16xf32>
        %add3A_1800 = arith.addf %add3A_1268, %mul3A_1799 : vector<16xf32>
        %add3A_1801 = arith.addf %add3A_1269, %exp3A_1273 : vector<16xf32>
        %div3A = arith.divf %add3A_1800, %add3A_1801 : vector<16xf32>
        %swap3A = arith.index_cast %add3A_78 : i32 to index
        %swap3A_1802 = tpu.vector_load %arg31[%swap3A] {strides = array<i32>} : memref<512xf32, #tpu.memory_space<vmem>>, vector<16xf32>,
        %swap3A_1803 = vector.shape_cast %swap3A_1802 : vector<16xf32> to vector<16xf32>
        %swap3A_1804 = vector.shape_cast %div3A : vector<16xf32> to vector<16xf32>
        tpu.vector_store %arg31[%swap3A], %swap3A_1804 {strides = array<i32>} : memref<512xf32, #tpu.memory_space<vmem>>, vector<16xf32>,
      }
      %scan3A_74 = arith.constant 8 : i32
    }
    %scan3A_17 = arith.constant 4 : i32
    "tpu.region"() ({
      %run_scoped3A = tpu.sem_alloc : memref<!tpu.dma_semaphore, #tpu.memory_space<semaphore_mem>>
      %dma_start3A_18 = tpu.memref_slice %arg16[%mul3A_2] : memref<16384xf32, #tpu.memory_space<hbm>> -> memref<512xf32, #tpu.memory_space<hbm>>
      %dma_start3A_19 = tpu.memref_slice %arg16[%mul3A_2] : memref<16384xf32, #tpu.memory_space<hbm>> -> memref<512xf32, #tpu.memory_space<hbm>>
      tpu.enqueue_dma source(%arg31 : memref<512xf32, #tpu.memory_space<vmem>>) target(%dma_start3A_19 : memref<512xf32, #tpu.memory_space<hbm>>) target_semaphore(%run_scoped3A : memref<!tpu.dma_semaphore, #tpu.memory_space<semaphore_mem>>)
      %dma_wait3A_20 = tpu.memref_slice %arg16[%mul3A_2] : memref<16384xf32, #tpu.memory_space<hbm>> -> memref<512xf32, #tpu.memory_space<hbm>>
      %dma_wait3A_21 = tpu.memref_slice %arg16[%mul3A_2] : memref<16384xf32, #tpu.memory_space<hbm>> -> memref<512xf32, #tpu.memory_space<hbm>>
      tpu.wait_dma2 semaphore(%run_scoped3A : memref<!tpu.dma_semaphore, #tpu.memory_space<semaphore_mem>>) src(%arg31 : memref<512xf32, #tpu.memory_space<vmem>>) dst(%dma_wait3A_21 : memref<512xf32, #tpu.memory_space<hbm>>)
      tpu.yield
    }) : () -> ()
    return
  }
}

</mosaic_0001>

<sc_bundles>
// kernel: _run.3.cloned.1.call-start
scs
__scs_entry_jumppad:
0x0: {  	(pc) =	sbr.rel $0x88, $3  }
0x1: {  	(tag) =	ssettag $0x0;
	lr =	simm.s32 $0x1  }
0x2: {  	[smem:$0x3F93] =	sst lr;
	_ =	strace $0xD0000000  }
0x3: {  	_ = 	snop  }
0x4: {  	_ = 	snop  }
0x5: {  	_ = 	snop  }
0x6: {  	_ = 	snop  }
0x7: {  	_ = 	snop  }
__scs_overlays_trampoline_lowered:
0x8: {  	[smem:$0x3FA2] =	sst s0  }
0x9: {  	[smem:$0x3FA3] =	sst s1  }
0xa: {  	[smem:$0x3FA4] =	sst s2  }
0xb: {  	[smem:$0x3FA5] =	sst s3  }
0xc: {  	[smem:$0x3FA6] =	sst s4  }
0xd: {  	[smem:$0x3FA7] =	sst s5  }
0xe: {  	[smem:$0x3FA8] =	sst s6  }
0xf: {  	[smem:$0x3FA9] =	sst s7  }
0x10: {  	[smem:$0x3FAA] =	sst s8  }
0x11: {  	[smem:$0x3FAB] =	sst s9;
	s0 =	simm.s32 @!p0 $0x0  }
0x12: {  	s1 =	sld [smem:$0x3F91];
	s0 =	simm.s32 @p0 $0x1  }
0x13: {  	[smem:$0x3FAC] =	sst s0;
	s0 =	simm.s32 @!p1 $0x0  }
0x14: {  	s2 =	sld [smem:$0x3F90];
	s0 =	simm.s32 @p1 $0x1  }
0x15: {  	[smem:$0x3FAD] =	sst s0;
	s0 =	simm.s32 @!p2 $0x0  }
0x16: {  	s3 =	sld [smem:$0x3FDB];
	s0 =	simm.s32 @p2 $0x1  }
0x17: {  	s4 =	simm.s32 $0x1BF5;
	[smem:$0x3FAF] =	sst s0  }
0x18: {  	s0 =	sld [smem:$0x3F92];
	_ =	swait.ge [sflag:s4], $0x0  }
0x19: {  	s7 =	sld [smem:$0x3F93]  }
0x1a: {  	s8 =	sadd.s32 $0xFFFFE003, lr  }
0x1b: {  	s9 =	sadd.s32 $0xFFFFFEF7, lr;
	s5 =	simm.s32 $0xFFFFFFFF;
	p2 =	slt.u32 s8, $0xFFFFF086  }
0x1c: {  	p1 =	slt.u32 s9, $0xF7A;
	s5 =	simm.s32 @!p2 $0x0  }
0x1d: {  	s5 =	simm.s32 @p1 $0x1;
	p0 =	seq.s32 s7, s2  }
0x1e: {  	s7 =	smul.u32 @!p0 $0xF7A, s2;
	p2 =	seq.s32 @!p0 s5, $0x0  }
0x1f: {  	s9 =	smul.u32 $0xF7A, s1;
	s8 =	simm.s32 @!p0 $0x1BF5;
	p2 =	por !p2, p0  }
0x20: {  	[sflag:s8] =	ssyncset.s32 @!p0 $0xFFFFF086;
	s6 =	sadd.s32 @!p0 s3, s7;
	s7 =	simm.s32 @!p0 $0x108  }
0x21: {  	s3 =	sadd.s32 s3, s9;
	s6 =	sadd.s32 @!p0 $0x88, s6;
	s7 =	simm.s32 @p2 $0x1082  }
0x22: {  	[simem:s7], [sflag:s8] =	dma.local @!p0 [hbm:s6], $0xF7A  }
0x23: {  	s9 =	sor.u32 $0xD0000000, s2;
	s6 =	simm.s32 $0x108;
	_ =	swait.ge @!p0 [sflag:s8], $0x0  }
0x24: {  	s3 =	sadd.s32 $0x88, s3;
	s6 =	simm.s32 @!p1 $0x1082;
	[sflag:s4] =	ssyncset.s32 $0xFFFFF086  }
0x25: {  	[simem:s6], [sflag:s4] =	dma.local [hbm:s3], $0xF7A  }
0x26: {  	[smem:$0x3F93] =	sst s1;
	(tag) =	ssettag s2;
	_ =	strace s9  }
0x27: {  	s1 =	sld [smem:$0x3FA3]  }
0x28: {  	s2 =	sld [smem:$0x3FA4]  }
0x29: {  	s4 =	sld [smem:$0x3FA6]  }
0x2a: {  	p0 =	seq.s32 s5, $0x0;
	s5 =	sld [smem:$0x3FA7]  }
0x2b: {  	s6 =	sld [smem:$0x3FA8]  }
0x2c: {  	s7 =	sld [smem:$0x3FA9]  }
0x2d: {  	s3 =	simm.s32 $0x108;
	s8 =	sld [smem:$0x3FAA]  }
0x2e: {  	s3 =	simm.s32 @!p0 $0x1082;
	s9 =	sld [smem:$0x3FAB]  }
0x2f: {  	lr =	sadd.s32 s0, s3;
	s0 =	sld [smem:$0x3FA2]  }
0x30: {  	s3 =	sld [smem:$0x3FA5]  }
0x31: {  	[smem:$0x3FAE] =	sst s10  }
0x32: {  	s10 =	sld [smem:$0x3FAC];
	_ =	sdelay $0x3  }
0x33: {  	p0 =	seq.s32 s10, $0x1;
	s10 =	sld [smem:$0x3FAE];
	_ =	sdelay $0x3  }
0x34: {  	[smem:$0x3FAE] =	sst s10  }
0x35: {  	s10 =	sld [smem:$0x3FAD];
	_ =	sdelay $0x3  }
0x36: {  	p1 =	seq.s32 s10, $0x1;
	s10 =	sld [smem:$0x3FAE];
	_ =	sdelay $0x3  }
0x37: {  	[smem:$0x3FAE] =	sst s10  }
0x38: {  	s10 =	sld [smem:$0x3FAF]  }
0x39: {  	_ = 	snop;
	(pc) =	sbr.ind lr, $3  }
0x3a: {  	_ = 	snop  }
0x3b: {  	_ = 	snop  }
0x3c: {  	p2 =	seq.s32 s10, $0x1;
	s10 =	sld [smem:$0x3FAE]  }
0x3d: {  	_ =	shalt  }
0x3e: {  	_ =	shalt  }
0x3f: {  	_ =	shalt  }
0x40: {  	_ =	shalt  }
0x41: {  	_ =	shalt  }
0x42: {  	_ =	shalt  }
0x43: {  	_ =	shalt  }
0x44: {  	_ =	shalt  }
0x45: {  	_ =	shalt  }
0x46: {  	_ =	shalt  }
0x47: {  	_ =	shalt  }
0x48: {  	_ =	shalt  }
0x49: {  	_ =	shalt  }
0x4a: {  	_ =	shalt  }
0x4b: {  	_ =	shalt  }
0x4c: {  	_ =	shalt  }
0x4d: {  	_ =	shalt  }
0x4e: {  	_ =	shalt  }
0x4f: {  	_ =	shalt  }
0x50: {  	_ =	shalt  }
0x51: {  	_ =	shalt  }
0x52: {  	_ =	shalt  }
0x53: {  	_ =	shalt  }
0x54: {  	_ =	shalt  }
0x55: {  	_ =	shalt  }
0x56: {  	_ =	shalt  }
0x57: {  	_ =	shalt  }
0x58: {  	_ =	shalt  }
0x59: {  	_ =	shalt  }
0x5a: {  	_ =	shalt  }
0x5b: {  	_ =	shalt  }
0x5c: {  	_ =	shalt  }
0x5d: {  	_ =	shalt  }
0x5e: {  	_ =	shalt  }
0x5f: {  	_ =	shalt  }
0x60: {  	_ =	shalt  }
0x61: {  	_ =	shalt  }
0x62: {  	_ =	shalt  }
0x63: {  	_ =	shalt  }
0x64: {  	_ =	shalt  }
0x65: {  	_ =	shalt  }
0x66: {  	_ =	shalt  }
0x67: {  	_ =	shalt  }
0x68: {  	_ =	shalt  }
0x69: {  	_ =	shalt  }
0x6a: {  	_ =	shalt  }
0x6b: {  	_ =	shalt  }
0x6c: {  	_ =	shalt  }
0x6d: {  	_ =	shalt  }
0x6e: {  	_ =	shalt  }
0x6f: {  	_ =	shalt  }
0x70: {  	_ =	shalt  }
0x71: {  	_ =	shalt  }
0x72: {  	_ =	shalt  }
0x73: {  	_ =	shalt  }
0x74: {  	_ =	shalt  }
0x75: {  	_ =	shalt  }
0x76: {  	_ =	shalt  }
0x77: {  	_ =	shalt  }
0x78: {  	_ =	shalt  }
0x79: {  	_ =	shalt  }
0x7a: {  	_ =	shalt  }
0x7b: {  	_ =	shalt  }
0x7c: {  	_ =	shalt  }
0x7d: {  	_ =	shalt  }
0x7e: {  	_ =	shalt  }
0x7f: {  	_ =	shalt  }
0x80: {  	_ =	shalt  }
0x81: {  	_ =	shalt  }
0x82: {  	_ =	shalt  }
0x83: {  	_ =	shalt  }
0x84: {  	_ =	shalt  }
0x85: {  	_ =	shalt  }
0x86: {  	_ =	shalt  }
0x87: {  	_ =	shalt  }
.Lfunc_end0:
.L_simem_size_0:
called_computation_lowered:
.L_overlay_start_0:
0x88: {  	s2 =	sld [smem:$0x3FD9]  }
0x89: {  	s3 =	sld [smem:$0x3FFE];
	_ =	sdelay $0x1  }
0x8a: {  	s1 =	srdreg.scid  }
0x8b: {  	s0 =	sand.u32 $0x1, s1  }
0x8c: {  	s24 =	sshll.u32 s0, $0xA;
	s2 =	sadd.s32 s3, s2  }
0x8d: {  	s2 =	sadd.s32 s2, s24  }
0x8e: {  	[smem:$0x3FBA] =	sst s2  }
0x8f: {  	_ = 	snop  }
0x90: {  	s2 =	sld [smem:$0x3FC9]  }
0x91: {  	s3 =	sld [smem:$0x3FC8]  }
0x92: {  	s4 =	sld [smem:$0x3FC7]  }
0x93: {  	s5 =	sld [smem:$0x3FC6]  }
0x94: {  	s6 =	sld [smem:$0x3FC5]  }
0x95: {  	s7 =	sld [smem:$0x3FC4]  }
0x96: {  	s8 =	sld [smem:$0x3FC3]  }
0x97: {  	s9 =	sld [smem:$0x3FC2]  }
0x98: {  	s10 =	sld [smem:$0x3FC1]  }
0x99: {  	s11 =	sld [smem:$0x3FC0]  }
0x9a: {  	s12 =	sld [smem:$0x3FBF]  }
0x9b: {  	s13 =	sld [smem:$0x3FBE]  }
0x9c: {  	s14 =	sld [smem:$0x3FBD]  }
0x9d: {  	s15 =	sld [smem:$0x3FBC]  }
0x9e: {  	s17 =	sld [smem:$0x3FD0];
	(tm) =	ssettm $0x1  }
0x9f: {  	s16 =	sld [smem:$0x3FFB];
	_ =	sdelay $0x3  }
0xa0: {  	_ =	strace s16  }
0xa1: {  	s16 =	sld [smem:$0x3FFC];
	_ =	sdelay $0x3  }
0xa2: {  	_ =	strace s16  }
0xa3: {  	s16 =	sld [smem:$0x3FFD];
	_ =	sdelay $0x3  }
0xa4: {  	_ =	strace s16  }
0xa5: {  	_ =	strace $0x8FFFFFFF  }
0xa6: {  	s25 =	sld [smem:$0x3FDB];
	_ =	sdelay $0x1  }
0xa7: {  	s18 =	simm.s32 $_scs_section_size  }
0xa8: {  	s19 =	simm.s32 $_size__tile_task_arg_handler_lowered;
	s20 =	simm.s32 $_tile_task_arg_handler_lowered  }
0xa9: {  	s29 =	simm.s32 $0x1BFF;
	s28 =	sshll.u32 s20, $0x1;
	s18 =	sadd.s32 s18, s25  }
0xaa: {  	s21 =	simm.s32 $0x60;
	s26 =	sshll.u32 s19, $0x1;
	s19 =	sadd.s32 s28, s18  }
0xab: {  	[timem:s21], [sflag:s29] =	dma.local [hbm:s19], s26  }
0xac: {  	_ =	swait.ge [sflag:s29], s26  }
0xad: {  	s30 =	simm.s32 $_tile_overlayer_lowered;
	s16 =	ssub.s32 $0x0, s26;
	[sflag:s29] =	ssyncset.done $0x0  }
0xae: {  	s31 =	simm.s32 $_size__tile_overlayer_lowered;
	s19 =	sshll.u32 s30, $0x1;
	[sflag:s29] =	ssyncadd.s32 s16  }
0xaf: {  	s22 =	simm.s32 $0x0;
	s19 =	sadd.s32 s19, s18;
	s16 =	sshll.u32 s31, $0x1  }
0xb0: {  	[timem:s22], [sflag:s29] =	dma.local [hbm:s19], s16  }
0xb1: {  	_ =	swait.ge [sflag:s29], s16  }
0xb2: {  	s23 =	ssub.s32 $0x0, s16;
	[sflag:s29] =	ssyncset.done $0x0  }
0xb3: {  	[sflag:s29] =	ssyncadd.s32 s23;
	_ =	sdelay $0x1  }
0xb4: {  	s24 =	simm.s32 $0x1B8B  }
0xb5: {  	_ =	swait.ge [sflag:s24], $0x1  }
0xb6: {  	[sflag:s24] =	ssyncset.done $0x0  }
0xb7: {  	s25 =	simm.s32 $0x1B8E;
	[sflag:s24] =	ssyncadd.s32 $0xFFFFFFFF  }
0xb8: {  	s26 =	simm.s32 $execute0_lowered;
	[smem:$0x3FD2] =	sst s25  }
0xb9: {  	s19 =	sshll.u32 s26, $0x1;
	_ =	strace $0x80000046;
	[dreg:$0x1] =	wrdreg $0xFFFFFFFF  }
0xba: {  	s28 =	simm.s32 $_size_execute0_lowered;
	s18 =	sadd.s32 s18, s19;
	[dreg:$0x0] =	wrdreg $0x0  }
0xbb: {  	s19 =	sshll.u32 s28, $0x1;
	[dreg:$0x2] =	wrdreg s18  }
0xbc: {  	[dreg:$0x3] =	wrdreg s19  }
0xbd: {  	[dreg:$0x4] =	wrdreg $0xC0  }
0xbe: {  	_ =	task [dreg:s22], $0x5FFFF  }
0xbf: {  	[dreg:$0x1] =	wrdreg $0xFFFFFFFF  }
0xc0: {  	[dreg:$0x0] =	wrdreg $0x30  }
0xc1: {  	[dreg:$0x2] =	wrdreg $0x0  }
0xc2: {  	[dreg:$0x3] =	wrdreg s17  }
0xc3: {  	[dreg:$0x4] =	wrdreg $0x9  }
0xc4: {  	_ =	task [dreg:s22], $0x5FFFF  }
0xc5: {  	[dreg:$0x1] =	wrdreg $0xFFFFFFFF  }
0xc6: {  	[dreg:$0x0] =	wrdreg $0x60  }
0xc7: {  	[dreg:$0x2] =	wrdreg s2  }
0xc8: {  	[dreg:$0x3] =	wrdreg s3  }
0xc9: {  	[dreg:$0x4] =	wrdreg s4  }
0xca: {  	[dreg:$0x5] =	wrdreg s5  }
0xcb: {  	[dreg:$0x6] =	wrdreg s6  }
0xcc: {  	[dreg:$0x7] =	wrdreg s7  }
0xcd: {  	[dreg:$0x8] =	wrdreg s8  }
0xce: {  	[dreg:$0x9] =	wrdreg s9  }
0xcf: {  	[dreg:$0xa] =	wrdreg s10  }
0xd0: {  	[dreg:$0xb] =	wrdreg s11  }
0xd1: {  	[dreg:$0xc] =	wrdreg s12  }
0xd2: {  	[dreg:$0xd] =	wrdreg s13  }
0xd3: {  	[dreg:$0xe] =	wrdreg s14  }
0xd4: {  	[dreg:$0xf] =	wrdreg s15  }
0xd5: {  	_ =	task.clear_ibuf [dreg:s22], $0x10FFFF;
	_ =	strace $0x90000046  }
0xd6: {  	s29 =	simm.s32 $0x9;
	_ =	strace $0x80000048  }
0xd7: {  	_ =	swait.ge [sflag:s29], $0x1  }
0xd8: {  	[sflag:s29] =	ssyncadd.s32 $0xFFFFFFFF  }
0xd9: {  	_ =	strace $0x90000048  }
0xda: {  	_ =	sfence  }
0xdb: {  	s30 =	sld [smem:$0x0];
	_ =	sdelay $0x2  }
0xdc: {  	s31 =	sshll.u32 s1, $0xD;
	s1 =	sshrl.u32 s1, $0x2  }
0xdd: {  	s3 =	sand.u32 $0x4000, s31;
	s1 =	sadd.s32 s1, s30  }
0xde: {  	s0 =	sor.u32 s3, s0;
	s1 =	sshll.u32 s1, $0x11  }
0xdf: {  	s0 =	sor.u32 s1, s0  }
0xe0: {  	s0 =	sadd.s32 $0x8F2B, s0  }
0xe1: {  	[sflag:s0] =	ssyncadd.remote.s32 $0x1  }
0xe2: {  	_ =	sfence.sel $0xFFFF  }
0xe3: {  	[dreg:$0x0] =	wrdreg $0xFFFFFFFF;
	(pc) =	sbr.abs _section_cstart, $3  }
0xe4: {  	[dreg:$0x1] =	wrdreg $0xFFFFFFFF  }
0xe5: {  	_ =	task.clear_ibuf [dreg:s22], $0x2FFFF;
	_ =	strace $0x9FFFFFFF  }
0xe6: {  	(tm) =	ssettm $0x7FFFFFFF  }
0xe7: {  	_ =	shalt  }
tec
_tile_task_arg_handler_lowered:
.L_overlay_start_1:
0x0: {  	(tag) =	ssettag $0x1  }
0x1: {  	s0 =	rddreg [dreg:$0x0]  }
0x2: {  	s1 =	rddreg [dreg:$0x1]  }
0x3: {  	s2 =	rddreg [dreg:$0x2]  }
0x4: {  	s3 =	rddreg [dreg:$0x3]  }
0x5: {  	s4 =	rddreg [dreg:$0x4]  }
0x6: {  	s5 =	rddreg [dreg:$0x5]  }
0x7: {  	s6 =	rddreg [dreg:$0x6]  }
0x8: {  	s7 =	rddreg [dreg:$0x7]  }
0x9: {  	s8 =	rddreg [dreg:$0x8]  }
0xa: {  	s9 =	rddreg [dreg:$0x9]  }
0xb: {  	s10 =	rddreg [dreg:$0xa]  }
0xc: {  	s11 =	rddreg [dreg:$0xb]  }
0xd: {  	s12 =	rddreg [dreg:$0xc]  }
0xe: {  	s13 =	rddreg [dreg:$0xd]  }
0xf: {  	[smem:s0] =	sst s1  }
0x10: {  	[smem:s0+$0x1] =	sst s2  }
0x11: {  	[smem:s0+$0x2] =	sst s3  }
0x12: {  	[smem:s0+$0x3] =	sst s4  }
0x13: {  	[smem:s0+$0x4] =	sst s5  }
0x14: {  	[smem:s0+$0x5] =	sst s6  }
0x15: {  	[smem:s0+$0x6] =	sst s7  }
0x16: {  	[smem:s0+$0x7] =	sst s8  }
0x17: {  	[smem:s0+$0x8] =	sst s9  }
0x18: {  	[smem:s0+$0x9] =	sst s10  }
0x19: {  	[smem:s0+$0xA] =	sst s11  }
0x1a: {  	[smem:s0+$0xB] =	sst s12  }
0x1b: {  	[smem:s0+$0xC] =	sst s13;
	_ =	shalt  }
.Lfunc_end2:
execute0_lowered:
.L_overlay_start_2:
0x1c: {  	(tag) =	ssettag $0x2  }
0x1d: {  	v0 =	vimm.s32 $0x76543210;
	v1 =	vimm.s32 $0xFEDCBA98;
	v2 =	vimm.s32 $0xBA98FEDC  }
0x1e: {  	v3 =	vimm.s32 $0x32107654;
	v4 =	vimm.s32 $0xDCFE98BA;
	v5 =	vimm.s32 $0x54761032  }
0x1f: {  	vm0 =	vcmask $0x2F20;
	vm1 =	vcmask $0xF00;
	vm2 =	vcmask $0x1710  }
0x20: {  	s2 =	rddreg [dreg:$0x0];
	vm3 =	vcmask $0x700;
	vm4 =	vcmask $0x300;
	v1 =	vunpack.c.l.s4.s8 v1  }
0x21: {  	s3 =	rddreg [dreg:$0x1];
	v0 =	vunpack.c.l.s4.s8 v0;
	v2 =	vunpack.c.l.s4.s8 v2;
	v3 =	vunpack.c.l.s4.s8 v3  }
0x22: {  	s4 =	rddreg [dreg:$0x2];
	v4 =	vunpack.c.l.s4.s8 v4;
	vm0 =	vmor vm1, vm0;
	v1 =	vunpack.c.0.s8.s32 v1  }
0x23: {  	s0 =	rddreg [dreg:$0x3];
	v0 =	vunpack.c.0.s8.s32 v0;
	v2 =	vunpack.c.0.s8.s32 v2;
	v3 =	vunpack.c.0.s8.s32 v3  }
0x24: {  	s1 =	rddreg [dreg:$0x4];
	s10 =	simm.s32 $0x0;
	vm1 =	vmor vm3, vm2;
	vm3 =	vcmask $0xB08;
	v1 =	vand.u32 $0xF, v1  }
0x25: {  	s5 =	srdreg.scid;
	[smem:$0x7FF] =	sst s10;
	v0 =	vcombine.low v1, v0;
	v1 =	vcombine.low v3, v2;
	v2 =	vunpack.c.l.s4.s8 v5  }
0x26: {  	s9 =	stileid.u32;
	s5 =	sand.u32 $0x1, s5;
	vm2 =	vcmask $0x2720;
	s7 =	sld [smem:$0x1];
	vm3 =	vmor vm4, vm3  }
0x27: {  	s9 =	sshll.u32 s9, $0x7;
	s25 =	ssub.s32 $0x2, s5;
	s5 =	sshll.u32 s5, $0x6;
	vm4 =	vcmask $0x1310;
	v3 =	vunpack.c.0.s8.s32 v4;
	v2 =	vunpack.c.0.s8.s32 v2  }
0x28: {  	s6 =	sld [smem:$0x0];
	vm1 =	vmor vm1, vm2;
	vm2 =	vcmask $0x3730;
	s5 =	sor.u32 s5, s9;
	vm3 =	vmor vm3, vm4  }
0x29: {  	s2 =	sadd.s32 s2, s5;
	[dreg:$0xe] =	wrdreg s7;
	v4 =	vimm.s32 $0x67452301;
	v2 =	vcombine.low v2, v3;
	v3 =	vimm.s32 $0xEFCDAB89  }
0x2a: {  	vm4 =	vcmask $0x1B18;
	s26 =	sadd.s32 s3, s5;
	_ =	strace $0x80000047;
	[dreg:$0xf] =	wrdreg s2;
	v4 =	vunpack.c.l.s4.s8 v4;
	v3 =	vunpack.c.l.s4.s8 v3  }
0x2b: {  	vm1 =	vmor vm1, vm2;
	s28 =	sadd.s32 s4, s5;
	vm2 =	vmor vm3, vm4;
	[dreg:$0x10] =	wrdreg s26  }
0x2c: {  	s0 =	sadd.s32 s0, s5;
	vm3 =	vcmask $0x2320;
	[dreg:$0x11] =	wrdreg s28;
	v4 =	vunpack.c.0.s8.s32 v4;
	v3 =	vunpack.c.0.s8.s32 v3  }
0x2d: {  	s8 =	sshrl.u32 s25, $0x1;
	s29 =	sadd.s32 s1, s5;
	vm4 =	vcmask $0x2B28;
	vm3 =	vmor vm2, vm3;
	vm2 =	vmmov $0xff;
	[dreg:$0x12] =	wrdreg s0  }
0x2e: {  	s7 =	ssub.s32 s25, s8;
	s30 =	sadd.s32 s6, s5;
	[dreg:$0x13] =	wrdreg s29;
	vm3 =	vmor vm3, vm4;
	vm4 =	vcmask $0x3330;
	v3 =	vcombine.low v4, v3  }
0x2f: {  	[dreg:$0x14] =	wrdreg s30;
	s31 =	smax.u32 s7, $0x1;
	vm3 =	vmor vm3, vm4;
	vm4 =	vcmask $0x3B38;
	v1 =	vand.u32 $0xF, v1  }
0x30: {  	s1 =	simm.s32 $0x3;
	s2 =	simm.s32 $0x0;
	[dreg:$0x15] =	wrdreg s31;
	vm3 =	vmor vm3, vm4;
	v2 =	vand.u32 $0xF, v2;
	v3 =	vand.u32 $0xF, v3  }
.LBB3_1:
0x31: {  	[dreg:$0x16] =	wrdreg s2  }
0x32: {  	s0 =	rddreg [dreg:$0xf]  }
0x33: {  	[tilespmem:s10], [sflag:$0x3] =	stream.linear.gather [hbm4b:s0+s10], $0x200, $0x38;
	[tilespmem:$0x19200] =	vst v63  }
0x34: {  	_ =	swait.ge [sflag:s1], $0x200  }
0x35: {  	[sflag:s1] =	ssyncset.done $0x0  }
0x36: {  	s23 =	simm.s32 $0x200;
	s22 =	rddreg [dreg:$0x10];
	[sflag:s1] =	ssyncadd.s32 $0xFFFFFE00  }
0x37: {  	[tilespmem:s23], [sflag:$0x3] =	stream.linear.gather [hbm4b:s22+s10], $0x200, $0x38;
	[tilespmem:$0x19200] =	vst v63  }
0x38: {  	_ =	swait.ge [sflag:s1], $0x200  }
0x39: {  	[sflag:s1] =	ssyncset.done $0x0  }
0x3a: {  	s5 =	simm.s32 $0x400;
	s24 =	rddreg [dreg:$0x11];
	[sflag:s1] =	ssyncadd.s32 $0xFFFFFE00  }
0x3b: {  	[tilespmem:s5], [sflag:$0x3] =	stream.linear.gather [hbm4b:s24+s10], $0x200, $0x38;
	[tilespmem:$0x19200] =	vst v63  }
0x3c: {  	_ =	swait.ge [sflag:s1], $0x200  }
0x3d: {  	[sflag:s1] =	ssyncset.done $0x0  }
0x3e: {  	s6 =	simm.s32 $0x600;
	s25 =	rddreg [dreg:$0x12];
	[sflag:s1] =	ssyncadd.s32 $0xFFFFFE00  }
0x3f: {  	[tilespmem:s6], [sflag:$0x3] =	stream.linear.gather [hbm4b:s25+s10], $0x200, $0x38;
	[tilespmem:$0x19200] =	vst v63  }
0x40: {  	_ =	swait.ge [sflag:s1], $0x200  }
0x41: {  	[sflag:s1] =	ssyncset.done $0x0  }
0x42: {  	s3 =	simm.s32 $0x800;
	s26 =	rddreg [dreg:$0x13];
	[sflag:s1] =	ssyncadd.s32 $0xFFFFFE00  }
0x43: {  	[tilespmem:s3], [sflag:$0x3] =	stream.linear.gather [hbm4b:s26+s10], $0x200, $0x38;
	[tilespmem:$0x19200] =	vst v63  }
0x44: {  	_ =	swait.ge [sflag:s1], $0x200  }
0x45: {  	[sflag:s1] =	ssyncset.done $0x0  }
0x46: {  	[sflag:s1] =	ssyncadd.s32 $0xFFFFFE00  }
0x47: {  	s7 =	simm.s32 $0xA00;
	s28 =	rddreg [dreg:$0xb]  }
0x48: {  	[tilespmem:s7], [sflag:$0x2] =	stream.indirect.gather [hbm4b:s28+s23], $0x1, s3, s23, $0xb8;
	[tilespmem:$0x19200] =	vst v63  }
0x49: {  	s8 =	simm.s32 $0xC00;
	s29 =	rddreg [dreg:$0xc]  }
0x4a: {  	[tilespmem:s8], [sflag:$0x2] =	stream.indirect.gather [hbm4b:s29+s23], $0x1, s3, s23, $0xb8;
	[tilespmem:$0x19200] =	vst v63  }
0x4b: {  	s9 =	simm.s32 $0xE00;
	s31 =	simm.s32 $0x2;
	s30 =	rddreg [dreg:$0xd]  }
0x4c: {  	[tilespmem:s9], [sflag:$0x2] =	stream.indirect.gather [hbm4b:s30+s23], $0x1, s3, s23, $0xb8;
	[tilespmem:$0x19200] =	vst v63  }
0x4d: {  	_ =	swait.ge [sflag:s31], $0x200  }
0x4e: {  	[sflag:s31] =	ssyncset.done $0x0  }
0x4f: {  	[sflag:s31] =	ssyncadd.s32 $0xFFFFFE00  }
0x50: {  	_ =	swait.ge [sflag:s31], $0x200  }
0x51: {  	[sflag:s31] =	ssyncset.done $0x0  }
0x52: {  	[sflag:s31] =	ssyncadd.s32 $0xFFFFFE00  }
0x53: {  	_ =	swait.ge [sflag:s31], $0x200  }
0x54: {  	[sflag:s31] =	ssyncset.done $0x0  }
0x55: {  	s0 =	simm.s32 $0x0;
	s10 =	simm.s32 $0x19000;
	[sflag:s31] =	ssyncadd.s32 $0xFFFFFE00  }
.LBB3_2:
0x56: {  	[dreg:$0x1d] =	wrdreg s0;
	s18 =	sshll.u32 s0, $0x7  }
0x57: {  	s1 =	rddreg [dreg:$0x5];
	s3 =	simm.s32 $0x80;
	s2 =	simm.s32 $0x1000  }
0x58: {  	[tilespmem:s2], [sflag:$0x1] =	stream.indirect.gather [hbm4b:s1+s3], $0x80, s18, s3, $0xb8;
	[tilespmem:$0x19200] =	vst v63  }
0x59: {  	s20 =	rddreg [dreg:$0x6];
	s4 =	simm.s32 $0x5000;
	s19 =	sadd.s32 $0x200, s18  }
0x5a: {  	[tilespmem:s4], [sflag:$0x1] =	stream.indirect.gather [hbm4b:s20+s3], $0x80, s19, s3, $0xb8;
	[tilespmem:$0x19200] =	vst v63  }
0x5b: {  	s21 =	rddreg [dreg:$0x7];
	s22 =	simm.s32 $0x9000  }
0x5c: {  	[tilespmem:s22], [sflag:$0x1] =	stream.indirect.gather [hbm4b:s21+s3], $0x80, s18, s3, $0xb8;
	[tilespmem:$0x19200] =	vst v63  }
0x5d: {  	s23 =	rddreg [dreg:$0x8];
	s24 =	simm.s32 $0xD000  }
0x5e: {  	[tilespmem:s24], [sflag:$0x1] =	stream.indirect.gather [hbm4b:s23+s3], $0x80, s19, s3, $0xb8;
	[tilespmem:$0x19200] =	vst v63  }
0x5f: {  	s25 =	rddreg [dreg:$0x9];
	s26 =	simm.s32 $0x11000  }
0x60: {  	[tilespmem:s26], [sflag:$0x1] =	stream.indirect.gather [hbm4b:s25+s3], $0x80, s18, s3, $0xb8;
	[tilespmem:$0x19200] =	vst v63  }
0x61: {  	s28 =	rddreg [dreg:$0xa];
	s29 =	simm.s32 $0x15000;
	s31 =	simm.s32 $0x1  }
0x62: {  	[tilespmem:s29], [sflag:$0x1] =	stream.indirect.gather [hbm4b:s28+s3], $0x80, s19, s3, $0xb8;
	[tilespmem:$0x19200] =	vst v63  }
0x63: {  	_ =	swait.ge [sflag:s31], $0x4000  }
0x64: {  	[sflag:s31] =	ssyncset.done $0x0  }
0x65: {  	[sflag:s31] =	ssyncadd.s32 $0xFFFFC000  }
0x66: {  	_ =	swait.ge [sflag:s31], $0x4000  }
0x67: {  	[sflag:s31] =	ssyncset.done $0x0  }
0x68: {  	[sflag:s31] =	ssyncadd.s32 $0xFFFFC000  }
0x69: {  	_ =	swait.ge [sflag:s31], $0x4000  }
0x6a: {  	[sflag:s31] =	ssyncset.done $0x0  }
0x6b: {  	[sflag:s31] =	ssyncadd.s32 $0xFFFFC000  }
0x6c: {  	_ =	swait.ge [sflag:s31], $0x4000  }
0x6d: {  	[sflag:s31] =	ssyncset.done $0x0  }
0x6e: {  	[sflag:s31] =	ssyncadd.s32 $0xFFFFC000  }
0x6f: {  	_ =	swait.ge [sflag:s31], $0x4000  }
0x70: {  	[sflag:s31] =	ssyncset.done $0x0  }
0x71: {  	[sflag:s31] =	ssyncadd.s32 $0xFFFFC000  }
0x72: {  	_ =	swait.ge [sflag:s31], $0x4000;
	[dreg:$0x17] =	wrdreg s5  }
0x73: {  	[dreg:$0x18] =	wrdreg s6  }
0x74: {  	s30 =	simm.s32 $0x780;
	[dreg:$0x19] =	wrdreg s7  }
0x75: {  	s0 =	smov.u32 s5;
	s2 =	smov.u32 s7;
	[dreg:$0x1a] =	wrdreg s8  }
0x76: {  	s4 =	smov.u32 s9;
	[dreg:$0x1b] =	wrdreg s9;
	[sflag:s31] =	ssyncset.done $0x0  }
0x77: {  	s3 =	smov.u32 s8;
	[dreg:$0x1c] =	wrdreg s10;
	[sflag:s31] =	ssyncadd.s32 $0xFFFFC000  }
.LBB3_3:
0x78: {  	v4 =	vld [tilespmem:s0+$0x0];
	_ =	sdelay $0x2  }
0x79: {  	v5 =	vld [tilespmem:s6+$0x0];
	_ =	sdelay $0x1  }
0x7a: {  	v4 =	vadd.s32 s30, v4  }
0x7b: {  	(v2sf) =	vpush v4, $0x8  }
0x7c: {  	(v2sf) =	vpush v4, $0x0  }
0x7d: {  	v5 =	vadd.s32 s30, v5  }
0x7e: {  	(v2sf) =	vpush v5, $0x8  }
0x7f: {  	(v2sf) =	vpush v5, $0x0  }
0x80: {  	(v2sf) =	vpush v4, $0xC  }
0x81: {  	(v2sf) =	vpush v4, $0x4  }
0x82: {  	(v2sf) =	vpush v5, $0xC  }
0x83: {  	(v2sf) =	vpush v5, $0x4  }
0x84: {  	(v2sf) =	vpush v4, $0xA;
	_ =	sdelay $0x1  }
0x85: {  	(v2sf) =	vpush v4, $0x2  }
0x86: {  	(v2sf) =	vpush v5, $0xA  }
0x87: {  	(v2sf) =	vpush v5, $0x2;
	_ =	sdelay $0x1  }
0x88: {  	(v2sf) =	vpush v4, $0xE;
	s13 =	spop (v2sf)  }
0x89: {  	s1 =	spop (v2sf);
	v9 =	vld [tilespmem:s13+$0xC80]  }
0x8a: {  	(v2sf) =	vpush v4, $0x6;
	v6 =	vld [tilespmem:s1+$0x880]  }
0x8b: {  	s5 =	smov.u32 s4;
	s4 =	smov.u32 s3;
	(v2sf) =	vpush v5, $0xE;
	s12 =	spop (v2sf);
	v7 =	vld [tilespmem:s1+$0x8880]  }
0x8c: {  	s3 =	smov.u32 s2;
	s2 =	smov.u32 s0;
	(v2sf) =	vpush v5, $0x6;
	s0 =	spop (v2sf);
	v10 =	vld [tilespmem:s12+$0x4C80]  }
0x8d: {  	v8 =	vld [tilespmem:s0+$0x4880];
	s21 =	spop (v2sf)  }
0x8e: {  	(v2sf) =	vpush v4, $0x9;
	s8 =	spop (v2sf);
	v13 =	vld [tilespmem:s21+$0xE80]  }
0x8f: {  	s16 =	spop (v2sf);
	v11 =	vld [tilespmem:s8+$0xA80]  }
0x90: {  	s11 =	spop (v2sf);
	v14 =	vld [tilespmem:s16+$0x4E80]  }
0x91: {  	(v2sf) =	vpush v4, $0x1;
	v12 =	vld [tilespmem:s11+$0x4A80];
	s23 =	spop (v2sf)  }
0x92: {  	(v2sf) =	vpush v5, $0x9;
	v17 =	vld [tilespmem:s23+$0xD80]  }
0x93: {  	(v2sf) =	vpush v5, $0x1;
	v9 =	vmul.f32 v10, v9;
	s14 =	spop (v2sf);
	v8 =	vmul.f32 v8, v6;
	v6 =	vld [tilespmem:s13+$0x10C80]  }
0x94: {  	(v2sf) =	vpush v4, $0xD;
	s25 =	spop (v2sf);
	v15 =	vld [tilespmem:s14+$0x980]  }
0x95: {  	(v2sf) =	vpush v4, $0x5;
	v52 =	vperm.xlane v9, v0;
	s9 =	spop (v2sf);
	v18 =	vld [tilespmem:s25+$0x4D80]  }
0x96: {  	(v2sf) =	vpush v5, $0xD;
	v16 =	vld [tilespmem:s9+$0x4980]  }
0x97: {  	(v2sf) =	vpush v5, $0x5;
	v54 =	vperm.xlane v8, v0;
	s29 =	spop (v2sf);
	v56 =	vsel vm2, v8, v52;
	v8 =	vld [tilespmem:s12+$0x14C80]  }
0x98: {  	(v2sf) =	vpush v4, $0xB;
	v21 =	vld [tilespmem:s29+$0xF80]  }
0x99: {  	(v2sf) =	vpush v4, $0x3;
	s17 =	spop (v2sf);
	v36 =	vld [tilespmem:s29+$0x8F80]  }
0x9a: {  	(v2sf) =	vpush v5, $0xB;
	s18 =	spop (v2sf);
	v19 =	vld [tilespmem:s17+$0xB80]  }
0x9b: {  	(v2sf) =	vpush v5, $0x3;
	s31 =	spop (v2sf);
	v22 =	vld [tilespmem:s18+$0x4F80]  }
0x9c: {  	(v2sf) =	vpush v4, $0xF;
	v20 =	vld [tilespmem:s31+$0x4B80]  }
0x9d: {  	s20 =	spop (v2sf);
	(v2sf) =	vpush v4, $0x7;
	v4 =	vld [tilespmem:s1+$0x10880]  }
0x9e: {  	v34 =	vld [tilespmem:s31+$0xCB80]  }
0x9f: {  	v24 =	vld [tilespmem:s20+$0xD00]  }
0xa0: {  	v40 =	vmul.f32 v14, v13;
	s22 =	spop (v2sf);
	(v2sf) =	vpush v5, $0xF;
	v41 =	vmul.f32 v16, v15;
	v16 =	vld [tilespmem:s11+$0xCA80]  }
0xa1: {  	s24 =	spop (v2sf);
	(v2sf) =	vpush v5, $0x7;
	v5 =	vld [tilespmem:s22+$0x900]  }
0xa2: {  	v38 =	vmul.f32 v12, v11;
	v57 =	vperm.xlane v40, v0;
	v52 =	vld [tilespmem:s22+$0x8900]  }
0xa3: {  	v25 =	vld [tilespmem:s24+$0x4D00]  }
0xa4: {  	v10 =	vsel vm2, v38, v57;
	s28 =	spop (v2sf);
	v57 =	vld [tilespmem:s24+$0xCD00]  }
0xa5: {  	s26 =	spop (v2sf);
	v23 =	vld [tilespmem:s28+$0x4900]  }
0xa6: {  	s7 =	spop (v2sf);
	v28 =	vld [tilespmem:s26+$0xF00]  }
0xa7: {  	s19 =	spop (v2sf);
	v26 =	vld [tilespmem:s7+$0xB00]  }
0xa8: {  	s15 =	spop (v2sf);
	v29 =	vld [tilespmem:s19+$0x4F00]  }
0xa9: {  	v27 =	vld [tilespmem:s15+$0x4B00]  }
0xaa: {  	[smem:$0x7F4] =	sst s7;
	s7 =	spop (v2sf);
	v49 =	vmul.f32 v25, v24;
	v25 =	vld [tilespmem:s9+$0xC980]  }
0xab: {  	v32 =	vld [tilespmem:s7+$0xE00]  }
0xac: {  	v47 =	vmul.f32 v23, v5;
	v23 =	vld [tilespmem:s0+$0xC880]  }
0xad: {  	[smem:$0x7F6] =	sst s26;
	s26 =	spop (v2sf);
	v5 =	vld [tilespmem:s0+$0x14880]  }
0xae: {  	s0 =	smov.u32 s2;
	s2 =	smov.u32 s3;
	v30 =	vld [tilespmem:s26+$0xA00]  }
0xaf: {  	v44 =	vmul.f32 v20, v19;
	s3 =	smov.u32 s4;
	v20 =	vld [tilespmem:s2+$0x0]  }
0xb0: {  	v58 =	vperm.xlane v38, v0;
	v43 =	vmul.f32 v18, v17;
	[smem:$0x7F5] =	sst s15;
	s15 =	spop (v2sf);
	v63 =	vld [tilespmem:s3+$0x0]  }
0xb1: {  	[smem:$0x7F7] =	sst s26;
	s26 =	spop (v2sf);
	v33 =	vld [tilespmem:s15+$0x4E00]  }
0xb2: {  	v12 =	vsel vm2, v58, v40;
	v59 =	vperm.xlane v43, v0;
	v46 =	vmul.f32 v22, v21;
	v31 =	vld [tilespmem:s26+$0x4A00]  }
0xb3: {  	[dreg:$0x1e] =	wrdreg s6;
	v10 =	vadd.f32 v12, v10;
	v37 =	vperm.xlane v44, v0;
	v51 =	vmul.f32 v29, v28;
	v28 =	vld [tilespmem:s13+$0x8C80]  }
0xb4: {  	v9 =	vsel vm2, v54, v9;
	v60 =	vperm.xlane v41, v0;
	s6 =	smov.u32 s19;
	[smem:$0x7FD] =	sst s19;
	v50 =	vmul.f32 v27, v26;
	v27 =	vld [tilespmem:s21+$0x8E80];
	s19 =	spop (v2sf)  }
0xb5: {  	[dreg:$0x1f] =	wrdreg s10;
	v62 =	vperm.xlane v46, v0;
	v18 =	vsel vm2, v37, v46;
	v46 =	vperm.xlane v10, v1;
	s10 =	spop (v2sf);
	v45 =	vld [tilespmem:s19+$0x1000]  }
0xb6: {  	v9 =	vadd.f32 v9, v56;
	v38 =	vperm.xlane v49, v0;
	v40 =	vperm.xlane v51, v0;
	v39 =	vld [tilespmem:s10+$0xC00]  }
0xb7: {  	v61 =	vsel vm2, v41, v59;
	[smem:$0x7FA] =	sst s15;
	v23 =	vmul.f32 v23, v7;
	s15 =	spop (v2sf);
	v55 =	vmul.f32 v33, v32;
	v33 =	vld [tilespmem:s16+$0xCE80]  }
0xb8: {  	v15 =	vsel vm2, v60, v43;
	v4 =	vmul.f32 v5, v4;
	v41 =	vperm.xlane v50, v0;
	v48 =	vld [tilespmem:s15+$0x5000]  }
0xb9: {  	v13 =	vsel vm2, v44, v62;
	[smem:$0x7F9] =	sst s7;
	v20 =	vmul.f32 $1.442695020e+00, v20;
	s7 =	spop (v2sf);
	v53 =	vmul.f32 v31, v30;
	v30 =	vld [tilespmem:s12+$0xCC80]  }
0xba: {  	v63 =	vmul.f32 $1.442695020e+00, v63;
	v22 =	vsel vm2, v50, v40;
	v21 =	vsel vm2, v41, v51;
	v42 =	vld [tilespmem:s7+$0x4C00]  }
0xbb: {  	v62 =	vld [tilespmem:s6+$0xCF00];
	v5 =	vmul.f32 v8, v6;
	(erf) = vpow2.f32 v20;
	v21 =	vadd.f32 v21, v22  }
0xbc: {  	v12 =	vadd.f32 v15, v61;
	v31 =	vld [tilespmem:s8+$0x8A80];
	v32 =	vperm.xlane v55, v0;
	(erf) = vpow2.f32 v63  }
0xbd: {  	v13 =	vadd.f32 v18, v13;
	[smem:$0x7F8] =	sst s26;
	v22 =	vld [tilespmem:s25+$0xCD80];
	v50 =	vperm.xlane v21, v1;
	v27 =	vmul.f32 v33, v27  }
0xbe: {  	s26 =	sld [smem:$0x7F4];
	v43 =	vsel vm2, v53, v32;
	v32 =	vld [tilespmem:s23+$0x8D80];
	v17 =	vmul.f32 v48, v45;
	v48 =	vperm.xlane v9, v1  }
0xbf: {  	v24 =	vld [tilespmem:s8+$0x10A80];
	v19 =	vsel vm2, v47, v38;
	v28 =	vmul.f32 v30, v28;
	v11 =	vmul.f32 v42, v39  }
0xc0: {  	v38 =	vld [tilespmem:s18+$0xCF80];
	v9 =	vsel vm0, v9, v46;
	v39 =	vperm.xlane v47, v0;
	v42 =	vperm.xlane v53, v0  }
0xc1: {  	v58 =	vld [tilespmem:s26+$0x8B00];
	[smem:$0x7FB] =	sst s10;
	v16 =	vmul.f32 v16, v31;
	v44 =	vperm.xlane v17, v0;
	v10 =	vsel vm0, v48, v10  }
0xc2: {  	s10 =	smov.u32 s29;
	s29 =	sld [smem:$0x7F5];
	v47 =	vld [tilespmem:s17+$0x8B80];
	v15 =	vsel vm2, v39, v49;
	v18 =	vsel vm2, v42, v55;
	v45 =	vperm.xlane v11, v0  }
0xc3: {  	v46 =	vld [tilespmem:s7+$0xCC00];
	v49 =	vperm.xlane v13, v1;
	v9 =	vadd.f32 v10, v9;
	v22 =	vmul.f32 v22, v32  }
0xc4: {  	v55 =	vld [tilespmem:s20+$0x8D00];
	v15 =	vadd.f32 v15, v19;
	v18 =	vadd.f32 v18, v43;
	v11 =	vsel vm2, v11, v44  }
0xc5: {  	s6 =	sld [smem:$0x7FB];
	v39 =	vld [tilespmem:s29+$0xCB00];
	v17 =	vsel vm2, v45, v17;
	v29 =	vsel vm0, v12, v49;
	v12 =	vperm.xlane v12, v1  }
0xc6: {  	v53 =	vld [tilespmem:s28+$0xC900];
	v60 =	vperm.xlane v9, v2;
	v11 =	vadd.f32 v17, v11;
	v35 =	vperm.xlane v15, v1  }
0xc7: {  	[smem:$0x7FC] =	sst s24;
	v19 =	vld [tilespmem:s14+$0x8980];
	v37 =	vperm.xlane v18, v1;
	v15 =	vsel vm0, v15, v50;
	v26 =	vmul.f32 v34, v47  }
0xc8: {  	s1 =	sld [smem:$0x7F6];
	v45 =	vld [tilespmem:s6+$0x8C00];
	v47 =	vmul.f32 v38, v36;
	v50 =	vperm.xlane v28, v0;
	v12 =	vsel vm0, v12, v13  }
0xc9: {  	s24 =	sld [smem:$0x7F8];
	v48 =	vld [tilespmem:s19+$0x9000];
	v51 =	vperm.xlane v11, v1;
	v56 =	vadd.f32 v12, v29;
	v12 =	vmul.f32 v57, v55  }
0xca: {  	s12 =	sld [smem:$0x7F9];
	v49 =	vld [tilespmem:s15+$0xD000];
	v21 =	vsel vm0, v35, v21;
	v29 =	vmul.f32 v39, v58;
	v55 =	vperm.xlane v22, v0  }
0xcb: {  	s4 =	smov.u32 s5;
	v61 =	vld [tilespmem:s1+$0x8F00];
	s5 =	sld [smem:$0x7FA];
	v11 =	vsel vm0, v37, v11;
	v57 =	vperm.xlane v47, v0;
	v58 =	vperm.xlane v26, v0  }
0xcc: {  	s13 =	sld [smem:$0x7F7];
	v41 =	vld [tilespmem:s24+$0xCA00];
	v54 =	vadd.f32 v21, v15;
	v19 =	vmul.f32 v25, v19;
	v59 =	vperm.xlane v56, v2  }
0xcd: {  	v43 =	vld [tilespmem:s12+$0x8E00];
	v17 =	vsel vm0, v18, v51;
	v18 =	vmul.f32 v53, v52;
	v25 =	vmul.f32 v46, v45  }
0xce: {  	v44 =	vld [tilespmem:s5+$0xCE00];
	v10 =	vsel vm1, v60, v56;
	v51 =	vperm.xlane v23, v0;
	v52 =	vperm.xlane v27, v0  }
0xcf: {  	v37 =	vld [tilespmem:s13+$0x8A00];
	v53 =	vmul.f32 v49, v48;
	v23 =	vsel vm2, v23, v50;
	v11 =	vadd.f32 v11, v17  }
0xd0: {  	v33 =	vld [tilespmem:s16+$0x14E80];
	v21 =	vperm.xlane v54, v2;
	v56 =	vperm.xlane v19, v0;
	v19 =	vsel vm2, v19, v55  }
0xd1: {  	v30 =	vld [tilespmem:s31+$0x14B80];
	v9 =	vsel vm1, v9, v59;
	v59 =	vperm.xlane v12, v0;
	v60 =	vperm.xlane v18, v0  }
0xd2: {  	v32 =	vld [tilespmem:s9+$0x14980];
	v20 =	vsel vm2, v51, v28;
	v45 =	vperm.xlane v53, v0;
	v46 =	vperm.xlane v25, v0  }
0xd3: {  	v36 =	vld [tilespmem:s14+$0x10980];
	v17 =	vperm.xlane v11, v2;
	v11 =	vsel vm1, v21, v11;
	v9 =	vadd.f32 v10, v9  }
0xd4: {  	v34 =	vld [tilespmem:s25+$0x14D80];
	v14 =	vmul.f32 v41, v37;
	v10 =	vmul.f32 v44, v43;
	v22 =	vsel vm2, v56, v22  }
0xd5: {  	v28 =	vld [tilespmem:s23+$0x10D80];
	v20 =	vadd.f32 v20, v23;
	v19 =	vadd.f32 v22, v19;
	v18 =	vsel vm2, v18, v59  }
0xd6: {  	v21 =	vld [tilespmem:s21+$0x10E80];
	v12 =	vsel vm2, v60, v12;
	v13 =	vsel vm1, v54, v17;
	v42 =	vperm.xlane v9, v3  }
0xd7: {  	v43 =	vld [tilespmem:s4+$0x0];
	v54 =	vperm.xlane v16, v0;
	v16 =	vsel vm2, v16, v52;
	v44 =	vperm.xlane v14, v0  }
0xd8: {  	v23 =	vld [tilespmem:s17+$0x10B80];
	v49 =	vperm.xlane v20, v1;
	v11 =	vadd.f32 v11, v13;
	v13 =	vmul.f32 v62, v61  }
0xd9: {  	v35 =	vld [tilespmem:s22+$0x10900];
	v12 =	vadd.f32 v12, v18;
	v62 =	vperm.xlane v29, v0;
	v55 =	vperm.xlane v19, v1  }
0xda: {  	v39 =	vld [tilespmem:s28+$0x14900];
	v15 =	vsel vm2, v54, v27;
	v27 =	vsel vm2, v58, v47;
	v47 =	vsel vm2, v25, v45  }
0xdb: {  	v50 =	vld [tilespmem:s26+$0x10B00];
	v41 =	vmul.f32 v34, v28;
	v40 =	vperm.xlane v11, v3;
	v15 =	vadd.f32 v15, v16  }
0xdc: {  	s28 =	sld [smem:$0x7FD];
	v17 =	vld [tilespmem:s11+$0x14A80];
	v16 =	vsel vm2, v26, v57;
	v61 =	vperm.xlane v13, v0;
	v51 =	vmul.f32 $1.442695020e+00, v43  }
0xdd: {  	v52 =	vld [tilespmem:s29+$0x14B00];
	v13 =	vsel vm2, v62, v13;
	v62 =	vmul.f32 v33, v21;
	v23 =	vmul.f32 v30, v23  }
0xde: {  	v37 =	vld [tilespmem:s18+$0x14F80];
	v16 =	vadd.f32 v27, v16;
	v7 =	vsel vm3, v9, v40;
	v9 =	vsel vm3, v42, v11  }
0xdf: {  	v56 =	vld [tilespmem:s28+$0x14F00];
	v63 =	vsel vm2, v29, v61;
	v42 =	vperm.xlane v10, v0;
	v10 =	vsel vm2, v44, v10  }
0xe0: {  	v54 =	vld [tilespmem:s1+$0x10F00];
	v11 =	vsel vm2, v46, v53;
	v48 =	vperm.xlane v15, v1;
	(erf) = vpow2.f32 v51  }
0xe1: {  	v60 =	vld [tilespmem:s24+$0x14A00];
	v15 =	vsel vm0, v49, v15;
	v17 =	vmul.f32 v17, v24;
	v61 =	vperm.xlane v12, v1  }
0xe2: {  	s25 =	sld [smem:$0x7FC];
	v26 =	vld [tilespmem:s10+$0x10F80];
	v40 =	vmul.f32 v32, v36;
	v22 =	vmul.f32 v52, v50;
	v13 =	vadd.f32 v13, v63  }
0xe3: {  	v57 =	vld [tilespmem:s13+$0x10A00];
	v36 =	vpop (erf);
	v11 =	vadd.f32 v11, v47;
	v53 =	vperm.xlane v16, v1;
	v58 =	vsel vm0, v55, v16  }
0xe4: {  	v47 =	vmul.f32 v39, v35;
	v55 =	vperm.xlane v4, v0;
	v38 =	vadd.f32 $0.0e+00, v36  }
0xe5: {  	v25 =	vld [tilespmem:s25+$0x14D00];
	v14 =	vsel vm2, v14, v42;
	v18 =	vsel vm0, v20, v48;
	v51 =	vmul.f32 v56, v54  }
0xe6: {  	v27 =	vld [tilespmem:s20+$0x10D00];
	v54 =	vperm.xlane v5, v0;
	v32 =	vperm.xlane v22, v0;
	v10 =	vadd.f32 v10, v14  }
0xe7: {  	v15 =	vadd.f32 v15, v18;
	v59 =	vperm.xlane v13, v1;
	v43 =	vperm.xlane v11, v1  }
0xe8: {  	v44 =	vld [tilespmem:s6+$0x10C00];
	v19 =	vsel vm0, v19, v53;
	v26 =	vmul.f32 v37, v26;
	v6 =	vmul.f32 v60, v57  }
0xe9: {  	v46 =	vld [tilespmem:s7+$0x14C00];
	v13 =	vsel vm0, v61, v13;
	v57 =	vperm.xlane v62, v0;
	v60 =	vperm.xlane v41, v0  }
0xea: {  	v5 =	vsel vm2, v55, v5;
	v61 =	vperm.xlane v40, v0;
	v28 =	vperm.xlane v47, v0  }
0xeb: {  	v50 =	vld [tilespmem:s15+$0x15000];
	v8 =	vadd.f32 v58, v19;
	v25 =	vmul.f32 v25, v27;
	v4 =	vsel vm2, v4, v54  }
0xec: {  	v63 =	vld [tilespmem:s12+$0x10E00];
	v58 =	vperm.xlane v17, v0;
	v31 =	vperm.xlane v51, v0;
	v12 =	vsel vm0, v12, v59  }
0xed: {  	v42 =	vld [tilespmem:s5+$0x14E00];
	v45 =	vperm.xlane v10, v1;
	v10 =	vsel vm0, v10, v43;
	v52 =	vperm.xlane v15, v2  }
0xee: {  	v48 =	vld [tilespmem:s19+$0x11000];
	v56 =	vmul.f32 v46, v44;
	v4 =	vadd.f32 v5, v4;
	v5 =	vsel vm2, v17, v57  }
0xef: {  	v16 =	vsel vm2, v40, v60;
	v24 =	vsel vm2, v61, v41;
	v35 =	vperm.xlane v6, v0  }
0xf0: {  	v12 =	vadd.f32 v13, v12;
	v49 =	vperm.xlane v8, v2;
	v14 =	vsel vm2, v58, v62  }
0xf1: {  	v62 =	vperm.xlane v26, v0;
	v27 =	vperm.xlane v25, v0;
	v16 =	vadd.f32 v24, v16  }
0xf2: {  	v30 =	vsel vm2, v28, v25;
	v20 =	vsel vm2, v22, v31;
	v11 =	vsel vm0, v45, v11  }
0xf3: {  	v53 =	vmul.f32 v42, v63;
	v8 =	vsel vm1, v52, v8;
	v59 =	vmul.f32 v50, v48  }
0xf4: {  	v5 =	vadd.f32 v14, v5;
	v63 =	vperm.xlane v23, v0;
	v39 =	vperm.xlane v56, v0  }
0xf5: {  	v41 =	vperm.xlane v4, v1;
	v10 =	vadd.f32 v11, v10;
	v13 =	vsel vm1, v15, v49  }
0xf6: {  	v14 =	vsel vm2, v23, v62;
	v29 =	vsel vm2, v47, v27;
	v11 =	vsel vm2, v32, v51  }
0xf7: {  	v43 =	vperm.xlane v16, v1;
	v8 =	vadd.f32 v8, v13;
	v21 =	vsel vm2, v63, v26  }
0xf8: {  	v17 =	vadd.f32 v30, v29;
	v34 =	vperm.xlane v53, v0;
	v11 =	vadd.f32 v11, v20  }
0xf9: {  	v37 =	vperm.xlane v59, v0;
	v15 =	vsel vm2, v35, v53;
	v18 =	vsel vm2, v39, v59  }
0xfa: {  	v40 =	vperm.xlane v5, v1;
	v5 =	vsel vm0, v41, v5;
	v59 =	vadd.f32 v9, v7  }
0xfb: {  	v14 =	vadd.f32 v21, v14;
	v33 =	vperm.xlane v10, v2;
	v6 =	vsel vm2, v6, v34  }
0xfc: {  	v49 =	vpop (erf);
	v13 =	vsel vm2, v56, v37;
	v4 =	vsel vm0, v4, v40;
	v44 =	vperm.xlane v11, v1  }
0xfd: {  	v45 =	vperm.xlane v17, v1;
	v52 =	vadd.f32 v49, v38;
	v58 =	vperm.xlane v8, v3  }
0xfe: {  	v23 =	vsel vm1, v12, v33;
	v6 =	vadd.f32 v15, v6;
	v13 =	vadd.f32 v18, v13  }
0xff: {  	v12 =	vperm.xlane v12, v2;
	v42 =	vperm.xlane v14, v1;
	v14 =	vsel vm0, v43, v14  }
0x100: {  	v4 =	vadd.f32 v5, v4;
	v46 =	vperm.xlane v13, v1;
	v47 =	vperm.xlane v6, v1  }
0x101: {  	v48 =	vsel vm0, v17, v44;
	v11 =	vsel vm0, v45, v11;
	v15 =	vsel vm0, v16, v42  }
0x102: {  	v5 =	vadd.f32 v14, v15;
	v6 =	vsel vm0, v6, v46;
	v13 =	vsel vm0, v47, v13  }
0x103: {  	v10 =	vsel vm1, v12, v10;
	v11 =	vadd.f32 v11, v48;
	v6 =	vadd.f32 v13, v6  }
0x104: {  	v56 =	vpop (erf);
	v51 =	vperm.xlane v4, v2;
	v10 =	vadd.f32 v10, v23;
	v50 =	vperm.xlane v5, v2  }
0x105: {  	v57 =	vadd.f32 v56, v52;
	v54 =	vperm.xlane v11, v2;
	v53 =	vperm.xlane v6, v2  }
0x106: {  	v55 =	vperm.xlane v10, v3;
	v5 =	vsel vm1, v51, v5;
	v4 =	vsel vm1, v4, v50  }
0x107: {  	v6 =	vsel vm1, v54, v6;
	v4 =	vadd.f32 v5, v4;
	v11 =	vsel vm1, v11, v53  }
0x108: {  	v61 =	vsel vm3, v58, v10;
	v60 =	vsel vm3, v8, v55;
	v5 =	vadd.f32 v6, v11  }
0x109: {  	(erf) = vrcp.f32 v57;
	v7 =	vadd.f32 v61, v60;
	v63 =	vperm.xlane v4, v3  }
0x10a: {  	v6 =	vmul.f32 v59, v36;
	v62 =	vperm.xlane v5, v3  }
0x10b: {  	v7 =	vmul.f32 v7, v49  }
0x10c: {  	v5 =	vsel vm3, v63, v5;
	v6 =	vadd.f32 $0.0e+00, v6;
	v4 =	vsel vm3, v4, v62  }
0x10d: {  	v4 =	vadd.f32 v5, v4  }
0x10e: {  	v5 =	vadd.f32 v7, v6  }
0x10f: {  	v4 =	vmul.f32 v4, v56  }
0x110: {  	p0 =	sne.s32 s30, $0x3F80  }
.Ltmp0:
0x111: {  	v4 =	vadd.f32 v4, v5;
	(pc) =	sbr.rel @p0 .LBB3_3-.Ltmp0, $4  }
0x112: {  	v5 =	vpop (erf)  }
0x113: {  	s30 =	sadd.s32 $0x800, s30;
	s3 =	sadd.s32 $0x10, s3;
	s31 =	rddreg [dreg:$0x1f];
	v4 =	vmul.f32 v4, v5  }
0x114: {  	s2 =	sadd.s32 $0x10, s2;
	s0 =	sadd.s32 $0x10, s0;
	s29 =	rddreg [dreg:$0x1e]  }
0x115: {  	s4 =	sadd.s32 $0x10, s4;
	s10 =	sadd.s32 $0x10, s31;
	s6 =	sadd.s32 $0x10, s29;
	[tilespmem:s31+$0x0] =	vst v4  }
0x116: {  	s0 =	rddreg [dreg:$0x1d]  }
0x117: {  	s10 =	rddreg [dreg:$0x1c]  }
0x118: {  	s9 =	rddreg [dreg:$0x1b];
	s0 =	sadd.s32 $0x1, s0  }
0x119: {  	s8 =	rddreg [dreg:$0x1a];
	p0 =	sne.s32 s0, $0x4  }
.Ltmp1:
0x11a: {  	s7 =	rddreg [dreg:$0x19];
	(pc) =	sbr.rel @p0 .LBB3_2-.Ltmp1, $4  }
0x11b: {  	s6 =	rddreg [dreg:$0x18]  }
0x11c: {  	s5 =	rddreg [dreg:$0x17]  }
0x11d: {  	s10 =	sadd.s32 $0x80, s10;
	s9 =	sadd.s32 $0x80, s9;
	s8 =	sadd.s32 $0x80, s8  }
0x11e: {  	s7 =	sadd.s32 $0x80, s7;
	s6 =	sadd.s32 $0x80, s6;
	s5 =	sadd.s32 $0x80, s5  }
0x11f: {  	s10 =	simm.s32 $0x0;
	s0 =	rddreg [dreg:$0x14];
	s1 =	simm.s32 $0x19000  }
0x120: {  	[hbm4b:s0+s10] =	stream.linear.scatter [tilespmem:s1], [sflag:$0x3], $0x200, $0x38;
	[tilespmem:$0x19200] =	vst v63  }
0x121: {  	s1 =	simm.s32 $0x3  }
0x122: {  	_ =	swait.ge [sflag:s1], $0x200  }
0x123: {  	s2 =	rddreg [dreg:$0x16]  }
0x124: {  	s31 =	rddreg [dreg:$0x15];
	s2 =	sadd.s32 $0x1, s2  }
0x125: {  	p0 =	sne.s32 s2, s31  }
.Ltmp2:
0x126: {  	_ = 	snop;
	(pc) =	sbr.rel @p0 .LBB3_1-.Ltmp2, $3  }
0x127: {  	_ =	sdelay $0x1  }
0x128: {  	[sflag:s1] =	ssyncset.done $0x0  }
0x129: {  	[sflag:s1] =	ssyncadd.s32 $0xFFFFFE00  }
0x12a: {  	_ =	sfence.sel $0x180000  }
0x12b: {  	[bflag:$0x0] =	sbarrier.arrive $0xFFFF  }
0x12c: {  	_ =	strace $0x90000047  }
0x12d: {  	s0 =	stileid.u32;
	[bflag:$0x2] =	sbarrier.arrive $0xFFFF  }
0x12e: {  	p0 =	sne.s32 s0, $0x0;
	s0 =	rddreg [dreg:$0xe]  }
0x12f: {  	s0 =	sadd.s32 @!p0 $0x100000, s0  }
0x130: {  	[sflag:s0] =	ssyncadd.tile.s32 @!p0 $0x1;
	_ =	shalt  }
.Lfunc_end3:
_tile_overlayer_lowered:
.L_overlay_start_3:
0x131: {  	(tag) =	ssettag $0x3  }
0x132: {  	s0 =	rddreg [dreg:$0x0];
	s2 =	stileid.u32  }
0x133: {  	s1 =	rddreg [dreg:$0x1];
	p0 =	sne.s32 s2, $0x0  }
0x134: {  	s3 =	rddreg [dreg:$0x2];
	[bflag:$0x3] =	sbarrier.arrive $0xFFFF;
	s2 =	simm.s32 @!p0 $0x1C03  }
0x135: {  	[timem:s3], [sflag:s2] =	dma.local @!p0 [hbm:s0], s1  }
0x136: {  	s0 =	simm.s32 @!p0 $0x3  }
0x137: {  	_ =	swait.ge @!p0 [sflag:s0], s1  }
0x138: {  	s1 =	ssub.s32 @!p0 $0x0, s1;
	[sflag:s0] =	ssyncset.done @!p0 $0x0  }
0x139: {  	[sflag:s0] =	ssyncadd.s32 @!p0 s1  }
0x13a: {  	[bflag:$0x3] =	sbarrier.arrive $0xFFFF  }
0x13b: {  	_ =	shalt  }

</sc_bundles>
